<compile_context>
chip_gen: v7x
topology: tpu7x:2x2x1
jax: 0.10.2.dev20260603
libtpu: 0.0.44.dev20260713+nightly
codegen_flags: <defaults>
</compile_context>

<pallas_src>
import functools

import jax
import jax.numpy as jnp
from jax import lax
from jax.experimental import pallas as pl
from jax.experimental.pallas import tpu as pltpu
from jax.experimental.pallas import tpu_sc as plsc


def _argmax_body(x_ref, o_ref):
    o_ref[...] = jnp.argmax(x_ref[...], axis=1).astype(jnp.int32)[:, None]


def _row_argmax(x):
    n, d = x.shape
    out = pl.pallas_call(
        _argmax_body,
        out_shape=jax.ShapeDtypeStruct((n, 1), jnp.int32),
    )(x)
    return out[:, 0]


@functools.lru_cache(maxsize=None)
def _edge_kernel(n_nodes, e_total, d):
    info = plsc.get_sparse_core_info()
    nc, ns, lanes = info.num_cores, info.num_subcores, info.num_lanes
    nw = nc * ns
    ch1 = e_total // ns
    ch2 = e_total // nw
    s = ch2
    rows_per_tile = d // ns
    mesh = plsc.VectorSubcoreMesh(core_axis_name="c", subcore_axis_name="s")

    @functools.partial(
        pl.kernel,
        mesh=mesh,
        compiler_params=pltpu.CompilerParams(
            needs_layout_passes=False,
            disable_bounds_checks=True,
            disable_semaphore_checks=True,
        ),
        out_type=[
            jax.ShapeDtypeStruct((e_total,), jnp.float32),
            jax.ShapeDtypeStruct((e_total,), jnp.float32),
        ],
        scratch_types=[
            pltpu.VMEM((n_nodes,), jnp.int32),
            pltpu.VMEM((s,), jnp.int32),
            pltpu.VMEM((s,), jnp.int32),
            pltpu.VMEM((s,), jnp.int32),
            pltpu.VMEM((s,), jnp.int32),
            pltpu.VMEM((2 * s,), jnp.int32),
            pltpu.VMEM((s,), jnp.int32),
            pltpu.VMEM((d, d), jnp.float32),
            pltpu.VMEM((rows_per_tile, d), jnp.float32),
            pltpu.VMEM((rows_per_tile, d), jnp.float32),
            pltpu.VMEM((s,), jnp.float32),
            pltpu.VMEM((s,), jnp.float32),
            pltpu.VMEM((d,), jnp.int32),
            pltpu.VMEM_SHARED((d, d), jnp.float32),
            pltpu.VMEM_SHARED((n_nodes,), jnp.int32),
        ] + [pltpu.SemaphoreType.DMA] * 8,
    )
    def k(a_hbm, src_hbm, dst_hbm, nd_hbm, cube_hbm,
          pos_hbm, neg_hbm,
          a_v, sb0, db0, sb1, db1, ib2, n2b, table_v, t8, c8,
          pos_v, neg_v, row_ids, shared, a_sh,
          sem_a, sem_s0, sem_d0, sem_s1, sem_d1, sem_n2,
          sem_c8, sem_m):
        cid = lax.axis_index("c")
        sid = lax.axis_index("s")
        wid = sid * nc + cid
        one16 = jnp.full((lanes,), 1.0, jnp.float32)
        base1 = sid * ch1
        base2 = wid * ch2
        row0 = sid * rows_per_tile

        @pl.when(sid == 0)
        def _():
            pltpu.async_copy(a_hbm, a_sh, sem_a)
        cp_s0 = pltpu.async_copy(src_hbm.at[pl.ds(base1, s)], sb0, sem_s0)
        cp_d0 = pltpu.async_copy(dst_hbm.at[pl.ds(base1, s)], db0, sem_d0)

        zero16 = jnp.zeros((lanes,), jnp.float32)

        @plsc.parallel_loop(0, d * d, lanes, unroll=8)
        def _(o):
            table_v[o // d, pl.ds(o % d, lanes)] = zero16

        @pl.when(sid == 1)
        def _():
            pltpu.sync_copy(table_v, shared)

        for r8 in range(d // lanes):
            row_ids[pl.ds(r8 * lanes, lanes)] = (
                lax.iota(jnp.int32, lanes) + r8 * lanes)

        @pl.when(sid == 0)
        def _():
            pltpu.make_async_copy(a_hbm, a_sh, sem_a).wait()
        plsc.subcore_barrier()
        pltpu.sync_copy(a_sh, a_v)
        cp_s0.wait()
        cp_d0.wait()
        cp_s1 = pltpu.async_copy(src_hbm.at[pl.ds(base1 + s, s)], sb1, sem_s1)
        cp_d1 = pltpu.async_copy(dst_hbm.at[pl.ds(base1 + s, s)], db1, sem_d1)
        cp_n2 = pltpu.async_copy(nd_hbm.at[pl.ds(base2, ch2)], n2b, sem_n2)
        cp_c8 = pltpu.async_copy(
            cube_hbm.at[pl.ds(row0, rows_per_tile)], c8, sem_c8)
        for st, (sb, db, cps, cpd) in enumerate(
                ((sb0, db0, None, None), (sb1, db1, cp_s1, cp_d1))):
            if cps is not None:
                cps.wait()
                cpd.wait()

            off = st * s

            @plsc.parallel_loop(0, s, lanes, unroll=10)
            def _(o):
                s16 = sb[pl.ds(o, lanes)]
                d16 = db[pl.ds(o, lanes)]
                i16 = plsc.load_gather(a_v, [s16])
                j16 = plsc.load_gather(a_v, [d16])
                plsc.store_scatter(table_v, [i16, j16], one16)
                ib2[pl.ds(off + o, lanes)] = i16

        plsc.subcore_barrier()
        cp_merge = pltpu.async_copy(
            table_v, shared.at[row_ids], sem_m, add=True)

        cp_n2.wait()

        @plsc.parallel_loop(0, ch2, lanes, unroll=25)
        def _(o):
            n16 = n2b[pl.ds(o, lanes)]
            n2b[pl.ds(o, lanes)] = plsc.load_gather(a_v, [n16])

        cp_merge.wait()
        plsc.subcore_barrier()

        pltpu.sync_copy(shared.at[pl.ds(row0, rows_per_tile)], t8)
        cp_c8.wait()
        for r in range(rows_per_tile):
            for c in range(d // lanes):
                sl = pl.ds(c * lanes, lanes)
                hit = t8[r, sl]
                t8[r, sl] = jnp.where(hit > 0.0, 1.0, c8[r, sl])
        pltpu.sync_copy(t8, shared.at[pl.ds(row0, rows_per_tile)])
        plsc.subcore_barrier()
        pltpu.sync_copy(shared, table_v)

        ioff = cid * s

        @plsc.parallel_loop(0, ch2, lanes, unroll=25)
        def _(o):
            i16 = ib2[pl.ds(ioff + o, lanes)]
            jn16 = n2b[pl.ds(o, lanes)]
            neg_v[pl.ds(o, lanes)] = plsc.load_gather(table_v, [i16, jn16])
            pos_v[pl.ds(o, lanes)] = one16

        pltpu.sync_copy(pos_v, pos_hbm.at[pl.ds(base2, ch2)])
        pltpu.sync_copy(neg_v, neg_hbm.at[pl.ds(base2, ch2)])

    return k


def kernel(x, cube, src, dst, neg_dst):
    n, d = x.shape
    e = src.shape[0]
    a = _row_argmax(x)
    edge_k = _edge_kernel(n, e, d)
    pos, neg = edge_k(
        a,
        src.astype(jnp.int32),
        dst.astype(jnp.int32),
        neg_dst.astype(jnp.int32),
        cube.reshape(d, d),
    )
    return (pos[:, None], neg[:, None])

# --- scband reference (transcript-rebuilt; emitter-appended) ---
"""Pipeline reference for scband-edge-bank-52819507806806 (READ-ONLY COPY).

The authoritative reference and input builder live on the scoring server;
editing this copy changes nothing except your own understanding.
"""

import jax, jax.numpy as jnp
import numpy as np

N, D, E = 10000, 128, 320000

def setup_inputs(seed: int = 0) -> dict:
    key = jax.random.key(seed)
    k1, k2, k3, k4 = jax.random.split(key, 4)
    x = jax.random.normal(k1, (N, D), dtype=jnp.float32)
    cube = jnp.zeros((D, D, 1), dtype=jnp.float32)
    src = jax.random.randint(k2, (E,), 0, N)
    dst = jax.random.randint(k3, (E,), 0, N)
    neg_dst = jax.random.randint(k4, (E,), 0, N)
    return {"x": x, "cube": cube, "src": src, "dst": dst, "neg_dst": neg_dst}

def reference(x, cube, src, dst, neg_dst):
    # EdgeBank.forward with include_edge=False (k == 0)
    h_src = jnp.take(x, src, axis=0)
    h_pos_dst = jnp.take(x, dst, axis=0)
    i = jnp.argmax(h_src, axis=1)
    j = jnp.argmax(h_pos_dst, axis=1)
    k = jnp.zeros_like(i)
    # training-mode in-place write: cube[i, j, k] = 1 (scatter-overwrite)
    cube = cube.at[i, j, k].set(1.0)
    pos = cube[i, j, k]
    h_neg_dst = jnp.take(x, neg_dst, axis=0)
    j_neg = jnp.argmax(h_neg_dst, axis=1)
    neg = cube[i, j_neg, k]
    return (pos[:, None], neg[:, None])

if __name__ == "__main__":
    import jax
    _d = setup_inputs()
    print(jax.jit(kernel)(*tuple(_d.values())))

</pallas_src>

<mosaic_0001>
#map = affine_map<(d0, d1) -> (0)>
#map1 = affine_map<(d0, d1) -> (0, 0)>
module attributes {stable_mosaic.version = 14 : i64} {
  func.func @k(%arg0: i32, %arg1: i32, %arg2: memref<10000xi32, #tpu.memory_space<hbm>>, %arg3: memref<320000xi32, #tpu.memory_space<hbm>>, %arg4: memref<320000xi32, #tpu.memory_space<hbm>>, %arg5: memref<320000xi32, #tpu.memory_space<hbm>>, %arg6: memref<128x128xf32, #tpu.memory_space<hbm>>, %arg7: memref<320000xf32, #tpu.memory_space<hbm>>, %arg8: memref<320000xf32, #tpu.memory_space<hbm>>, %arg9: memref<10000xi32, #tpu.memory_space<vmem>>, %arg10: memref<10000xi32, #tpu.memory_space<vmem>>, %arg11: memref<10000xi32, #tpu.memory_space<vmem>>, %arg12: memref<10000xi32, #tpu.memory_space<vmem>>, %arg13: memref<10000xi32, #tpu.memory_space<vmem>>, %arg14: memref<20000xi32, #tpu.memory_space<vmem>>, %arg15: memref<10000xi32, #tpu.memory_space<vmem>>, %arg16: memref<128x128xf32, #tpu.memory_space<vmem>>, %arg17: memref<8x128xf32, #tpu.memory_space<vmem>>, %arg18: memref<8x128xf32, #tpu.memory_space<vmem>>, %arg19: memref<10000xf32, #tpu.memory_space<vmem>>, %arg20: memref<10000xf32, #tpu.memory_space<vmem>>, %arg21: memref<128xi32, #tpu.memory_space<vmem>>, %arg22: memref<128x128xf32, #tpu.memory_space<vmem_shared>>, %arg23: memref<10000xi32, #tpu.memory_space<vmem_shared>>, %arg24: memref<!tpu.dma_semaphore, #tpu.memory_space<semaphore_mem>>, %arg25: memref<!tpu.dma_semaphore, #tpu.memory_space<semaphore_mem>>, %arg26: memref<!tpu.dma_semaphore, #tpu.memory_space<semaphore_mem>>, %arg27: memref<!tpu.dma_semaphore, #tpu.memory_space<semaphore_mem>>, %arg28: memref<!tpu.dma_semaphore, #tpu.memory_space<semaphore_mem>>, %arg29: memref<!tpu.dma_semaphore, #tpu.memory_space<semaphore_mem>>, %arg30: memref<!tpu.dma_semaphore, #tpu.memory_space<semaphore_mem>>, %arg31: memref<!tpu.dma_semaphore, #tpu.memory_space<semaphore_mem>>) attributes {dimension_semantics = [#tpu.dimension_semantics<core_parallel>, #tpu.dimension_semantics<subcore_parallel>], iteration_bounds = array<i64: 2, 16>, scalar_prefetch = 0 : i64, scratch_operands = 23 : i64, tpu.core_type = #tpu.core_type<sc_vector_subcore>, window_params = [{transform_indices = #map}, {transform_indices = #map}, {transform_indices = #map}, {transform_indices = #map}, {transform_indices = #map1}, {transform_indices = #map}, {transform_indices = #map}]} {
    %mul3A = arith.constant 2 : i32
    %mul3A_0 = arith.muli %arg1, %mul3A : i32
    %add3A = arith.addi %mul3A_0, %arg0 : i32
    %broadcast_in_dim3A = arith.constant 1.000000e+00 : f32
    %broadcast_in_dim3A_1 = vector.broadcast %broadcast_in_dim3A : f32 to vector<16xf32>
    %mul3A_2 = arith.constant 20000 : i32
    %mul3A_3 = arith.muli %arg1, %mul3A_2 : i32
    %mul3A_4 = arith.constant 10000 : i32
    %mul3A_5 = arith.muli %add3A, %mul3A_4 : i32
    %mul3A_6 = arith.constant 8 : i32
    %mul3A_7 = arith.muli %arg1, %mul3A_6 : i32
    %eq3A = arith.constant 0 : i32
    %eq3A_8 = arith.cmpi eq, %arg1, %eq3A : i32
    %convert_element_type3A = arith.extui %eq3A_8 : i1 to i32
    %cond3A = arith.constant 0 : i32
    %cond3A_9 = arith.cmpi ne, %convert_element_type3A, %cond3A : i32
    scf.if %cond3A_9 {
      tpu.enqueue_dma source(%arg2 : memref<10000xi32, #tpu.memory_space<hbm>>) target(%arg23 : memref<10000xi32, #tpu.memory_space<vmem_shared>>) target_semaphore(%arg24 : memref<!tpu.dma_semaphore, #tpu.memory_space<semaphore_mem>>)
    } else {
    }
    %dma_start3A = tpu.memref_slice %arg3[%mul3A_3] : memref<320000xi32, #tpu.memory_space<hbm>> -> memref<10000xi32, #tpu.memory_space<hbm>>
    %dma_start3A_10 = tpu.memref_slice %arg3[%mul3A_3] : memref<320000xi32, #tpu.memory_space<hbm>> -> memref<10000xi32, #tpu.memory_space<hbm>>
    tpu.enqueue_dma source(%dma_start3A_10 : memref<10000xi32, #tpu.memory_space<hbm>>) target(%arg10 : memref<10000xi32, #tpu.memory_space<vmem>>) target_semaphore(%arg25 : memref<!tpu.dma_semaphore, #tpu.memory_space<semaphore_mem>>)
    %dma_start3A_11 = tpu.memref_slice %arg4[%mul3A_3] : memref<320000xi32, #tpu.memory_space<hbm>> -> memref<10000xi32, #tpu.memory_space<hbm>>
    %dma_start3A_12 = tpu.memref_slice %arg4[%mul3A_3] : memref<320000xi32, #tpu.memory_space<hbm>> -> memref<10000xi32, #tpu.memory_space<hbm>>
    tpu.enqueue_dma source(%dma_start3A_12 : memref<10000xi32, #tpu.memory_space<hbm>>) target(%arg11 : memref<10000xi32, #tpu.memory_space<vmem>>) target_semaphore(%arg26 : memref<!tpu.dma_semaphore, #tpu.memory_space<semaphore_mem>>)
    %broadcast_in_dim3A_13 = arith.constant 0.000000e+00 : f32
    %broadcast_in_dim3A_14 = vector.broadcast %broadcast_in_dim3A_13 : f32 to vector<16xf32>
    %parallel_loop3A = arith.constant 0 : i32
    %parallel_loop3A_15 = arith.constant 16384 : i32
    %parallel_loop3A_16 = arith.constant 16 : i32
    scf.for %parallel_loop3A_1271 = %parallel_loop3A to %parallel_loop3A_15 step %parallel_loop3A_16  : i32 {
      %parallel_loop3A_1272 = arith.constant 128 : i32
      %parallel_loop3A_1273 = arith.divsi %parallel_loop3A_1271, %parallel_loop3A_1272 : i32
      %parallel_loop3A_1274 = arith.constant 0 : i32
      %parallel_loop3A_1275 = arith.cmpi sgt, %parallel_loop3A_1271, %parallel_loop3A_1274 : i32
      %parallel_loop3A_1276 = arith.extui %parallel_loop3A_1275 : i1 to i32
      %parallel_loop3A_1277 = arith.constant 0 : i32
      %parallel_loop3A_1278 = arith.cmpi slt, %parallel_loop3A_1271, %parallel_loop3A_1277 : i32
      %parallel_loop3A_1279 = arith.extui %parallel_loop3A_1278 : i1 to i32
      %parallel_loop3A_1280 = arith.subi %parallel_loop3A_1276, %parallel_loop3A_1279 : i32
      %parallel_loop3A_1281 = arith.constant 0 : i32
      %parallel_loop3A_1282 = arith.cmpi sgt, %parallel_loop3A_1272, %parallel_loop3A_1281 : i32
      %parallel_loop3A_1283 = arith.extui %parallel_loop3A_1282 : i1 to i32
      %parallel_loop3A_1284 = arith.constant 0 : i32
      %parallel_loop3A_1285 = arith.cmpi slt, %parallel_loop3A_1272, %parallel_loop3A_1284 : i32
      %parallel_loop3A_1286 = arith.extui %parallel_loop3A_1285 : i1 to i32
      %parallel_loop3A_1287 = arith.subi %parallel_loop3A_1283, %parallel_loop3A_1286 : i32
      %parallel_loop3A_1288 = arith.cmpi ne, %parallel_loop3A_1280, %parallel_loop3A_1287 : i32
      %parallel_loop3A_1289 = arith.remsi %parallel_loop3A_1271, %parallel_loop3A_1272 : i32
      %parallel_loop3A_1290 = arith.constant 0 : i32
      %parallel_loop3A_1291 = arith.cmpi ne, %parallel_loop3A_1289, %parallel_loop3A_1290 : i32
      %parallel_loop3A_1292 = arith.andi %parallel_loop3A_1288, %parallel_loop3A_1291 : i1
      %parallel_loop3A_1293 = arith.constant 1 : i32
      %parallel_loop3A_1294 = arith.subi %parallel_loop3A_1273, %parallel_loop3A_1293 : i32
      %parallel_loop3A_1295 = arith.select %parallel_loop3A_1292, %parallel_loop3A_1294, %parallel_loop3A_1273 : i32
      %parallel_loop3A_1296 = arith.constant 128 : i32
      %parallel_loop3A_1297 = arith.constant 0 : i32
      %parallel_loop3A_1298 = arith.cmpi eq, %parallel_loop3A_1296, %parallel_loop3A_1297 : i32
      %parallel_loop3A_1299 = arith.constant 1 : i32
      %parallel_loop3A_1300 = arith.select %parallel_loop3A_1298, %parallel_loop3A_1299, %parallel_loop3A_1296 : i32
      %parallel_loop3A_1301 = arith.remsi %parallel_loop3A_1271, %parallel_loop3A_1300 : i32
      %parallel_loop3A_1302 = arith.constant 0 : i32
      %parallel_loop3A_1303 = arith.cmpi ne, %parallel_loop3A_1301, %parallel_loop3A_1302 : i32
      %parallel_loop3A_1304 = arith.constant 0 : i32
      %parallel_loop3A_1305 = arith.cmpi slt, %parallel_loop3A_1301, %parallel_loop3A_1304 : i32
      %parallel_loop3A_1306 = arith.constant 0 : i32
      %parallel_loop3A_1307 = arith.cmpi slt, %parallel_loop3A_1300, %parallel_loop3A_1306 : i32
      %parallel_loop3A_1308 = arith.xori %parallel_loop3A_1305, %parallel_loop3A_1307 : i1
      %parallel_loop3A_1309 = arith.andi %parallel_loop3A_1308, %parallel_loop3A_1303 : i1
      %parallel_loop3A_1310 = arith.addi %parallel_loop3A_1301, %parallel_loop3A_1300 : i32
      %parallel_loop3A_1311 = arith.select %parallel_loop3A_1309, %parallel_loop3A_1310, %parallel_loop3A_1301 : i32
      %parallel_loop3A_1312 = arith.index_cast %parallel_loop3A_1295 : i32 to index
      %parallel_loop3A_1313 = arith.index_cast %parallel_loop3A_1311 : i32 to index
      %parallel_loop3A_1314 = tpu.vector_load %arg16[%parallel_loop3A_1312, %parallel_loop3A_1313] {strides = array<i32>} : memref<128x128xf32, #tpu.memory_space<vmem>>, vector<16xf32>,
      tpu.vector_store %arg16[%parallel_loop3A_1312, %parallel_loop3A_1313], %broadcast_in_dim3A_14 {strides = array<i32>} : memref<128x128xf32, #tpu.memory_space<vmem>>, vector<16xf32>,
    } {sc.loop_unroll_factor = 8 : i64, sc.parallel_access}
    %eq3A_17 = arith.constant 1 : i32
    %eq3A_18 = arith.cmpi eq, %arg1, %eq3A_17 : i32
    %convert_element_type3A_19 = arith.extui %eq3A_18 : i1 to i32
    %cond3A_20 = arith.constant 0 : i32
    %cond3A_21 = arith.cmpi ne, %convert_element_type3A_19, %cond3A_20 : i32
    scf.if %cond3A_21 {
      "tpu.region"() ({
        %run_scoped3A = tpu.sem_alloc : memref<!tpu.dma_semaphore, #tpu.memory_space<semaphore_mem>>
        tpu.enqueue_dma source(%arg16 : memref<128x128xf32, #tpu.memory_space<vmem>>) target(%arg22 : memref<128x128xf32, #tpu.memory_space<vmem_shared>>) target_semaphore(%run_scoped3A : memref<!tpu.dma_semaphore, #tpu.memory_space<semaphore_mem>>)
        tpu.wait_dma2 semaphore(%run_scoped3A : memref<!tpu.dma_semaphore, #tpu.memory_space<semaphore_mem>>) src(%arg16 : memref<128x128xf32, #tpu.memory_space<vmem>>) dst(%arg22 : memref<128x128xf32, #tpu.memory_space<vmem_shared>>)
        tpu.yield
      }) : () -> ()
    } else {
    }
    %iota3A = tpu.iota {dimensions = array<i32: 0>} : vector<16xi32>
    %add3A_22 = arith.constant 0 : i32
    %add3A_23 = vector.broadcast %add3A_22 : i32 to vector<16xi32>
    %add3A_24 = arith.addi %iota3A, %add3A_23 : vector<16xi32>
    %swap3A = arith.constant 0 : index
    %swap3A_25 = tpu.vector_load %arg21[%swap3A] {strides = array<i32>} : memref<128xi32, #tpu.memory_space<vmem>>, vector<16xi32>,
    tpu.vector_store %arg21[%swap3A], %add3A_24 {strides = array<i32>} : memref<128xi32, #tpu.memory_space<vmem>>, vector<16xi32>,
    %iota3A_26 = tpu.iota {dimensions = array<i32: 0>} : vector<16xi32>
    %add3A_27 = arith.constant 16 : i32
    %add3A_28 = vector.broadcast %add3A_27 : i32 to vector<16xi32>
    %add3A_29 = arith.addi %iota3A_26, %add3A_28 : vector<16xi32>
    %swap3A_30 = arith.constant 16 : index
    %swap3A_31 = tpu.vector_load %arg21[%swap3A_30] {strides = array<i32>} : memref<128xi32, #tpu.memory_space<vmem>>, vector<16xi32>,
    tpu.vector_store %arg21[%swap3A_30], %add3A_29 {strides = array<i32>} : memref<128xi32, #tpu.memory_space<vmem>>, vector<16xi32>,
    %iota3A_32 = tpu.iota {dimensions = array<i32: 0>} : vector<16xi32>
    %add3A_33 = arith.constant 32 : i32
    %add3A_34 = vector.broadcast %add3A_33 : i32 to vector<16xi32>
    %add3A_35 = arith.addi %iota3A_32, %add3A_34 : vector<16xi32>
    %swap3A_36 = arith.constant 32 : index
    %swap3A_37 = tpu.vector_load %arg21[%swap3A_36] {strides = array<i32>} : memref<128xi32, #tpu.memory_space<vmem>>, vector<16xi32>,
    tpu.vector_store %arg21[%swap3A_36], %add3A_35 {strides = array<i32>} : memref<128xi32, #tpu.memory_space<vmem>>, vector<16xi32>,
    %iota3A_38 = tpu.iota {dimensions = array<i32: 0>} : vector<16xi32>
    %add3A_39 = arith.constant 48 : i32
    %add3A_40 = vector.broadcast %add3A_39 : i32 to vector<16xi32>
    %add3A_41 = arith.addi %iota3A_38, %add3A_40 : vector<16xi32>
    %swap3A_42 = arith.constant 48 : index
    %swap3A_43 = tpu.vector_load %arg21[%swap3A_42] {strides = array<i32>} : memref<128xi32, #tpu.memory_space<vmem>>, vector<16xi32>,
    tpu.vector_store %arg21[%swap3A_42], %add3A_41 {strides = array<i32>} : memref<128xi32, #tpu.memory_space<vmem>>, vector<16xi32>,
    %iota3A_44 = tpu.iota {dimensions = array<i32: 0>} : vector<16xi32>
    %add3A_45 = arith.constant 64 : i32
    %add3A_46 = vector.broadcast %add3A_45 : i32 to vector<16xi32>
    %add3A_47 = arith.addi %iota3A_44, %add3A_46 : vector<16xi32>
    %swap3A_48 = arith.constant 64 : index
    %swap3A_49 = tpu.vector_load %arg21[%swap3A_48] {strides = array<i32>} : memref<128xi32, #tpu.memory_space<vmem>>, vector<16xi32>,
    tpu.vector_store %arg21[%swap3A_48], %add3A_47 {strides = array<i32>} : memref<128xi32, #tpu.memory_space<vmem>>, vector<16xi32>,
    %iota3A_50 = tpu.iota {dimensions = array<i32: 0>} : vector<16xi32>
    %add3A_51 = arith.constant 80 : i32
    %add3A_52 = vector.broadcast %add3A_51 : i32 to vector<16xi32>
    %add3A_53 = arith.addi %iota3A_50, %add3A_52 : vector<16xi32>
    %swap3A_54 = arith.constant 80 : index
    %swap3A_55 = tpu.vector_load %arg21[%swap3A_54] {strides = array<i32>} : memref<128xi32, #tpu.memory_space<vmem>>, vector<16xi32>,
    tpu.vector_store %arg21[%swap3A_54], %add3A_53 {strides = array<i32>} : memref<128xi32, #tpu.memory_space<vmem>>, vector<16xi32>,
    %iota3A_56 = tpu.iota {dimensions = array<i32: 0>} : vector<16xi32>
    %add3A_57 = arith.constant 96 : i32
    %add3A_58 = vector.broadcast %add3A_57 : i32 to vector<16xi32>
    %add3A_59 = arith.addi %iota3A_56, %add3A_58 : vector<16xi32>
    %swap3A_60 = arith.constant 96 : index
    %swap3A_61 = tpu.vector_load %arg21[%swap3A_60] {strides = array<i32>} : memref<128xi32, #tpu.memory_space<vmem>>, vector<16xi32>,
    tpu.vector_store %arg21[%swap3A_60], %add3A_59 {strides = array<i32>} : memref<128xi32, #tpu.memory_space<vmem>>, vector<16xi32>,
    %iota3A_62 = tpu.iota {dimensions = array<i32: 0>} : vector<16xi32>
    %add3A_63 = arith.constant 112 : i32
    %add3A_64 = vector.broadcast %add3A_63 : i32 to vector<16xi32>
    %add3A_65 = arith.addi %iota3A_62, %add3A_64 : vector<16xi32>
    %swap3A_66 = arith.constant 112 : index
    %swap3A_67 = tpu.vector_load %arg21[%swap3A_66] {strides = array<i32>} : memref<128xi32, #tpu.memory_space<vmem>>, vector<16xi32>,
    tpu.vector_store %arg21[%swap3A_66], %add3A_65 {strides = array<i32>} : memref<128xi32, #tpu.memory_space<vmem>>, vector<16xi32>,
    %eq3A_68 = arith.constant 0 : i32
    %eq3A_69 = arith.cmpi eq, %arg1, %eq3A_68 : i32
    %convert_element_type3A_70 = arith.extui %eq3A_69 : i1 to i32
    %cond3A_71 = arith.constant 0 : i32
    %cond3A_72 = arith.cmpi ne, %convert_element_type3A_70, %cond3A_71 : i32
    scf.if %cond3A_72 {
      tpu.wait_dma2 semaphore(%arg24 : memref<!tpu.dma_semaphore, #tpu.memory_space<semaphore_mem>>) src(%arg2 : memref<10000xi32, #tpu.memory_space<hbm>>) dst(%arg23 : memref<10000xi32, #tpu.memory_space<vmem_shared>>)
    } else {
    }
    %barrier3A = arith.constant 0 : index
    tpu.barrier barrier_id(%barrier3A)
    "tpu.region"() ({
      %run_scoped3A = tpu.sem_alloc : memref<!tpu.dma_semaphore, #tpu.memory_space<semaphore_mem>>
      tpu.enqueue_dma source(%arg23 : memref<10000xi32, #tpu.memory_space<vmem_shared>>) target(%arg9 : memref<10000xi32, #tpu.memory_space<vmem>>) target_semaphore(%run_scoped3A : memref<!tpu.dma_semaphore, #tpu.memory_space<semaphore_mem>>)
      tpu.wait_dma2 semaphore(%run_scoped3A : memref<!tpu.dma_semaphore, #tpu.memory_space<semaphore_mem>>) src(%arg23 : memref<10000xi32, #tpu.memory_space<vmem_shared>>) dst(%arg9 : memref<10000xi32, #tpu.memory_space<vmem>>)
      tpu.yield
    }) : () -> ()
    %dma_wait3A = tpu.memref_slice %arg3[%mul3A_3] : memref<320000xi32, #tpu.memory_space<hbm>> -> memref<10000xi32, #tpu.memory_space<hbm>>
    %dma_wait3A_73 = tpu.memref_slice %arg3[%mul3A_3] : memref<320000xi32, #tpu.memory_space<hbm>> -> memref<10000xi32, #tpu.memory_space<hbm>>
    tpu.wait_dma2 semaphore(%arg25 : memref<!tpu.dma_semaphore, #tpu.memory_space<semaphore_mem>>) src(%dma_wait3A_73 : memref<10000xi32, #tpu.memory_space<hbm>>) dst(%arg10 : memref<10000xi32, #tpu.memory_space<vmem>>)
    %dma_wait3A_74 = tpu.memref_slice %arg4[%mul3A_3] : memref<320000xi32, #tpu.memory_space<hbm>> -> memref<10000xi32, #tpu.memory_space<hbm>>
    %dma_wait3A_75 = tpu.memref_slice %arg4[%mul3A_3] : memref<320000xi32, #tpu.memory_space<hbm>> -> memref<10000xi32, #tpu.memory_space<hbm>>
    tpu.wait_dma2 semaphore(%arg26 : memref<!tpu.dma_semaphore, #tpu.memory_space<semaphore_mem>>) src(%dma_wait3A_75 : memref<10000xi32, #tpu.memory_space<hbm>>) dst(%arg11 : memref<10000xi32, #tpu.memory_space<vmem>>)
    %add3A_76 = arith.constant 10000 : i32
    %add3A_77 = arith.addi %mul3A_3, %add3A_76 : i32
    %dma_start3A_78 = tpu.memref_slice %arg3[%add3A_77] : memref<320000xi32, #tpu.memory_space<hbm>> -> memref<10000xi32, #tpu.memory_space<hbm>>
    %dma_start3A_79 = tpu.memref_slice %arg3[%add3A_77] : memref<320000xi32, #tpu.memory_space<hbm>> -> memref<10000xi32, #tpu.memory_space<hbm>>
    tpu.enqueue_dma source(%dma_start3A_79 : memref<10000xi32, #tpu.memory_space<hbm>>) target(%arg12 : memref<10000xi32, #tpu.memory_space<vmem>>) target_semaphore(%arg27 : memref<!tpu.dma_semaphore, #tpu.memory_space<semaphore_mem>>)
    %add3A_80 = arith.constant 10000 : i32
    %add3A_81 = arith.addi %mul3A_3, %add3A_80 : i32
    %dma_start3A_82 = tpu.memref_slice %arg4[%add3A_81] : memref<320000xi32, #tpu.memory_space<hbm>> -> memref<10000xi32, #tpu.memory_space<hbm>>
    %dma_start3A_83 = tpu.memref_slice %arg4[%add3A_81] : memref<320000xi32, #tpu.memory_space<hbm>> -> memref<10000xi32, #tpu.memory_space<hbm>>
    tpu.enqueue_dma source(%dma_start3A_83 : memref<10000xi32, #tpu.memory_space<hbm>>) target(%arg13 : memref<10000xi32, #tpu.memory_space<vmem>>) target_semaphore(%arg28 : memref<!tpu.dma_semaphore, #tpu.memory_space<semaphore_mem>>)
    %dma_start3A_84 = tpu.memref_slice %arg5[%mul3A_5] : memref<320000xi32, #tpu.memory_space<hbm>> -> memref<10000xi32, #tpu.memory_space<hbm>>
    %dma_start3A_85 = tpu.memref_slice %arg5[%mul3A_5] : memref<320000xi32, #tpu.memory_space<hbm>> -> memref<10000xi32, #tpu.memory_space<hbm>>
    tpu.enqueue_dma source(%dma_start3A_85 : memref<10000xi32, #tpu.memory_space<hbm>>) target(%arg15 : memref<10000xi32, #tpu.memory_space<vmem>>) target_semaphore(%arg29 : memref<!tpu.dma_semaphore, #tpu.memory_space<semaphore_mem>>)
    %dma_start3A_86 = arith.constant 0 : i32
    %dma_start3A_87 = tpu.memref_slice %arg6[%mul3A_7, %dma_start3A_86] : memref<128x128xf32, #tpu.memory_space<hbm>> -> memref<8x128xf32, #tpu.memory_space<hbm>>
    %dma_start3A_88 = arith.constant 0 : i32
    %dma_start3A_89 = tpu.memref_slice %arg6[%mul3A_7, %dma_start3A_88] : memref<128x128xf32, #tpu.memory_space<hbm>> -> memref<8x128xf32, #tpu.memory_space<hbm>>
    tpu.enqueue_dma source(%dma_start3A_89 : memref<8x128xf32, #tpu.memory_space<hbm>>) target(%arg18 : memref<8x128xf32, #tpu.memory_space<vmem>>) target_semaphore(%arg30 : memref<!tpu.dma_semaphore, #tpu.memory_space<semaphore_mem>>)
    %parallel_loop3A_90 = arith.constant 0 : i32
    %parallel_loop3A_91 = arith.constant 10000 : i32
    %parallel_loop3A_92 = arith.constant 16 : i32
    scf.for %parallel_loop3A_1271 = %parallel_loop3A_90 to %parallel_loop3A_91 step %parallel_loop3A_92  : i32 {
      %parallel_loop3A_1272 = arith.index_cast %parallel_loop3A_1271 : i32 to index
      %parallel_loop3A_1273 = tpu.vector_load %arg10[%parallel_loop3A_1272] {strides = array<i32>} : memref<10000xi32, #tpu.memory_space<vmem>>, vector<16xi32>,
      %parallel_loop3A_1274 = arith.index_cast %parallel_loop3A_1271 : i32 to index
      %parallel_loop3A_1275 = tpu.vector_load %arg11[%parallel_loop3A_1274] {strides = array<i32>} : memref<10000xi32, #tpu.memory_space<vmem>>, vector<16xi32>,
      %parallel_loop3A_1276 = tpu.vector_load_idx %arg9[%parallel_loop3A_1273] : memref<10000xi32, #tpu.memory_space<vmem>>[vector<16xi32>], vector<16xi32>,
      %parallel_loop3A_1277 = tpu.vector_load_idx %arg9[%parallel_loop3A_1275] : memref<10000xi32, #tpu.memory_space<vmem>>[vector<16xi32>], vector<16xi32>,
      tpu.vector_store_idx %arg16[%parallel_loop3A_1276, %parallel_loop3A_1277], %broadcast_in_dim3A_1 : memref<128x128xf32, #tpu.memory_space<vmem>>[vector<16xi32>, vector<16xi32>], vector<16xf32>,
      %parallel_loop3A_1278 = arith.constant 0 : i32
      %parallel_loop3A_1279 = arith.addi %parallel_loop3A_1278, %parallel_loop3A_1271 : i32
      %parallel_loop3A_1280 = arith.index_cast %parallel_loop3A_1279 : i32 to index
      %parallel_loop3A_1281 = tpu.vector_load %arg14[%parallel_loop3A_1280] {strides = array<i32>} : memref<20000xi32, #tpu.memory_space<vmem>>, vector<16xi32>,
      tpu.vector_store %arg14[%parallel_loop3A_1280], %parallel_loop3A_1276 {strides = array<i32>} : memref<20000xi32, #tpu.memory_space<vmem>>, vector<16xi32>,
    } {sc.loop_unroll_factor = 10 : i64, sc.parallel_access}
    %dma_wait3A_93 = tpu.memref_slice %arg3[%add3A_77] : memref<320000xi32, #tpu.memory_space<hbm>> -> memref<10000xi32, #tpu.memory_space<hbm>>
    %dma_wait3A_94 = tpu.memref_slice %arg3[%add3A_77] : memref<320000xi32, #tpu.memory_space<hbm>> -> memref<10000xi32, #tpu.memory_space<hbm>>
    tpu.wait_dma2 semaphore(%arg27 : memref<!tpu.dma_semaphore, #tpu.memory_space<semaphore_mem>>) src(%dma_wait3A_94 : memref<10000xi32, #tpu.memory_space<hbm>>) dst(%arg12 : memref<10000xi32, #tpu.memory_space<vmem>>)
    %dma_wait3A_95 = tpu.memref_slice %arg4[%add3A_81] : memref<320000xi32, #tpu.memory_space<hbm>> -> memref<10000xi32, #tpu.memory_space<hbm>>
    %dma_wait3A_96 = tpu.memref_slice %arg4[%add3A_81] : memref<320000xi32, #tpu.memory_space<hbm>> -> memref<10000xi32, #tpu.memory_space<hbm>>
    tpu.wait_dma2 semaphore(%arg28 : memref<!tpu.dma_semaphore, #tpu.memory_space<semaphore_mem>>) src(%dma_wait3A_96 : memref<10000xi32, #tpu.memory_space<hbm>>) dst(%arg13 : memref<10000xi32, #tpu.memory_space<vmem>>)
    %parallel_loop3A_97 = arith.constant 0 : i32
    %parallel_loop3A_98 = arith.constant 10000 : i32
    %parallel_loop3A_99 = arith.constant 16 : i32
    scf.for %parallel_loop3A_1271 = %parallel_loop3A_97 to %parallel_loop3A_98 step %parallel_loop3A_99  : i32 {
      %parallel_loop3A_1272 = arith.index_cast %parallel_loop3A_1271 : i32 to index
      %parallel_loop3A_1273 = tpu.vector_load %arg12[%parallel_loop3A_1272] {strides = array<i32>} : memref<10000xi32, #tpu.memory_space<vmem>>, vector<16xi32>,
      %parallel_loop3A_1274 = arith.index_cast %parallel_loop3A_1271 : i32 to index
      %parallel_loop3A_1275 = tpu.vector_load %arg13[%parallel_loop3A_1274] {strides = array<i32>} : memref<10000xi32, #tpu.memory_space<vmem>>, vector<16xi32>,
      %parallel_loop3A_1276 = tpu.vector_load_idx %arg9[%parallel_loop3A_1273] : memref<10000xi32, #tpu.memory_space<vmem>>[vector<16xi32>], vector<16xi32>,
      %parallel_loop3A_1277 = tpu.vector_load_idx %arg9[%parallel_loop3A_1275] : memref<10000xi32, #tpu.memory_space<vmem>>[vector<16xi32>], vector<16xi32>,
      tpu.vector_store_idx %arg16[%parallel_loop3A_1276, %parallel_loop3A_1277], %broadcast_in_dim3A_1 : memref<128x128xf32, #tpu.memory_space<vmem>>[vector<16xi32>, vector<16xi32>], vector<16xf32>,
      %parallel_loop3A_1278 = arith.constant 10000 : i32
      %parallel_loop3A_1279 = arith.addi %parallel_loop3A_1278, %parallel_loop3A_1271 : i32
      %parallel_loop3A_1280 = arith.index_cast %parallel_loop3A_1279 : i32 to index
      %parallel_loop3A_1281 = tpu.vector_load %arg14[%parallel_loop3A_1280] {strides = array<i32>} : memref<20000xi32, #tpu.memory_space<vmem>>, vector<16xi32>,
      tpu.vector_store %arg14[%parallel_loop3A_1280], %parallel_loop3A_1276 {strides = array<i32>} : memref<20000xi32, #tpu.memory_space<vmem>>, vector<16xi32>,
    } {sc.loop_unroll_factor = 10 : i64, sc.parallel_access}
    %barrier3A_100 = arith.constant 0 : index
    tpu.barrier barrier_id(%barrier3A_100)
    %dma_start3A_101 = arith.constant 0 : i32
    %dma_start3A_102 = arith.constant 0 : i32
    %dma_start3A_103 = tpu.memref_slice %arg22[%dma_start3A_101, %dma_start3A_102] : memref<128x128xf32, #tpu.memory_space<vmem_shared>> -> memref<128x128xf32, #tpu.memory_space<vmem_shared>>
    tpu.enqueue_indirect_dma source(%arg16 : memref<128x128xf32, #tpu.memory_space<vmem>>) target(%dma_start3A_103 : memref<128x128xf32, #tpu.memory_space<vmem_shared>>) offsets(%arg21 : memref<128xi32, #tpu.memory_space<vmem>>) semaphore(%arg31 : memref<!tpu.dma_semaphore, #tpu.memory_space<semaphore_mem>>) {add = true}
    %dma_wait3A_104 = tpu.memref_slice %arg5[%mul3A_5] : memref<320000xi32, #tpu.memory_space<hbm>> -> memref<10000xi32, #tpu.memory_space<hbm>>
    %dma_wait3A_105 = tpu.memref_slice %arg5[%mul3A_5] : memref<320000xi32, #tpu.memory_space<hbm>> -> memref<10000xi32, #tpu.memory_space<hbm>>
    tpu.wait_dma2 semaphore(%arg29 : memref<!tpu.dma_semaphore, #tpu.memory_space<semaphore_mem>>) src(%dma_wait3A_105 : memref<10000xi32, #tpu.memory_space<hbm>>) dst(%arg15 : memref<10000xi32, #tpu.memory_space<vmem>>)
    %parallel_loop3A_106 = arith.constant 0 : i32
    %parallel_loop3A_107 = arith.constant 10000 : i32
    %parallel_loop3A_108 = arith.constant 16 : i32
    scf.for %parallel_loop3A_1271 = %parallel_loop3A_106 to %parallel_loop3A_107 step %parallel_loop3A_108  : i32 {
      %parallel_loop3A_1272 = arith.index_cast %parallel_loop3A_1271 : i32 to index
      %parallel_loop3A_1273 = tpu.vector_load %arg15[%parallel_loop3A_1272] {strides = array<i32>} : memref<10000xi32, #tpu.memory_space<vmem>>, vector<16xi32>,
      %parallel_loop3A_1274 = tpu.vector_load_idx %arg9[%parallel_loop3A_1273] : memref<10000xi32, #tpu.memory_space<vmem>>[vector<16xi32>], vector<16xi32>,
      %parallel_loop3A_1275 = arith.index_cast %parallel_loop3A_1271 : i32 to index
      %parallel_loop3A_1276 = tpu.vector_load %arg15[%parallel_loop3A_1275] {strides = array<i32>} : memref<10000xi32, #tpu.memory_space<vmem>>, vector<16xi32>,
      tpu.vector_store %arg15[%parallel_loop3A_1275], %parallel_loop3A_1274 {strides = array<i32>} : memref<10000xi32, #tpu.memory_space<vmem>>, vector<16xi32>,
    } {sc.loop_unroll_factor = 25 : i64, sc.parallel_access}
    %dma_wait3A_109 = arith.constant 0 : i32
    %dma_wait3A_110 = arith.constant 0 : i32
    %dma_wait3A_111 = tpu.memref_slice %arg22[%dma_wait3A_109, %dma_wait3A_110] : memref<128x128xf32, #tpu.memory_space<vmem_shared>> -> memref<128x128xf32, #tpu.memory_space<vmem_shared>>
    tpu.wait_indirect_dma semaphore(%arg31 : memref<!tpu.dma_semaphore, #tpu.memory_space<semaphore_mem>>) src(%arg16 : memref<128x128xf32, #tpu.memory_space<vmem>>) dst(%dma_wait3A_111 : memref<128x128xf32, #tpu.memory_space<vmem_shared>>)
    %barrier3A_112 = arith.constant 0 : index
    tpu.barrier barrier_id(%barrier3A_112)
    "tpu.region"() ({
      %run_scoped3A = tpu.sem_alloc : memref<!tpu.dma_semaphore, #tpu.memory_space<semaphore_mem>>
      %dma_start3A_1271 = arith.constant 0 : i32
      %dma_start3A_1272 = tpu.memref_slice %arg22[%mul3A_7, %dma_start3A_1271] : memref<128x128xf32, #tpu.memory_space<vmem_shared>> -> memref<8x128xf32, #tpu.memory_space<vmem_shared>>
      %dma_start3A_1273 = arith.constant 0 : i32
      %dma_start3A_1274 = tpu.memref_slice %arg22[%mul3A_7, %dma_start3A_1273] : memref<128x128xf32, #tpu.memory_space<vmem_shared>> -> memref<8x128xf32, #tpu.memory_space<vmem_shared>>
      tpu.enqueue_dma source(%dma_start3A_1274 : memref<8x128xf32, #tpu.memory_space<vmem_shared>>) target(%arg17 : memref<8x128xf32, #tpu.memory_space<vmem>>) target_semaphore(%run_scoped3A : memref<!tpu.dma_semaphore, #tpu.memory_space<semaphore_mem>>)
      %dma_wait3A_1275 = arith.constant 0 : i32
      %dma_wait3A_1276 = tpu.memref_slice %arg22[%mul3A_7, %dma_wait3A_1275] : memref<128x128xf32, #tpu.memory_space<vmem_shared>> -> memref<8x128xf32, #tpu.memory_space<vmem_shared>>
      %dma_wait3A_1277 = arith.constant 0 : i32
      %dma_wait3A_1278 = tpu.memref_slice %arg22[%mul3A_7, %dma_wait3A_1277] : memref<128x128xf32, #tpu.memory_space<vmem_shared>> -> memref<8x128xf32, #tpu.memory_space<vmem_shared>>
      tpu.wait_dma2 semaphore(%run_scoped3A : memref<!tpu.dma_semaphore, #tpu.memory_space<semaphore_mem>>) src(%dma_wait3A_1278 : memref<8x128xf32, #tpu.memory_space<vmem_shared>>) dst(%arg17 : memref<8x128xf32, #tpu.memory_space<vmem>>)
      tpu.yield
    }) : () -> ()
    %dma_wait3A_113 = arith.constant 0 : i32
    %dma_wait3A_114 = tpu.memref_slice %arg6[%mul3A_7, %dma_wait3A_113] : memref<128x128xf32, #tpu.memory_space<hbm>> -> memref<8x128xf32, #tpu.memory_space<hbm>>
    %dma_wait3A_115 = arith.constant 0 : i32
    %dma_wait3A_116 = tpu.memref_slice %arg6[%mul3A_7, %dma_wait3A_115] : memref<128x128xf32, #tpu.memory_space<hbm>> -> memref<8x128xf32, #tpu.memory_space<hbm>>
    tpu.wait_dma2 semaphore(%arg30 : memref<!tpu.dma_semaphore, #tpu.memory_space<semaphore_mem>>) src(%dma_wait3A_116 : memref<8x128xf32, #tpu.memory_space<hbm>>) dst(%arg18 : memref<8x128xf32, #tpu.memory_space<vmem>>)
    %get3A = arith.constant 0 : i32
    %get3A_117 = arith.index_cast %get3A : i32 to index
    %get3A_118 = arith.constant 0 : index
    %get3A_119 = tpu.vector_load %arg17[%get3A_117, %get3A_118] {strides = array<i32>} : memref<8x128xf32, #tpu.memory_space<vmem>>, vector<16xf32>,
    %gt3A = arith.constant 0.000000e+00 : f32
    %gt3A_120 = vector.broadcast %gt3A : f32 to vector<16xf32>
    %gt3A_121 = arith.cmpf ogt, %get3A_119, %gt3A_120 : vector<16xf32>
    %get3A_122 = arith.constant 0 : i32
    %get3A_123 = arith.index_cast %get3A_122 : i32 to index
    %get3A_124 = arith.constant 0 : index
    %get3A_125 = tpu.vector_load %arg18[%get3A_123, %get3A_124] {strides = array<i32>} : memref<8x128xf32, #tpu.memory_space<vmem>>, vector<16xf32>,
    %jit3A = arith.constant 1.000000e+00 : f32
    %broadcast_in_dim3A_126 = vector.broadcast %jit3A : f32 to vector<16xf32>
    %select_n3A = arith.select %gt3A_121, %broadcast_in_dim3A_126, %get3A_125 : vector<16xi1>, vector<16xf32>
    %swap3A_127 = arith.constant 0 : i32
    %swap3A_128 = arith.index_cast %swap3A_127 : i32 to index
    %swap3A_129 = arith.constant 0 : index
    %swap3A_130 = tpu.vector_load %arg17[%swap3A_128, %swap3A_129] {strides = array<i32>} : memref<8x128xf32, #tpu.memory_space<vmem>>, vector<16xf32>,
    tpu.vector_store %arg17[%swap3A_128, %swap3A_129], %select_n3A {strides = array<i32>} : memref<8x128xf32, #tpu.memory_space<vmem>>, vector<16xf32>,
    %get3A_131 = arith.constant 0 : i32
    %get3A_132 = arith.index_cast %get3A_131 : i32 to index
    %get3A_133 = arith.constant 16 : index
    %get3A_134 = tpu.vector_load %arg17[%get3A_132, %get3A_133] {strides = array<i32>} : memref<8x128xf32, #tpu.memory_space<vmem>>, vector<16xf32>,
    %gt3A_135 = arith.constant 0.000000e+00 : f32
    %gt3A_136 = vector.broadcast %gt3A_135 : f32 to vector<16xf32>
    %gt3A_137 = arith.cmpf ogt, %get3A_134, %gt3A_136 : vector<16xf32>
    %get3A_138 = arith.constant 0 : i32
    %get3A_139 = arith.index_cast %get3A_138 : i32 to index
    %get3A_140 = arith.constant 16 : index
    %get3A_141 = tpu.vector_load %arg18[%get3A_139, %get3A_140] {strides = array<i32>} : memref<8x128xf32, #tpu.memory_space<vmem>>, vector<16xf32>,
    %jit3A_142 = arith.constant 1.000000e+00 : f32
    %broadcast_in_dim3A_143 = vector.broadcast %jit3A_142 : f32 to vector<16xf32>
    %select_n3A_144 = arith.select %gt3A_137, %broadcast_in_dim3A_143, %get3A_141 : vector<16xi1>, vector<16xf32>
    %swap3A_145 = arith.constant 0 : i32
    %swap3A_146 = arith.index_cast %swap3A_145 : i32 to index
    %swap3A_147 = arith.constant 16 : index
    %swap3A_148 = tpu.vector_load %arg17[%swap3A_146, %swap3A_147] {strides = array<i32>} : memref<8x128xf32, #tpu.memory_space<vmem>>, vector<16xf32>,
    tpu.vector_store %arg17[%swap3A_146, %swap3A_147], %select_n3A_144 {strides = array<i32>} : memref<8x128xf32, #tpu.memory_space<vmem>>, vector<16xf32>,
    %get3A_149 = arith.constant 0 : i32
    %get3A_150 = arith.index_cast %get3A_149 : i32 to index
    %get3A_151 = arith.constant 32 : index
    %get3A_152 = tpu.vector_load %arg17[%get3A_150, %get3A_151] {strides = array<i32>} : memref<8x128xf32, #tpu.memory_space<vmem>>, vector<16xf32>,
    %gt3A_153 = arith.constant 0.000000e+00 : f32
    %gt3A_154 = vector.broadcast %gt3A_153 : f32 to vector<16xf32>
    %gt3A_155 = arith.cmpf ogt, %get3A_152, %gt3A_154 : vector<16xf32>
    %get3A_156 = arith.constant 0 : i32
    %get3A_157 = arith.index_cast %get3A_156 : i32 to index
    %get3A_158 = arith.constant 32 : index
    %get3A_159 = tpu.vector_load %arg18[%get3A_157, %get3A_158] {strides = array<i32>} : memref<8x128xf32, #tpu.memory_space<vmem>>, vector<16xf32>,
    %jit3A_160 = arith.constant 1.000000e+00 : f32
    %broadcast_in_dim3A_161 = vector.broadcast %jit3A_160 : f32 to vector<16xf32>
    %select_n3A_162 = arith.select %gt3A_155, %broadcast_in_dim3A_161, %get3A_159 : vector<16xi1>, vector<16xf32>
    %swap3A_163 = arith.constant 0 : i32
    %swap3A_164 = arith.index_cast %swap3A_163 : i32 to index
    %swap3A_165 = arith.constant 32 : index
    %swap3A_166 = tpu.vector_load %arg17[%swap3A_164, %swap3A_165] {strides = array<i32>} : memref<8x128xf32, #tpu.memory_space<vmem>>, vector<16xf32>,
    tpu.vector_store %arg17[%swap3A_164, %swap3A_165], %select_n3A_162 {strides = array<i32>} : memref<8x128xf32, #tpu.memory_space<vmem>>, vector<16xf32>,
    %get3A_167 = arith.constant 0 : i32
    %get3A_168 = arith.index_cast %get3A_167 : i32 to index
    %get3A_169 = arith.constant 48 : index
    %get3A_170 = tpu.vector_load %arg17[%get3A_168, %get3A_169] {strides = array<i32>} : memref<8x128xf32, #tpu.memory_space<vmem>>, vector<16xf32>,
    %gt3A_171 = arith.constant 0.000000e+00 : f32
    %gt3A_172 = vector.broadcast %gt3A_171 : f32 to vector<16xf32>
    %gt3A_173 = arith.cmpf ogt, %get3A_170, %gt3A_172 : vector<16xf32>
    %get3A_174 = arith.constant 0 : i32
    %get3A_175 = arith.index_cast %get3A_174 : i32 to index
    %get3A_176 = arith.constant 48 : index
    %get3A_177 = tpu.vector_load %arg18[%get3A_175, %get3A_176] {strides = array<i32>} : memref<8x128xf32, #tpu.memory_space<vmem>>, vector<16xf32>,
    %jit3A_178 = arith.constant 1.000000e+00 : f32
    %broadcast_in_dim3A_179 = vector.broadcast %jit3A_178 : f32 to vector<16xf32>
    %select_n3A_180 = arith.select %gt3A_173, %broadcast_in_dim3A_179, %get3A_177 : vector<16xi1>, vector<16xf32>
    %swap3A_181 = arith.constant 0 : i32
    %swap3A_182 = arith.index_cast %swap3A_181 : i32 to index
    %swap3A_183 = arith.constant 48 : index
    %swap3A_184 = tpu.vector_load %arg17[%swap3A_182, %swap3A_183] {strides = array<i32>} : memref<8x128xf32, #tpu.memory_space<vmem>>, vector<16xf32>,
    tpu.vector_store %arg17[%swap3A_182, %swap3A_183], %select_n3A_180 {strides = array<i32>} : memref<8x128xf32, #tpu.memory_space<vmem>>, vector<16xf32>,
    %get3A_185 = arith.constant 0 : i32
    %get3A_186 = arith.index_cast %get3A_185 : i32 to index
    %get3A_187 = arith.constant 64 : index
    %get3A_188 = tpu.vector_load %arg17[%get3A_186, %get3A_187] {strides = array<i32>} : memref<8x128xf32, #tpu.memory_space<vmem>>, vector<16xf32>,
    %gt3A_189 = arith.constant 0.000000e+00 : f32
    %gt3A_190 = vector.broadcast %gt3A_189 : f32 to vector<16xf32>
    %gt3A_191 = arith.cmpf ogt, %get3A_188, %gt3A_190 : vector<16xf32>
    %get3A_192 = arith.constant 0 : i32
    %get3A_193 = arith.index_cast %get3A_192 : i32 to index
    %get3A_194 = arith.constant 64 : index
    %get3A_195 = tpu.vector_load %arg18[%get3A_193, %get3A_194] {strides = array<i32>} : memref<8x128xf32, #tpu.memory_space<vmem>>, vector<16xf32>,
    %jit3A_196 = arith.constant 1.000000e+00 : f32
    %broadcast_in_dim3A_197 = vector.broadcast %jit3A_196 : f32 to vector<16xf32>
    %select_n3A_198 = arith.select %gt3A_191, %broadcast_in_dim3A_197, %get3A_195 : vector<16xi1>, vector<16xf32>
    %swap3A_199 = arith.constant 0 : i32
    %swap3A_200 = arith.index_cast %swap3A_199 : i32 to index
    %swap3A_201 = arith.constant 64 : index
    %swap3A_202 = tpu.vector_load %arg17[%swap3A_200, %swap3A_201] {strides = array<i32>} : memref<8x128xf32, #tpu.memory_space<vmem>>, vector<16xf32>,
    tpu.vector_store %arg17[%swap3A_200, %swap3A_201], %select_n3A_198 {strides = array<i32>} : memref<8x128xf32, #tpu.memory_space<vmem>>, vector<16xf32>,
    %get3A_203 = arith.constant 0 : i32
    %get3A_204 = arith.index_cast %get3A_203 : i32 to index
    %get3A_205 = arith.constant 80 : index
    %get3A_206 = tpu.vector_load %arg17[%get3A_204, %get3A_205] {strides = array<i32>} : memref<8x128xf32, #tpu.memory_space<vmem>>, vector<16xf32>,
    %gt3A_207 = arith.constant 0.000000e+00 : f32
    %gt3A_208 = vector.broadcast %gt3A_207 : f32 to vector<16xf32>
    %gt3A_209 = arith.cmpf ogt, %get3A_206, %gt3A_208 : vector<16xf32>
    %get3A_210 = arith.constant 0 : i32
    %get3A_211 = arith.index_cast %get3A_210 : i32 to index
    %get3A_212 = arith.constant 80 : index
    %get3A_213 = tpu.vector_load %arg18[%get3A_211, %get3A_212] {strides = array<i32>} : memref<8x128xf32, #tpu.memory_space<vmem>>, vector<16xf32>,
    %jit3A_214 = arith.constant 1.000000e+00 : f32
    %broadcast_in_dim3A_215 = vector.broadcast %jit3A_214 : f32 to vector<16xf32>
    %select_n3A_216 = arith.select %gt3A_209, %broadcast_in_dim3A_215, %get3A_213 : vector<16xi1>, vector<16xf32>
    %swap3A_217 = arith.constant 0 : i32
    %swap3A_218 = arith.index_cast %swap3A_217 : i32 to index
    %swap3A_219 = arith.constant 80 : index
    %swap3A_220 = tpu.vector_load %arg17[%swap3A_218, %swap3A_219] {strides = array<i32>} : memref<8x128xf32, #tpu.memory_space<vmem>>, vector<16xf32>,
    tpu.vector_store %arg17[%swap3A_218, %swap3A_219], %select_n3A_216 {strides = array<i32>} : memref<8x128xf32, #tpu.memory_space<vmem>>, vector<16xf32>,
    %get3A_221 = arith.constant 0 : i32
    %get3A_222 = arith.index_cast %get3A_221 : i32 to index
    %get3A_223 = arith.constant 96 : index
    %get3A_224 = tpu.vector_load %arg17[%get3A_222, %get3A_223] {strides = array<i32>} : memref<8x128xf32, #tpu.memory_space<vmem>>, vector<16xf32>,
    %gt3A_225 = arith.constant 0.000000e+00 : f32
    %gt3A_226 = vector.broadcast %gt3A_225 : f32 to vector<16xf32>
    %gt3A_227 = arith.cmpf ogt, %get3A_224, %gt3A_226 : vector<16xf32>
    %get3A_228 = arith.constant 0 : i32
    %get3A_229 = arith.index_cast %get3A_228 : i32 to index
    %get3A_230 = arith.constant 96 : index
    %get3A_231 = tpu.vector_load %arg18[%get3A_229, %get3A_230] {strides = array<i32>} : memref<8x128xf32, #tpu.memory_space<vmem>>, vector<16xf32>,
    %jit3A_232 = arith.constant 1.000000e+00 : f32
    %broadcast_in_dim3A_233 = vector.broadcast %jit3A_232 : f32 to vector<16xf32>
    %select_n3A_234 = arith.select %gt3A_227, %broadcast_in_dim3A_233, %get3A_231 : vector<16xi1>, vector<16xf32>
    %swap3A_235 = arith.constant 0 : i32
    %swap3A_236 = arith.index_cast %swap3A_235 : i32 to index
    %swap3A_237 = arith.constant 96 : index
    %swap3A_238 = tpu.vector_load %arg17[%swap3A_236, %swap3A_237] {strides = array<i32>} : memref<8x128xf32, #tpu.memory_space<vmem>>, vector<16xf32>,
    tpu.vector_store %arg17[%swap3A_236, %swap3A_237], %select_n3A_234 {strides = array<i32>} : memref<8x128xf32, #tpu.memory_space<vmem>>, vector<16xf32>,
    %get3A_239 = arith.constant 0 : i32
    %get3A_240 = arith.index_cast %get3A_239 : i32 to index
    %get3A_241 = arith.constant 112 : index
    %get3A_242 = tpu.vector_load %arg17[%get3A_240, %get3A_241] {strides = array<i32>} : memref<8x128xf32, #tpu.memory_space<vmem>>, vector<16xf32>,
    %gt3A_243 = arith.constant 0.000000e+00 : f32
    %gt3A_244 = vector.broadcast %gt3A_243 : f32 to vector<16xf32>
    %gt3A_245 = arith.cmpf ogt, %get3A_242, %gt3A_244 : vector<16xf32>
    %get3A_246 = arith.constant 0 : i32
    %get3A_247 = arith.index_cast %get3A_246 : i32 to index
    %get3A_248 = arith.constant 112 : index
    %get3A_249 = tpu.vector_load %arg18[%get3A_247, %get3A_248] {strides = array<i32>} : memref<8x128xf32, #tpu.memory_space<vmem>>, vector<16xf32>,
    %jit3A_250 = arith.constant 1.000000e+00 : f32
    %broadcast_in_dim3A_251 = vector.broadcast %jit3A_250 : f32 to vector<16xf32>
    %select_n3A_252 = arith.select %gt3A_245, %broadcast_in_dim3A_251, %get3A_249 : vector<16xi1>, vector<16xf32>
    %swap3A_253 = arith.constant 0 : i32
    %swap3A_254 = arith.index_cast %swap3A_253 : i32 to index
    %swap3A_255 = arith.constant 112 : index
    %swap3A_256 = tpu.vector_load %arg17[%swap3A_254, %swap3A_255] {strides = array<i32>} : memref<8x128xf32, #tpu.memory_space<vmem>>, vector<16xf32>,
    tpu.vector_store %arg17[%swap3A_254, %swap3A_255], %select_n3A_252 {strides = array<i32>} : memref<8x128xf32, #tpu.memory_space<vmem>>, vector<16xf32>,
    %get3A_257 = arith.constant 1 : i32
    %get3A_258 = arith.index_cast %get3A_257 : i32 to index
    %get3A_259 = arith.constant 0 : index
    %get3A_260 = tpu.vector_load %arg17[%get3A_258, %get3A_259] {strides = array<i32>} : memref<8x128xf32, #tpu.memory_space<vmem>>, vector<16xf32>,
    %gt3A_261 = arith.constant 0.000000e+00 : f32
    %gt3A_262 = vector.broadcast %gt3A_261 : f32 to vector<16xf32>
    %gt3A_263 = arith.cmpf ogt, %get3A_260, %gt3A_262 : vector<16xf32>
    %get3A_264 = arith.constant 1 : i32
    %get3A_265 = arith.index_cast %get3A_264 : i32 to index
    %get3A_266 = arith.constant 0 : index
    %get3A_267 = tpu.vector_load %arg18[%get3A_265, %get3A_266] {strides = array<i32>} : memref<8x128xf32, #tpu.memory_space<vmem>>, vector<16xf32>,
    %jit3A_268 = arith.constant 1.000000e+00 : f32
    %broadcast_in_dim3A_269 = vector.broadcast %jit3A_268 : f32 to vector<16xf32>
    %select_n3A_270 = arith.select %gt3A_263, %broadcast_in_dim3A_269, %get3A_267 : vector<16xi1>, vector<16xf32>
    %swap3A_271 = arith.constant 1 : i32
    %swap3A_272 = arith.index_cast %swap3A_271 : i32 to index
    %swap3A_273 = arith.constant 0 : index
    %swap3A_274 = tpu.vector_load %arg17[%swap3A_272, %swap3A_273] {strides = array<i32>} : memref<8x128xf32, #tpu.memory_space<vmem>>, vector<16xf32>,
    tpu.vector_store %arg17[%swap3A_272, %swap3A_273], %select_n3A_270 {strides = array<i32>} : memref<8x128xf32, #tpu.memory_space<vmem>>, vector<16xf32>,
    %get3A_275 = arith.constant 1 : i32
    %get3A_276 = arith.index_cast %get3A_275 : i32 to index
    %get3A_277 = arith.constant 16 : index
    %get3A_278 = tpu.vector_load %arg17[%get3A_276, %get3A_277] {strides = array<i32>} : memref<8x128xf32, #tpu.memory_space<vmem>>, vector<16xf32>,
    %gt3A_279 = arith.constant 0.000000e+00 : f32
    %gt3A_280 = vector.broadcast %gt3A_279 : f32 to vector<16xf32>
    %gt3A_281 = arith.cmpf ogt, %get3A_278, %gt3A_280 : vector<16xf32>
    %get3A_282 = arith.constant 1 : i32
    %get3A_283 = arith.index_cast %get3A_282 : i32 to index
    %get3A_284 = arith.constant 16 : index
    %get3A_285 = tpu.vector_load %arg18[%get3A_283, %get3A_284] {strides = array<i32>} : memref<8x128xf32, #tpu.memory_space<vmem>>, vector<16xf32>,
    %jit3A_286 = arith.constant 1.000000e+00 : f32
    %broadcast_in_dim3A_287 = vector.broadcast %jit3A_286 : f32 to vector<16xf32>
    %select_n3A_288 = arith.select %gt3A_281, %broadcast_in_dim3A_287, %get3A_285 : vector<16xi1>, vector<16xf32>
    %swap3A_289 = arith.constant 1 : i32
    %swap3A_290 = arith.index_cast %swap3A_289 : i32 to index
    %swap3A_291 = arith.constant 16 : index
    %swap3A_292 = tpu.vector_load %arg17[%swap3A_290, %swap3A_291] {strides = array<i32>} : memref<8x128xf32, #tpu.memory_space<vmem>>, vector<16xf32>,
    tpu.vector_store %arg17[%swap3A_290, %swap3A_291], %select_n3A_288 {strides = array<i32>} : memref<8x128xf32, #tpu.memory_space<vmem>>, vector<16xf32>,
    %get3A_293 = arith.constant 1 : i32
    %get3A_294 = arith.index_cast %get3A_293 : i32 to index
    %get3A_295 = arith.constant 32 : index
    %get3A_296 = tpu.vector_load %arg17[%get3A_294, %get3A_295] {strides = array<i32>} : memref<8x128xf32, #tpu.memory_space<vmem>>, vector<16xf32>,
    %gt3A_297 = arith.constant 0.000000e+00 : f32
    %gt3A_298 = vector.broadcast %gt3A_297 : f32 to vector<16xf32>
    %gt3A_299 = arith.cmpf ogt, %get3A_296, %gt3A_298 : vector<16xf32>
    %get3A_300 = arith.constant 1 : i32
    %get3A_301 = arith.index_cast %get3A_300 : i32 to index
    %get3A_302 = arith.constant 32 : index
    %get3A_303 = tpu.vector_load %arg18[%get3A_301, %get3A_302] {strides = array<i32>} : memref<8x128xf32, #tpu.memory_space<vmem>>, vector<16xf32>,
    %jit3A_304 = arith.constant 1.000000e+00 : f32
    %broadcast_in_dim3A_305 = vector.broadcast %jit3A_304 : f32 to vector<16xf32>
    %select_n3A_306 = arith.select %gt3A_299, %broadcast_in_dim3A_305, %get3A_303 : vector<16xi1>, vector<16xf32>
    %swap3A_307 = arith.constant 1 : i32
    %swap3A_308 = arith.index_cast %swap3A_307 : i32 to index
    %swap3A_309 = arith.constant 32 : index
    %swap3A_310 = tpu.vector_load %arg17[%swap3A_308, %swap3A_309] {strides = array<i32>} : memref<8x128xf32, #tpu.memory_space<vmem>>, vector<16xf32>,
    tpu.vector_store %arg17[%swap3A_308, %swap3A_309], %select_n3A_306 {strides = array<i32>} : memref<8x128xf32, #tpu.memory_space<vmem>>, vector<16xf32>,
    %get3A_311 = arith.constant 1 : i32
    %get3A_312 = arith.index_cast %get3A_311 : i32 to index
    %get3A_313 = arith.constant 48 : index
    %get3A_314 = tpu.vector_load %arg17[%get3A_312, %get3A_313] {strides = array<i32>} : memref<8x128xf32, #tpu.memory_space<vmem>>, vector<16xf32>,
    %gt3A_315 = arith.constant 0.000000e+00 : f32
    %gt3A_316 = vector.broadcast %gt3A_315 : f32 to vector<16xf32>
    %gt3A_317 = arith.cmpf ogt, %get3A_314, %gt3A_316 : vector<16xf32>
    %get3A_318 = arith.constant 1 : i32
    %get3A_319 = arith.index_cast %get3A_318 : i32 to index
    %get3A_320 = arith.constant 48 : index
    %get3A_321 = tpu.vector_load %arg18[%get3A_319, %get3A_320] {strides = array<i32>} : memref<8x128xf32, #tpu.memory_space<vmem>>, vector<16xf32>,
    %jit3A_322 = arith.constant 1.000000e+00 : f32
    %broadcast_in_dim3A_323 = vector.broadcast %jit3A_322 : f32 to vector<16xf32>
    %select_n3A_324 = arith.select %gt3A_317, %broadcast_in_dim3A_323, %get3A_321 : vector<16xi1>, vector<16xf32>
    %swap3A_325 = arith.constant 1 : i32
    %swap3A_326 = arith.index_cast %swap3A_325 : i32 to index
    %swap3A_327 = arith.constant 48 : index
    %swap3A_328 = tpu.vector_load %arg17[%swap3A_326, %swap3A_327] {strides = array<i32>} : memref<8x128xf32, #tpu.memory_space<vmem>>, vector<16xf32>,
    tpu.vector_store %arg17[%swap3A_326, %swap3A_327], %select_n3A_324 {strides = array<i32>} : memref<8x128xf32, #tpu.memory_space<vmem>>, vector<16xf32>,
    %get3A_329 = arith.constant 1 : i32
    %get3A_330 = arith.index_cast %get3A_329 : i32 to index
    %get3A_331 = arith.constant 64 : index
    %get3A_332 = tpu.vector_load %arg17[%get3A_330, %get3A_331] {strides = array<i32>} : memref<8x128xf32, #tpu.memory_space<vmem>>, vector<16xf32>,
    %gt3A_333 = arith.constant 0.000000e+00 : f32
    %gt3A_334 = vector.broadcast %gt3A_333 : f32 to vector<16xf32>
    %gt3A_335 = arith.cmpf ogt, %get3A_332, %gt3A_334 : vector<16xf32>
    %get3A_336 = arith.constant 1 : i32
    %get3A_337 = arith.index_cast %get3A_336 : i32 to index
    %get3A_338 = arith.constant 64 : index
    %get3A_339 = tpu.vector_load %arg18[%get3A_337, %get3A_338] {strides = array<i32>} : memref<8x128xf32, #tpu.memory_space<vmem>>, vector<16xf32>,
    %jit3A_340 = arith.constant 1.000000e+00 : f32
    %broadcast_in_dim3A_341 = vector.broadcast %jit3A_340 : f32 to vector<16xf32>
    %select_n3A_342 = arith.select %gt3A_335, %broadcast_in_dim3A_341, %get3A_339 : vector<16xi1>, vector<16xf32>
    %swap3A_343 = arith.constant 1 : i32
    %swap3A_344 = arith.index_cast %swap3A_343 : i32 to index
    %swap3A_345 = arith.constant 64 : index
    %swap3A_346 = tpu.vector_load %arg17[%swap3A_344, %swap3A_345] {strides = array<i32>} : memref<8x128xf32, #tpu.memory_space<vmem>>, vector<16xf32>,
    tpu.vector_store %arg17[%swap3A_344, %swap3A_345], %select_n3A_342 {strides = array<i32>} : memref<8x128xf32, #tpu.memory_space<vmem>>, vector<16xf32>,
    %get3A_347 = arith.constant 1 : i32
    %get3A_348 = arith.index_cast %get3A_347 : i32 to index
    %get3A_349 = arith.constant 80 : index
    %get3A_350 = tpu.vector_load %arg17[%get3A_348, %get3A_349] {strides = array<i32>} : memref<8x128xf32, #tpu.memory_space<vmem>>, vector<16xf32>,
    %gt3A_351 = arith.constant 0.000000e+00 : f32
    %gt3A_352 = vector.broadcast %gt3A_351 : f32 to vector<16xf32>
    %gt3A_353 = arith.cmpf ogt, %get3A_350, %gt3A_352 : vector<16xf32>
    %get3A_354 = arith.constant 1 : i32
    %get3A_355 = arith.index_cast %get3A_354 : i32 to index
    %get3A_356 = arith.constant 80 : index
    %get3A_357 = tpu.vector_load %arg18[%get3A_355, %get3A_356] {strides = array<i32>} : memref<8x128xf32, #tpu.memory_space<vmem>>, vector<16xf32>,
    %jit3A_358 = arith.constant 1.000000e+00 : f32
    %broadcast_in_dim3A_359 = vector.broadcast %jit3A_358 : f32 to vector<16xf32>
    %select_n3A_360 = arith.select %gt3A_353, %broadcast_in_dim3A_359, %get3A_357 : vector<16xi1>, vector<16xf32>
    %swap3A_361 = arith.constant 1 : i32
    %swap3A_362 = arith.index_cast %swap3A_361 : i32 to index
    %swap3A_363 = arith.constant 80 : index
    %swap3A_364 = tpu.vector_load %arg17[%swap3A_362, %swap3A_363] {strides = array<i32>} : memref<8x128xf32, #tpu.memory_space<vmem>>, vector<16xf32>,
    tpu.vector_store %arg17[%swap3A_362, %swap3A_363], %select_n3A_360 {strides = array<i32>} : memref<8x128xf32, #tpu.memory_space<vmem>>, vector<16xf32>,
    %get3A_365 = arith.constant 1 : i32
    %get3A_366 = arith.index_cast %get3A_365 : i32 to index
    %get3A_367 = arith.constant 96 : index
    %get3A_368 = tpu.vector_load %arg17[%get3A_366, %get3A_367] {strides = array<i32>} : memref<8x128xf32, #tpu.memory_space<vmem>>, vector<16xf32>,
    %gt3A_369 = arith.constant 0.000000e+00 : f32
    %gt3A_370 = vector.broadcast %gt3A_369 : f32 to vector<16xf32>
    %gt3A_371 = arith.cmpf ogt, %get3A_368, %gt3A_370 : vector<16xf32>
    %get3A_372 = arith.constant 1 : i32
    %get3A_373 = arith.index_cast %get3A_372 : i32 to index
    %get3A_374 = arith.constant 96 : index
    %get3A_375 = tpu.vector_load %arg18[%get3A_373, %get3A_374] {strides = array<i32>} : memref<8x128xf32, #tpu.memory_space<vmem>>, vector<16xf32>,
    %jit3A_376 = arith.constant 1.000000e+00 : f32
    %broadcast_in_dim3A_377 = vector.broadcast %jit3A_376 : f32 to vector<16xf32>
    %select_n3A_378 = arith.select %gt3A_371, %broadcast_in_dim3A_377, %get3A_375 : vector<16xi1>, vector<16xf32>
    %swap3A_379 = arith.constant 1 : i32
    %swap3A_380 = arith.index_cast %swap3A_379 : i32 to index
    %swap3A_381 = arith.constant 96 : index
    %swap3A_382 = tpu.vector_load %arg17[%swap3A_380, %swap3A_381] {strides = array<i32>} : memref<8x128xf32, #tpu.memory_space<vmem>>, vector<16xf32>,
    tpu.vector_store %arg17[%swap3A_380, %swap3A_381], %select_n3A_378 {strides = array<i32>} : memref<8x128xf32, #tpu.memory_space<vmem>>, vector<16xf32>,
    %get3A_383 = arith.constant 1 : i32
    %get3A_384 = arith.index_cast %get3A_383 : i32 to index
    %get3A_385 = arith.constant 112 : index
    %get3A_386 = tpu.vector_load %arg17[%get3A_384, %get3A_385] {strides = array<i32>} : memref<8x128xf32, #tpu.memory_space<vmem>>, vector<16xf32>,
    %gt3A_387 = arith.constant 0.000000e+00 : f32
    %gt3A_388 = vector.broadcast %gt3A_387 : f32 to vector<16xf32>
    %gt3A_389 = arith.cmpf ogt, %get3A_386, %gt3A_388 : vector<16xf32>
    %get3A_390 = arith.constant 1 : i32
    %get3A_391 = arith.index_cast %get3A_390 : i32 to index
    %get3A_392 = arith.constant 112 : index
    %get3A_393 = tpu.vector_load %arg18[%get3A_391, %get3A_392] {strides = array<i32>} : memref<8x128xf32, #tpu.memory_space<vmem>>, vector<16xf32>,
    %jit3A_394 = arith.constant 1.000000e+00 : f32
    %broadcast_in_dim3A_395 = vector.broadcast %jit3A_394 : f32 to vector<16xf32>
    %select_n3A_396 = arith.select %gt3A_389, %broadcast_in_dim3A_395, %get3A_393 : vector<16xi1>, vector<16xf32>
    %swap3A_397 = arith.constant 1 : i32
    %swap3A_398 = arith.index_cast %swap3A_397 : i32 to index
    %swap3A_399 = arith.constant 112 : index
    %swap3A_400 = tpu.vector_load %arg17[%swap3A_398, %swap3A_399] {strides = array<i32>} : memref<8x128xf32, #tpu.memory_space<vmem>>, vector<16xf32>,
    tpu.vector_store %arg17[%swap3A_398, %swap3A_399], %select_n3A_396 {strides = array<i32>} : memref<8x128xf32, #tpu.memory_space<vmem>>, vector<16xf32>,
    %get3A_401 = arith.constant 2 : i32
    %get3A_402 = arith.index_cast %get3A_401 : i32 to index
    %get3A_403 = arith.constant 0 : index
    %get3A_404 = tpu.vector_load %arg17[%get3A_402, %get3A_403] {strides = array<i32>} : memref<8x128xf32, #tpu.memory_space<vmem>>, vector<16xf32>,
    %gt3A_405 = arith.constant 0.000000e+00 : f32
    %gt3A_406 = vector.broadcast %gt3A_405 : f32 to vector<16xf32>
    %gt3A_407 = arith.cmpf ogt, %get3A_404, %gt3A_406 : vector<16xf32>
    %get3A_408 = arith.constant 2 : i32
    %get3A_409 = arith.index_cast %get3A_408 : i32 to index
    %get3A_410 = arith.constant 0 : index
    %get3A_411 = tpu.vector_load %arg18[%get3A_409, %get3A_410] {strides = array<i32>} : memref<8x128xf32, #tpu.memory_space<vmem>>, vector<16xf32>,
    %jit3A_412 = arith.constant 1.000000e+00 : f32
    %broadcast_in_dim3A_413 = vector.broadcast %jit3A_412 : f32 to vector<16xf32>
    %select_n3A_414 = arith.select %gt3A_407, %broadcast_in_dim3A_413, %get3A_411 : vector<16xi1>, vector<16xf32>
    %swap3A_415 = arith.constant 2 : i32
    %swap3A_416 = arith.index_cast %swap3A_415 : i32 to index
    %swap3A_417 = arith.constant 0 : index
    %swap3A_418 = tpu.vector_load %arg17[%swap3A_416, %swap3A_417] {strides = array<i32>} : memref<8x128xf32, #tpu.memory_space<vmem>>, vector<16xf32>,
    tpu.vector_store %arg17[%swap3A_416, %swap3A_417], %select_n3A_414 {strides = array<i32>} : memref<8x128xf32, #tpu.memory_space<vmem>>, vector<16xf32>,
    %get3A_419 = arith.constant 2 : i32
    %get3A_420 = arith.index_cast %get3A_419 : i32 to index
    %get3A_421 = arith.constant 16 : index
    %get3A_422 = tpu.vector_load %arg17[%get3A_420, %get3A_421] {strides = array<i32>} : memref<8x128xf32, #tpu.memory_space<vmem>>, vector<16xf32>,
    %gt3A_423 = arith.constant 0.000000e+00 : f32
    %gt3A_424 = vector.broadcast %gt3A_423 : f32 to vector<16xf32>
    %gt3A_425 = arith.cmpf ogt, %get3A_422, %gt3A_424 : vector<16xf32>
    %get3A_426 = arith.constant 2 : i32
    %get3A_427 = arith.index_cast %get3A_426 : i32 to index
    %get3A_428 = arith.constant 16 : index
    %get3A_429 = tpu.vector_load %arg18[%get3A_427, %get3A_428] {strides = array<i32>} : memref<8x128xf32, #tpu.memory_space<vmem>>, vector<16xf32>,
    %jit3A_430 = arith.constant 1.000000e+00 : f32
    %broadcast_in_dim3A_431 = vector.broadcast %jit3A_430 : f32 to vector<16xf32>
    %select_n3A_432 = arith.select %gt3A_425, %broadcast_in_dim3A_431, %get3A_429 : vector<16xi1>, vector<16xf32>
    %swap3A_433 = arith.constant 2 : i32
    %swap3A_434 = arith.index_cast %swap3A_433 : i32 to index
    %swap3A_435 = arith.constant 16 : index
    %swap3A_436 = tpu.vector_load %arg17[%swap3A_434, %swap3A_435] {strides = array<i32>} : memref<8x128xf32, #tpu.memory_space<vmem>>, vector<16xf32>,
    tpu.vector_store %arg17[%swap3A_434, %swap3A_435], %select_n3A_432 {strides = array<i32>} : memref<8x128xf32, #tpu.memory_space<vmem>>, vector<16xf32>,
    %get3A_437 = arith.constant 2 : i32
    %get3A_438 = arith.index_cast %get3A_437 : i32 to index
    %get3A_439 = arith.constant 32 : index
    %get3A_440 = tpu.vector_load %arg17[%get3A_438, %get3A_439] {strides = array<i32>} : memref<8x128xf32, #tpu.memory_space<vmem>>, vector<16xf32>,
    %gt3A_441 = arith.constant 0.000000e+00 : f32
    %gt3A_442 = vector.broadcast %gt3A_441 : f32 to vector<16xf32>
    %gt3A_443 = arith.cmpf ogt, %get3A_440, %gt3A_442 : vector<16xf32>
    %get3A_444 = arith.constant 2 : i32
    %get3A_445 = arith.index_cast %get3A_444 : i32 to index
    %get3A_446 = arith.constant 32 : index
    %get3A_447 = tpu.vector_load %arg18[%get3A_445, %get3A_446] {strides = array<i32>} : memref<8x128xf32, #tpu.memory_space<vmem>>, vector<16xf32>,
    %jit3A_448 = arith.constant 1.000000e+00 : f32
    %broadcast_in_dim3A_449 = vector.broadcast %jit3A_448 : f32 to vector<16xf32>
    %select_n3A_450 = arith.select %gt3A_443, %broadcast_in_dim3A_449, %get3A_447 : vector<16xi1>, vector<16xf32>
    %swap3A_451 = arith.constant 2 : i32
    %swap3A_452 = arith.index_cast %swap3A_451 : i32 to index
    %swap3A_453 = arith.constant 32 : index
    %swap3A_454 = tpu.vector_load %arg17[%swap3A_452, %swap3A_453] {strides = array<i32>} : memref<8x128xf32, #tpu.memory_space<vmem>>, vector<16xf32>,
    tpu.vector_store %arg17[%swap3A_452, %swap3A_453], %select_n3A_450 {strides = array<i32>} : memref<8x128xf32, #tpu.memory_space<vmem>>, vector<16xf32>,
    %get3A_455 = arith.constant 2 : i32
    %get3A_456 = arith.index_cast %get3A_455 : i32 to index
    %get3A_457 = arith.constant 48 : index
    %get3A_458 = tpu.vector_load %arg17[%get3A_456, %get3A_457] {strides = array<i32>} : memref<8x128xf32, #tpu.memory_space<vmem>>, vector<16xf32>,
    %gt3A_459 = arith.constant 0.000000e+00 : f32
    %gt3A_460 = vector.broadcast %gt3A_459 : f32 to vector<16xf32>
    %gt3A_461 = arith.cmpf ogt, %get3A_458, %gt3A_460 : vector<16xf32>
    %get3A_462 = arith.constant 2 : i32
    %get3A_463 = arith.index_cast %get3A_462 : i32 to index
    %get3A_464 = arith.constant 48 : index
    %get3A_465 = tpu.vector_load %arg18[%get3A_463, %get3A_464] {strides = array<i32>} : memref<8x128xf32, #tpu.memory_space<vmem>>, vector<16xf32>,
    %jit3A_466 = arith.constant 1.000000e+00 : f32
    %broadcast_in_dim3A_467 = vector.broadcast %jit3A_466 : f32 to vector<16xf32>
    %select_n3A_468 = arith.select %gt3A_461, %broadcast_in_dim3A_467, %get3A_465 : vector<16xi1>, vector<16xf32>
    %swap3A_469 = arith.constant 2 : i32
    %swap3A_470 = arith.index_cast %swap3A_469 : i32 to index
    %swap3A_471 = arith.constant 48 : index
    %swap3A_472 = tpu.vector_load %arg17[%swap3A_470, %swap3A_471] {strides = array<i32>} : memref<8x128xf32, #tpu.memory_space<vmem>>, vector<16xf32>,
    tpu.vector_store %arg17[%swap3A_470, %swap3A_471], %select_n3A_468 {strides = array<i32>} : memref<8x128xf32, #tpu.memory_space<vmem>>, vector<16xf32>,
    %get3A_473 = arith.constant 2 : i32
    %get3A_474 = arith.index_cast %get3A_473 : i32 to index
    %get3A_475 = arith.constant 64 : index
    %get3A_476 = tpu.vector_load %arg17[%get3A_474, %get3A_475] {strides = array<i32>} : memref<8x128xf32, #tpu.memory_space<vmem>>, vector<16xf32>,
    %gt3A_477 = arith.constant 0.000000e+00 : f32
    %gt3A_478 = vector.broadcast %gt3A_477 : f32 to vector<16xf32>
    %gt3A_479 = arith.cmpf ogt, %get3A_476, %gt3A_478 : vector<16xf32>
    %get3A_480 = arith.constant 2 : i32
    %get3A_481 = arith.index_cast %get3A_480 : i32 to index
    %get3A_482 = arith.constant 64 : index
    %get3A_483 = tpu.vector_load %arg18[%get3A_481, %get3A_482] {strides = array<i32>} : memref<8x128xf32, #tpu.memory_space<vmem>>, vector<16xf32>,
    %jit3A_484 = arith.constant 1.000000e+00 : f32
    %broadcast_in_dim3A_485 = vector.broadcast %jit3A_484 : f32 to vector<16xf32>
    %select_n3A_486 = arith.select %gt3A_479, %broadcast_in_dim3A_485, %get3A_483 : vector<16xi1>, vector<16xf32>
    %swap3A_487 = arith.constant 2 : i32
    %swap3A_488 = arith.index_cast %swap3A_487 : i32 to index
    %swap3A_489 = arith.constant 64 : index
    %swap3A_490 = tpu.vector_load %arg17[%swap3A_488, %swap3A_489] {strides = array<i32>} : memref<8x128xf32, #tpu.memory_space<vmem>>, vector<16xf32>,
    tpu.vector_store %arg17[%swap3A_488, %swap3A_489], %select_n3A_486 {strides = array<i32>} : memref<8x128xf32, #tpu.memory_space<vmem>>, vector<16xf32>,
    %get3A_491 = arith.constant 2 : i32
    %get3A_492 = arith.index_cast %get3A_491 : i32 to index
    %get3A_493 = arith.constant 80 : index
    %get3A_494 = tpu.vector_load %arg17[%get3A_492, %get3A_493] {strides = array<i32>} : memref<8x128xf32, #tpu.memory_space<vmem>>, vector<16xf32>,
    %gt3A_495 = arith.constant 0.000000e+00 : f32
    %gt3A_496 = vector.broadcast %gt3A_495 : f32 to vector<16xf32>
    %gt3A_497 = arith.cmpf ogt, %get3A_494, %gt3A_496 : vector<16xf32>
    %get3A_498 = arith.constant 2 : i32
    %get3A_499 = arith.index_cast %get3A_498 : i32 to index
    %get3A_500 = arith.constant 80 : index
    %get3A_501 = tpu.vector_load %arg18[%get3A_499, %get3A_500] {strides = array<i32>} : memref<8x128xf32, #tpu.memory_space<vmem>>, vector<16xf32>,
    %jit3A_502 = arith.constant 1.000000e+00 : f32
    %broadcast_in_dim3A_503 = vector.broadcast %jit3A_502 : f32 to vector<16xf32>
    %select_n3A_504 = arith.select %gt3A_497, %broadcast_in_dim3A_503, %get3A_501 : vector<16xi1>, vector<16xf32>
    %swap3A_505 = arith.constant 2 : i32
    %swap3A_506 = arith.index_cast %swap3A_505 : i32 to index
    %swap3A_507 = arith.constant 80 : index
    %swap3A_508 = tpu.vector_load %arg17[%swap3A_506, %swap3A_507] {strides = array<i32>} : memref<8x128xf32, #tpu.memory_space<vmem>>, vector<16xf32>,
    tpu.vector_store %arg17[%swap3A_506, %swap3A_507], %select_n3A_504 {strides = array<i32>} : memref<8x128xf32, #tpu.memory_space<vmem>>, vector<16xf32>,
    %get3A_509 = arith.constant 2 : i32
    %get3A_510 = arith.index_cast %get3A_509 : i32 to index
    %get3A_511 = arith.constant 96 : index
    %get3A_512 = tpu.vector_load %arg17[%get3A_510, %get3A_511] {strides = array<i32>} : memref<8x128xf32, #tpu.memory_space<vmem>>, vector<16xf32>,
    %gt3A_513 = arith.constant 0.000000e+00 : f32
    %gt3A_514 = vector.broadcast %gt3A_513 : f32 to vector<16xf32>
    %gt3A_515 = arith.cmpf ogt, %get3A_512, %gt3A_514 : vector<16xf32>
    %get3A_516 = arith.constant 2 : i32
    %get3A_517 = arith.index_cast %get3A_516 : i32 to index
    %get3A_518 = arith.constant 96 : index
    %get3A_519 = tpu.vector_load %arg18[%get3A_517, %get3A_518] {strides = array<i32>} : memref<8x128xf32, #tpu.memory_space<vmem>>, vector<16xf32>,
    %jit3A_520 = arith.constant 1.000000e+00 : f32
    %broadcast_in_dim3A_521 = vector.broadcast %jit3A_520 : f32 to vector<16xf32>
    %select_n3A_522 = arith.select %gt3A_515, %broadcast_in_dim3A_521, %get3A_519 : vector<16xi1>, vector<16xf32>
    %swap3A_523 = arith.constant 2 : i32
    %swap3A_524 = arith.index_cast %swap3A_523 : i32 to index
    %swap3A_525 = arith.constant 96 : index
    %swap3A_526 = tpu.vector_load %arg17[%swap3A_524, %swap3A_525] {strides = array<i32>} : memref<8x128xf32, #tpu.memory_space<vmem>>, vector<16xf32>,
    tpu.vector_store %arg17[%swap3A_524, %swap3A_525], %select_n3A_522 {strides = array<i32>} : memref<8x128xf32, #tpu.memory_space<vmem>>, vector<16xf32>,
    %get3A_527 = arith.constant 2 : i32
    %get3A_528 = arith.index_cast %get3A_527 : i32 to index
    %get3A_529 = arith.constant 112 : index
    %get3A_530 = tpu.vector_load %arg17[%get3A_528, %get3A_529] {strides = array<i32>} : memref<8x128xf32, #tpu.memory_space<vmem>>, vector<16xf32>,
    %gt3A_531 = arith.constant 0.000000e+00 : f32
    %gt3A_532 = vector.broadcast %gt3A_531 : f32 to vector<16xf32>
    %gt3A_533 = arith.cmpf ogt, %get3A_530, %gt3A_532 : vector<16xf32>
    %get3A_534 = arith.constant 2 : i32
    %get3A_535 = arith.index_cast %get3A_534 : i32 to index
    %get3A_536 = arith.constant 112 : index
    %get3A_537 = tpu.vector_load %arg18[%get3A_535, %get3A_536] {strides = array<i32>} : memref<8x128xf32, #tpu.memory_space<vmem>>, vector<16xf32>,
    %jit3A_538 = arith.constant 1.000000e+00 : f32
    %broadcast_in_dim3A_539 = vector.broadcast %jit3A_538 : f32 to vector<16xf32>
    %select_n3A_540 = arith.select %gt3A_533, %broadcast_in_dim3A_539, %get3A_537 : vector<16xi1>, vector<16xf32>
    %swap3A_541 = arith.constant 2 : i32
    %swap3A_542 = arith.index_cast %swap3A_541 : i32 to index
    %swap3A_543 = arith.constant 112 : index
    %swap3A_544 = tpu.vector_load %arg17[%swap3A_542, %swap3A_543] {strides = array<i32>} : memref<8x128xf32, #tpu.memory_space<vmem>>, vector<16xf32>,
    tpu.vector_store %arg17[%swap3A_542, %swap3A_543], %select_n3A_540 {strides = array<i32>} : memref<8x128xf32, #tpu.memory_space<vmem>>, vector<16xf32>,
    %get3A_545 = arith.constant 3 : i32
    %get3A_546 = arith.index_cast %get3A_545 : i32 to index
    %get3A_547 = arith.constant 0 : index
    %get3A_548 = tpu.vector_load %arg17[%get3A_546, %get3A_547] {strides = array<i32>} : memref<8x128xf32, #tpu.memory_space<vmem>>, vector<16xf32>,
    %gt3A_549 = arith.constant 0.000000e+00 : f32
    %gt3A_550 = vector.broadcast %gt3A_549 : f32 to vector<16xf32>
    %gt3A_551 = arith.cmpf ogt, %get3A_548, %gt3A_550 : vector<16xf32>
    %get3A_552 = arith.constant 3 : i32
    %get3A_553 = arith.index_cast %get3A_552 : i32 to index
    %get3A_554 = arith.constant 0 : index
    %get3A_555 = tpu.vector_load %arg18[%get3A_553, %get3A_554] {strides = array<i32>} : memref<8x128xf32, #tpu.memory_space<vmem>>, vector<16xf32>,
    %jit3A_556 = arith.constant 1.000000e+00 : f32
    %broadcast_in_dim3A_557 = vector.broadcast %jit3A_556 : f32 to vector<16xf32>
    %select_n3A_558 = arith.select %gt3A_551, %broadcast_in_dim3A_557, %get3A_555 : vector<16xi1>, vector<16xf32>
    %swap3A_559 = arith.constant 3 : i32
    %swap3A_560 = arith.index_cast %swap3A_559 : i32 to index
    %swap3A_561 = arith.constant 0 : index
    %swap3A_562 = tpu.vector_load %arg17[%swap3A_560, %swap3A_561] {strides = array<i32>} : memref<8x128xf32, #tpu.memory_space<vmem>>, vector<16xf32>,
    tpu.vector_store %arg17[%swap3A_560, %swap3A_561], %select_n3A_558 {strides = array<i32>} : memref<8x128xf32, #tpu.memory_space<vmem>>, vector<16xf32>,
    %get3A_563 = arith.constant 3 : i32
    %get3A_564 = arith.index_cast %get3A_563 : i32 to index
    %get3A_565 = arith.constant 16 : index
    %get3A_566 = tpu.vector_load %arg17[%get3A_564, %get3A_565] {strides = array<i32>} : memref<8x128xf32, #tpu.memory_space<vmem>>, vector<16xf32>,
    %gt3A_567 = arith.constant 0.000000e+00 : f32
    %gt3A_568 = vector.broadcast %gt3A_567 : f32 to vector<16xf32>
    %gt3A_569 = arith.cmpf ogt, %get3A_566, %gt3A_568 : vector<16xf32>
    %get3A_570 = arith.constant 3 : i32
    %get3A_571 = arith.index_cast %get3A_570 : i32 to index
    %get3A_572 = arith.constant 16 : index
    %get3A_573 = tpu.vector_load %arg18[%get3A_571, %get3A_572] {strides = array<i32>} : memref<8x128xf32, #tpu.memory_space<vmem>>, vector<16xf32>,
    %jit3A_574 = arith.constant 1.000000e+00 : f32
    %broadcast_in_dim3A_575 = vector.broadcast %jit3A_574 : f32 to vector<16xf32>
    %select_n3A_576 = arith.select %gt3A_569, %broadcast_in_dim3A_575, %get3A_573 : vector<16xi1>, vector<16xf32>
    %swap3A_577 = arith.constant 3 : i32
    %swap3A_578 = arith.index_cast %swap3A_577 : i32 to index
    %swap3A_579 = arith.constant 16 : index
    %swap3A_580 = tpu.vector_load %arg17[%swap3A_578, %swap3A_579] {strides = array<i32>} : memref<8x128xf32, #tpu.memory_space<vmem>>, vector<16xf32>,
    tpu.vector_store %arg17[%swap3A_578, %swap3A_579], %select_n3A_576 {strides = array<i32>} : memref<8x128xf32, #tpu.memory_space<vmem>>, vector<16xf32>,
    %get3A_581 = arith.constant 3 : i32
    %get3A_582 = arith.index_cast %get3A_581 : i32 to index
    %get3A_583 = arith.constant 32 : index
    %get3A_584 = tpu.vector_load %arg17[%get3A_582, %get3A_583] {strides = array<i32>} : memref<8x128xf32, #tpu.memory_space<vmem>>, vector<16xf32>,
    %gt3A_585 = arith.constant 0.000000e+00 : f32
    %gt3A_586 = vector.broadcast %gt3A_585 : f32 to vector<16xf32>
    %gt3A_587 = arith.cmpf ogt, %get3A_584, %gt3A_586 : vector<16xf32>
    %get3A_588 = arith.constant 3 : i32
    %get3A_589 = arith.index_cast %get3A_588 : i32 to index
    %get3A_590 = arith.constant 32 : index
    %get3A_591 = tpu.vector_load %arg18[%get3A_589, %get3A_590] {strides = array<i32>} : memref<8x128xf32, #tpu.memory_space<vmem>>, vector<16xf32>,
    %jit3A_592 = arith.constant 1.000000e+00 : f32
    %broadcast_in_dim3A_593 = vector.broadcast %jit3A_592 : f32 to vector<16xf32>
    %select_n3A_594 = arith.select %gt3A_587, %broadcast_in_dim3A_593, %get3A_591 : vector<16xi1>, vector<16xf32>
    %swap3A_595 = arith.constant 3 : i32
    %swap3A_596 = arith.index_cast %swap3A_595 : i32 to index
    %swap3A_597 = arith.constant 32 : index
    %swap3A_598 = tpu.vector_load %arg17[%swap3A_596, %swap3A_597] {strides = array<i32>} : memref<8x128xf32, #tpu.memory_space<vmem>>, vector<16xf32>,
    tpu.vector_store %arg17[%swap3A_596, %swap3A_597], %select_n3A_594 {strides = array<i32>} : memref<8x128xf32, #tpu.memory_space<vmem>>, vector<16xf32>,
    %get3A_599 = arith.constant 3 : i32
    %get3A_600 = arith.index_cast %get3A_599 : i32 to index
    %get3A_601 = arith.constant 48 : index
    %get3A_602 = tpu.vector_load %arg17[%get3A_600, %get3A_601] {strides = array<i32>} : memref<8x128xf32, #tpu.memory_space<vmem>>, vector<16xf32>,
    %gt3A_603 = arith.constant 0.000000e+00 : f32
    %gt3A_604 = vector.broadcast %gt3A_603 : f32 to vector<16xf32>
    %gt3A_605 = arith.cmpf ogt, %get3A_602, %gt3A_604 : vector<16xf32>
    %get3A_606 = arith.constant 3 : i32
    %get3A_607 = arith.index_cast %get3A_606 : i32 to index
    %get3A_608 = arith.constant 48 : index
    %get3A_609 = tpu.vector_load %arg18[%get3A_607, %get3A_608] {strides = array<i32>} : memref<8x128xf32, #tpu.memory_space<vmem>>, vector<16xf32>,
    %jit3A_610 = arith.constant 1.000000e+00 : f32
    %broadcast_in_dim3A_611 = vector.broadcast %jit3A_610 : f32 to vector<16xf32>
    %select_n3A_612 = arith.select %gt3A_605, %broadcast_in_dim3A_611, %get3A_609 : vector<16xi1>, vector<16xf32>
    %swap3A_613 = arith.constant 3 : i32
    %swap3A_614 = arith.index_cast %swap3A_613 : i32 to index
    %swap3A_615 = arith.constant 48 : index
    %swap3A_616 = tpu.vector_load %arg17[%swap3A_614, %swap3A_615] {strides = array<i32>} : memref<8x128xf32, #tpu.memory_space<vmem>>, vector<16xf32>,
    tpu.vector_store %arg17[%swap3A_614, %swap3A_615], %select_n3A_612 {strides = array<i32>} : memref<8x128xf32, #tpu.memory_space<vmem>>, vector<16xf32>,
    %get3A_617 = arith.constant 3 : i32
    %get3A_618 = arith.index_cast %get3A_617 : i32 to index
    %get3A_619 = arith.constant 64 : index
    %get3A_620 = tpu.vector_load %arg17[%get3A_618, %get3A_619] {strides = array<i32>} : memref<8x128xf32, #tpu.memory_space<vmem>>, vector<16xf32>,
    %gt3A_621 = arith.constant 0.000000e+00 : f32
    %gt3A_622 = vector.broadcast %gt3A_621 : f32 to vector<16xf32>
    %gt3A_623 = arith.cmpf ogt, %get3A_620, %gt3A_622 : vector<16xf32>
    %get3A_624 = arith.constant 3 : i32
    %get3A_625 = arith.index_cast %get3A_624 : i32 to index
    %get3A_626 = arith.constant 64 : index
    %get3A_627 = tpu.vector_load %arg18[%get3A_625, %get3A_626] {strides = array<i32>} : memref<8x128xf32, #tpu.memory_space<vmem>>, vector<16xf32>,
    %jit3A_628 = arith.constant 1.000000e+00 : f32
    %broadcast_in_dim3A_629 = vector.broadcast %jit3A_628 : f32 to vector<16xf32>
    %select_n3A_630 = arith.select %gt3A_623, %broadcast_in_dim3A_629, %get3A_627 : vector<16xi1>, vector<16xf32>
    %swap3A_631 = arith.constant 3 : i32
    %swap3A_632 = arith.index_cast %swap3A_631 : i32 to index
    %swap3A_633 = arith.constant 64 : index
    %swap3A_634 = tpu.vector_load %arg17[%swap3A_632, %swap3A_633] {strides = array<i32>} : memref<8x128xf32, #tpu.memory_space<vmem>>, vector<16xf32>,
    tpu.vector_store %arg17[%swap3A_632, %swap3A_633], %select_n3A_630 {strides = array<i32>} : memref<8x128xf32, #tpu.memory_space<vmem>>, vector<16xf32>,
    %get3A_635 = arith.constant 3 : i32
    %get3A_636 = arith.index_cast %get3A_635 : i32 to index
    %get3A_637 = arith.constant 80 : index
    %get3A_638 = tpu.vector_load %arg17[%get3A_636, %get3A_637] {strides = array<i32>} : memref<8x128xf32, #tpu.memory_space<vmem>>, vector<16xf32>,
    %gt3A_639 = arith.constant 0.000000e+00 : f32
    %gt3A_640 = vector.broadcast %gt3A_639 : f32 to vector<16xf32>
    %gt3A_641 = arith.cmpf ogt, %get3A_638, %gt3A_640 : vector<16xf32>
    %get3A_642 = arith.constant 3 : i32
    %get3A_643 = arith.index_cast %get3A_642 : i32 to index
    %get3A_644 = arith.constant 80 : index
    %get3A_645 = tpu.vector_load %arg18[%get3A_643, %get3A_644] {strides = array<i32>} : memref<8x128xf32, #tpu.memory_space<vmem>>, vector<16xf32>,
    %jit3A_646 = arith.constant 1.000000e+00 : f32
    %broadcast_in_dim3A_647 = vector.broadcast %jit3A_646 : f32 to vector<16xf32>
    %select_n3A_648 = arith.select %gt3A_641, %broadcast_in_dim3A_647, %get3A_645 : vector<16xi1>, vector<16xf32>
    %swap3A_649 = arith.constant 3 : i32
    %swap3A_650 = arith.index_cast %swap3A_649 : i32 to index
    %swap3A_651 = arith.constant 80 : index
    %swap3A_652 = tpu.vector_load %arg17[%swap3A_650, %swap3A_651] {strides = array<i32>} : memref<8x128xf32, #tpu.memory_space<vmem>>, vector<16xf32>,
    tpu.vector_store %arg17[%swap3A_650, %swap3A_651], %select_n3A_648 {strides = array<i32>} : memref<8x128xf32, #tpu.memory_space<vmem>>, vector<16xf32>,
    %get3A_653 = arith.constant 3 : i32
    %get3A_654 = arith.index_cast %get3A_653 : i32 to index
    %get3A_655 = arith.constant 96 : index
    %get3A_656 = tpu.vector_load %arg17[%get3A_654, %get3A_655] {strides = array<i32>} : memref<8x128xf32, #tpu.memory_space<vmem>>, vector<16xf32>,
    %gt3A_657 = arith.constant 0.000000e+00 : f32
    %gt3A_658 = vector.broadcast %gt3A_657 : f32 to vector<16xf32>
    %gt3A_659 = arith.cmpf ogt, %get3A_656, %gt3A_658 : vector<16xf32>
    %get3A_660 = arith.constant 3 : i32
    %get3A_661 = arith.index_cast %get3A_660 : i32 to index
    %get3A_662 = arith.constant 96 : index
    %get3A_663 = tpu.vector_load %arg18[%get3A_661, %get3A_662] {strides = array<i32>} : memref<8x128xf32, #tpu.memory_space<vmem>>, vector<16xf32>,
    %jit3A_664 = arith.constant 1.000000e+00 : f32
    %broadcast_in_dim3A_665 = vector.broadcast %jit3A_664 : f32 to vector<16xf32>
    %select_n3A_666 = arith.select %gt3A_659, %broadcast_in_dim3A_665, %get3A_663 : vector<16xi1>, vector<16xf32>
    %swap3A_667 = arith.constant 3 : i32
    %swap3A_668 = arith.index_cast %swap3A_667 : i32 to index
    %swap3A_669 = arith.constant 96 : index
    %swap3A_670 = tpu.vector_load %arg17[%swap3A_668, %swap3A_669] {strides = array<i32>} : memref<8x128xf32, #tpu.memory_space<vmem>>, vector<16xf32>,
    tpu.vector_store %arg17[%swap3A_668, %swap3A_669], %select_n3A_666 {strides = array<i32>} : memref<8x128xf32, #tpu.memory_space<vmem>>, vector<16xf32>,
    %get3A_671 = arith.constant 3 : i32
    %get3A_672 = arith.index_cast %get3A_671 : i32 to index
    %get3A_673 = arith.constant 112 : index
    %get3A_674 = tpu.vector_load %arg17[%get3A_672, %get3A_673] {strides = array<i32>} : memref<8x128xf32, #tpu.memory_space<vmem>>, vector<16xf32>,
    %gt3A_675 = arith.constant 0.000000e+00 : f32
    %gt3A_676 = vector.broadcast %gt3A_675 : f32 to vector<16xf32>
    %gt3A_677 = arith.cmpf ogt, %get3A_674, %gt3A_676 : vector<16xf32>
    %get3A_678 = arith.constant 3 : i32
    %get3A_679 = arith.index_cast %get3A_678 : i32 to index
    %get3A_680 = arith.constant 112 : index
    %get3A_681 = tpu.vector_load %arg18[%get3A_679, %get3A_680] {strides = array<i32>} : memref<8x128xf32, #tpu.memory_space<vmem>>, vector<16xf32>,
    %jit3A_682 = arith.constant 1.000000e+00 : f32
    %broadcast_in_dim3A_683 = vector.broadcast %jit3A_682 : f32 to vector<16xf32>
    %select_n3A_684 = arith.select %gt3A_677, %broadcast_in_dim3A_683, %get3A_681 : vector<16xi1>, vector<16xf32>
    %swap3A_685 = arith.constant 3 : i32
    %swap3A_686 = arith.index_cast %swap3A_685 : i32 to index
    %swap3A_687 = arith.constant 112 : index
    %swap3A_688 = tpu.vector_load %arg17[%swap3A_686, %swap3A_687] {strides = array<i32>} : memref<8x128xf32, #tpu.memory_space<vmem>>, vector<16xf32>,
    tpu.vector_store %arg17[%swap3A_686, %swap3A_687], %select_n3A_684 {strides = array<i32>} : memref<8x128xf32, #tpu.memory_space<vmem>>, vector<16xf32>,
    %get3A_689 = arith.constant 4 : i32
    %get3A_690 = arith.index_cast %get3A_689 : i32 to index
    %get3A_691 = arith.constant 0 : index
    %get3A_692 = tpu.vector_load %arg17[%get3A_690, %get3A_691] {strides = array<i32>} : memref<8x128xf32, #tpu.memory_space<vmem>>, vector<16xf32>,
    %gt3A_693 = arith.constant 0.000000e+00 : f32
    %gt3A_694 = vector.broadcast %gt3A_693 : f32 to vector<16xf32>
    %gt3A_695 = arith.cmpf ogt, %get3A_692, %gt3A_694 : vector<16xf32>
    %get3A_696 = arith.constant 4 : i32
    %get3A_697 = arith.index_cast %get3A_696 : i32 to index
    %get3A_698 = arith.constant 0 : index
    %get3A_699 = tpu.vector_load %arg18[%get3A_697, %get3A_698] {strides = array<i32>} : memref<8x128xf32, #tpu.memory_space<vmem>>, vector<16xf32>,
    %jit3A_700 = arith.constant 1.000000e+00 : f32
    %broadcast_in_dim3A_701 = vector.broadcast %jit3A_700 : f32 to vector<16xf32>
    %select_n3A_702 = arith.select %gt3A_695, %broadcast_in_dim3A_701, %get3A_699 : vector<16xi1>, vector<16xf32>
    %swap3A_703 = arith.constant 4 : i32
    %swap3A_704 = arith.index_cast %swap3A_703 : i32 to index
    %swap3A_705 = arith.constant 0 : index
    %swap3A_706 = tpu.vector_load %arg17[%swap3A_704, %swap3A_705] {strides = array<i32>} : memref<8x128xf32, #tpu.memory_space<vmem>>, vector<16xf32>,
    tpu.vector_store %arg17[%swap3A_704, %swap3A_705], %select_n3A_702 {strides = array<i32>} : memref<8x128xf32, #tpu.memory_space<vmem>>, vector<16xf32>,
    %get3A_707 = arith.constant 4 : i32
    %get3A_708 = arith.index_cast %get3A_707 : i32 to index
    %get3A_709 = arith.constant 16 : index
    %get3A_710 = tpu.vector_load %arg17[%get3A_708, %get3A_709] {strides = array<i32>} : memref<8x128xf32, #tpu.memory_space<vmem>>, vector<16xf32>,
    %gt3A_711 = arith.constant 0.000000e+00 : f32
    %gt3A_712 = vector.broadcast %gt3A_711 : f32 to vector<16xf32>
    %gt3A_713 = arith.cmpf ogt, %get3A_710, %gt3A_712 : vector<16xf32>
    %get3A_714 = arith.constant 4 : i32
    %get3A_715 = arith.index_cast %get3A_714 : i32 to index
    %get3A_716 = arith.constant 16 : index
    %get3A_717 = tpu.vector_load %arg18[%get3A_715, %get3A_716] {strides = array<i32>} : memref<8x128xf32, #tpu.memory_space<vmem>>, vector<16xf32>,
    %jit3A_718 = arith.constant 1.000000e+00 : f32
    %broadcast_in_dim3A_719 = vector.broadcast %jit3A_718 : f32 to vector<16xf32>
    %select_n3A_720 = arith.select %gt3A_713, %broadcast_in_dim3A_719, %get3A_717 : vector<16xi1>, vector<16xf32>
    %swap3A_721 = arith.constant 4 : i32
    %swap3A_722 = arith.index_cast %swap3A_721 : i32 to index
    %swap3A_723 = arith.constant 16 : index
    %swap3A_724 = tpu.vector_load %arg17[%swap3A_722, %swap3A_723] {strides = array<i32>} : memref<8x128xf32, #tpu.memory_space<vmem>>, vector<16xf32>,
    tpu.vector_store %arg17[%swap3A_722, %swap3A_723], %select_n3A_720 {strides = array<i32>} : memref<8x128xf32, #tpu.memory_space<vmem>>, vector<16xf32>,
    %get3A_725 = arith.constant 4 : i32
    %get3A_726 = arith.index_cast %get3A_725 : i32 to index
    %get3A_727 = arith.constant 32 : index
    %get3A_728 = tpu.vector_load %arg17[%get3A_726, %get3A_727] {strides = array<i32>} : memref<8x128xf32, #tpu.memory_space<vmem>>, vector<16xf32>,
    %gt3A_729 = arith.constant 0.000000e+00 : f32
    %gt3A_730 = vector.broadcast %gt3A_729 : f32 to vector<16xf32>
    %gt3A_731 = arith.cmpf ogt, %get3A_728, %gt3A_730 : vector<16xf32>
    %get3A_732 = arith.constant 4 : i32
    %get3A_733 = arith.index_cast %get3A_732 : i32 to index
    %get3A_734 = arith.constant 32 : index
    %get3A_735 = tpu.vector_load %arg18[%get3A_733, %get3A_734] {strides = array<i32>} : memref<8x128xf32, #tpu.memory_space<vmem>>, vector<16xf32>,
    %jit3A_736 = arith.constant 1.000000e+00 : f32
    %broadcast_in_dim3A_737 = vector.broadcast %jit3A_736 : f32 to vector<16xf32>
    %select_n3A_738 = arith.select %gt3A_731, %broadcast_in_dim3A_737, %get3A_735 : vector<16xi1>, vector<16xf32>
    %swap3A_739 = arith.constant 4 : i32
    %swap3A_740 = arith.index_cast %swap3A_739 : i32 to index
    %swap3A_741 = arith.constant 32 : index
    %swap3A_742 = tpu.vector_load %arg17[%swap3A_740, %swap3A_741] {strides = array<i32>} : memref<8x128xf32, #tpu.memory_space<vmem>>, vector<16xf32>,
    tpu.vector_store %arg17[%swap3A_740, %swap3A_741], %select_n3A_738 {strides = array<i32>} : memref<8x128xf32, #tpu.memory_space<vmem>>, vector<16xf32>,
    %get3A_743 = arith.constant 4 : i32
    %get3A_744 = arith.index_cast %get3A_743 : i32 to index
    %get3A_745 = arith.constant 48 : index
    %get3A_746 = tpu.vector_load %arg17[%get3A_744, %get3A_745] {strides = array<i32>} : memref<8x128xf32, #tpu.memory_space<vmem>>, vector<16xf32>,
    %gt3A_747 = arith.constant 0.000000e+00 : f32
    %gt3A_748 = vector.broadcast %gt3A_747 : f32 to vector<16xf32>
    %gt3A_749 = arith.cmpf ogt, %get3A_746, %gt3A_748 : vector<16xf32>
    %get3A_750 = arith.constant 4 : i32
    %get3A_751 = arith.index_cast %get3A_750 : i32 to index
    %get3A_752 = arith.constant 48 : index
    %get3A_753 = tpu.vector_load %arg18[%get3A_751, %get3A_752] {strides = array<i32>} : memref<8x128xf32, #tpu.memory_space<vmem>>, vector<16xf32>,
    %jit3A_754 = arith.constant 1.000000e+00 : f32
    %broadcast_in_dim3A_755 = vector.broadcast %jit3A_754 : f32 to vector<16xf32>
    %select_n3A_756 = arith.select %gt3A_749, %broadcast_in_dim3A_755, %get3A_753 : vector<16xi1>, vector<16xf32>
    %swap3A_757 = arith.constant 4 : i32
    %swap3A_758 = arith.index_cast %swap3A_757 : i32 to index
    %swap3A_759 = arith.constant 48 : index
    %swap3A_760 = tpu.vector_load %arg17[%swap3A_758, %swap3A_759] {strides = array<i32>} : memref<8x128xf32, #tpu.memory_space<vmem>>, vector<16xf32>,
    tpu.vector_store %arg17[%swap3A_758, %swap3A_759], %select_n3A_756 {strides = array<i32>} : memref<8x128xf32, #tpu.memory_space<vmem>>, vector<16xf32>,
    %get3A_761 = arith.constant 4 : i32
    %get3A_762 = arith.index_cast %get3A_761 : i32 to index
    %get3A_763 = arith.constant 64 : index
    %get3A_764 = tpu.vector_load %arg17[%get3A_762, %get3A_763] {strides = array<i32>} : memref<8x128xf32, #tpu.memory_space<vmem>>, vector<16xf32>,
    %gt3A_765 = arith.constant 0.000000e+00 : f32
    %gt3A_766 = vector.broadcast %gt3A_765 : f32 to vector<16xf32>
    %gt3A_767 = arith.cmpf ogt, %get3A_764, %gt3A_766 : vector<16xf32>
    %get3A_768 = arith.constant 4 : i32
    %get3A_769 = arith.index_cast %get3A_768 : i32 to index
    %get3A_770 = arith.constant 64 : index
    %get3A_771 = tpu.vector_load %arg18[%get3A_769, %get3A_770] {strides = array<i32>} : memref<8x128xf32, #tpu.memory_space<vmem>>, vector<16xf32>,
    %jit3A_772 = arith.constant 1.000000e+00 : f32
    %broadcast_in_dim3A_773 = vector.broadcast %jit3A_772 : f32 to vector<16xf32>
    %select_n3A_774 = arith.select %gt3A_767, %broadcast_in_dim3A_773, %get3A_771 : vector<16xi1>, vector<16xf32>
    %swap3A_775 = arith.constant 4 : i32
    %swap3A_776 = arith.index_cast %swap3A_775 : i32 to index
    %swap3A_777 = arith.constant 64 : index
    %swap3A_778 = tpu.vector_load %arg17[%swap3A_776, %swap3A_777] {strides = array<i32>} : memref<8x128xf32, #tpu.memory_space<vmem>>, vector<16xf32>,
    tpu.vector_store %arg17[%swap3A_776, %swap3A_777], %select_n3A_774 {strides = array<i32>} : memref<8x128xf32, #tpu.memory_space<vmem>>, vector<16xf32>,
    %get3A_779 = arith.constant 4 : i32
    %get3A_780 = arith.index_cast %get3A_779 : i32 to index
    %get3A_781 = arith.constant 80 : index
    %get3A_782 = tpu.vector_load %arg17[%get3A_780, %get3A_781] {strides = array<i32>} : memref<8x128xf32, #tpu.memory_space<vmem>>, vector<16xf32>,
    %gt3A_783 = arith.constant 0.000000e+00 : f32
    %gt3A_784 = vector.broadcast %gt3A_783 : f32 to vector<16xf32>
    %gt3A_785 = arith.cmpf ogt, %get3A_782, %gt3A_784 : vector<16xf32>
    %get3A_786 = arith.constant 4 : i32
    %get3A_787 = arith.index_cast %get3A_786 : i32 to index
    %get3A_788 = arith.constant 80 : index
    %get3A_789 = tpu.vector_load %arg18[%get3A_787, %get3A_788] {strides = array<i32>} : memref<8x128xf32, #tpu.memory_space<vmem>>, vector<16xf32>,
    %jit3A_790 = arith.constant 1.000000e+00 : f32
    %broadcast_in_dim3A_791 = vector.broadcast %jit3A_790 : f32 to vector<16xf32>
    %select_n3A_792 = arith.select %gt3A_785, %broadcast_in_dim3A_791, %get3A_789 : vector<16xi1>, vector<16xf32>
    %swap3A_793 = arith.constant 4 : i32
    %swap3A_794 = arith.index_cast %swap3A_793 : i32 to index
    %swap3A_795 = arith.constant 80 : index
    %swap3A_796 = tpu.vector_load %arg17[%swap3A_794, %swap3A_795] {strides = array<i32>} : memref<8x128xf32, #tpu.memory_space<vmem>>, vector<16xf32>,
    tpu.vector_store %arg17[%swap3A_794, %swap3A_795], %select_n3A_792 {strides = array<i32>} : memref<8x128xf32, #tpu.memory_space<vmem>>, vector<16xf32>,
    %get3A_797 = arith.constant 4 : i32
    %get3A_798 = arith.index_cast %get3A_797 : i32 to index
    %get3A_799 = arith.constant 96 : index
    %get3A_800 = tpu.vector_load %arg17[%get3A_798, %get3A_799] {strides = array<i32>} : memref<8x128xf32, #tpu.memory_space<vmem>>, vector<16xf32>,
    %gt3A_801 = arith.constant 0.000000e+00 : f32
    %gt3A_802 = vector.broadcast %gt3A_801 : f32 to vector<16xf32>
    %gt3A_803 = arith.cmpf ogt, %get3A_800, %gt3A_802 : vector<16xf32>
    %get3A_804 = arith.constant 4 : i32
    %get3A_805 = arith.index_cast %get3A_804 : i32 to index
    %get3A_806 = arith.constant 96 : index
    %get3A_807 = tpu.vector_load %arg18[%get3A_805, %get3A_806] {strides = array<i32>} : memref<8x128xf32, #tpu.memory_space<vmem>>, vector<16xf32>,
    %jit3A_808 = arith.constant 1.000000e+00 : f32
    %broadcast_in_dim3A_809 = vector.broadcast %jit3A_808 : f32 to vector<16xf32>
    %select_n3A_810 = arith.select %gt3A_803, %broadcast_in_dim3A_809, %get3A_807 : vector<16xi1>, vector<16xf32>
    %swap3A_811 = arith.constant 4 : i32
    %swap3A_812 = arith.index_cast %swap3A_811 : i32 to index
    %swap3A_813 = arith.constant 96 : index
    %swap3A_814 = tpu.vector_load %arg17[%swap3A_812, %swap3A_813] {strides = array<i32>} : memref<8x128xf32, #tpu.memory_space<vmem>>, vector<16xf32>,
    tpu.vector_store %arg17[%swap3A_812, %swap3A_813], %select_n3A_810 {strides = array<i32>} : memref<8x128xf32, #tpu.memory_space<vmem>>, vector<16xf32>,
    %get3A_815 = arith.constant 4 : i32
    %get3A_816 = arith.index_cast %get3A_815 : i32 to index
    %get3A_817 = arith.constant 112 : index
    %get3A_818 = tpu.vector_load %arg17[%get3A_816, %get3A_817] {strides = array<i32>} : memref<8x128xf32, #tpu.memory_space<vmem>>, vector<16xf32>,
    %gt3A_819 = arith.constant 0.000000e+00 : f32
    %gt3A_820 = vector.broadcast %gt3A_819 : f32 to vector<16xf32>
    %gt3A_821 = arith.cmpf ogt, %get3A_818, %gt3A_820 : vector<16xf32>
    %get3A_822 = arith.constant 4 : i32
    %get3A_823 = arith.index_cast %get3A_822 : i32 to index
    %get3A_824 = arith.constant 112 : index
    %get3A_825 = tpu.vector_load %arg18[%get3A_823, %get3A_824] {strides = array<i32>} : memref<8x128xf32, #tpu.memory_space<vmem>>, vector<16xf32>,
    %jit3A_826 = arith.constant 1.000000e+00 : f32
    %broadcast_in_dim3A_827 = vector.broadcast %jit3A_826 : f32 to vector<16xf32>
    %select_n3A_828 = arith.select %gt3A_821, %broadcast_in_dim3A_827, %get3A_825 : vector<16xi1>, vector<16xf32>
    %swap3A_829 = arith.constant 4 : i32
    %swap3A_830 = arith.index_cast %swap3A_829 : i32 to index
    %swap3A_831 = arith.constant 112 : index
    %swap3A_832 = tpu.vector_load %arg17[%swap3A_830, %swap3A_831] {strides = array<i32>} : memref<8x128xf32, #tpu.memory_space<vmem>>, vector<16xf32>,
    tpu.vector_store %arg17[%swap3A_830, %swap3A_831], %select_n3A_828 {strides = array<i32>} : memref<8x128xf32, #tpu.memory_space<vmem>>, vector<16xf32>,
    %get3A_833 = arith.constant 5 : i32
    %get3A_834 = arith.index_cast %get3A_833 : i32 to index
    %get3A_835 = arith.constant 0 : index
    %get3A_836 = tpu.vector_load %arg17[%get3A_834, %get3A_835] {strides = array<i32>} : memref<8x128xf32, #tpu.memory_space<vmem>>, vector<16xf32>,
    %gt3A_837 = arith.constant 0.000000e+00 : f32
    %gt3A_838 = vector.broadcast %gt3A_837 : f32 to vector<16xf32>
    %gt3A_839 = arith.cmpf ogt, %get3A_836, %gt3A_838 : vector<16xf32>
    %get3A_840 = arith.constant 5 : i32
    %get3A_841 = arith.index_cast %get3A_840 : i32 to index
    %get3A_842 = arith.constant 0 : index
    %get3A_843 = tpu.vector_load %arg18[%get3A_841, %get3A_842] {strides = array<i32>} : memref<8x128xf32, #tpu.memory_space<vmem>>, vector<16xf32>,
    %jit3A_844 = arith.constant 1.000000e+00 : f32
    %broadcast_in_dim3A_845 = vector.broadcast %jit3A_844 : f32 to vector<16xf32>
    %select_n3A_846 = arith.select %gt3A_839, %broadcast_in_dim3A_845, %get3A_843 : vector<16xi1>, vector<16xf32>
    %swap3A_847 = arith.constant 5 : i32
    %swap3A_848 = arith.index_cast %swap3A_847 : i32 to index
    %swap3A_849 = arith.constant 0 : index
    %swap3A_850 = tpu.vector_load %arg17[%swap3A_848, %swap3A_849] {strides = array<i32>} : memref<8x128xf32, #tpu.memory_space<vmem>>, vector<16xf32>,
    tpu.vector_store %arg17[%swap3A_848, %swap3A_849], %select_n3A_846 {strides = array<i32>} : memref<8x128xf32, #tpu.memory_space<vmem>>, vector<16xf32>,
    %get3A_851 = arith.constant 5 : i32
    %get3A_852 = arith.index_cast %get3A_851 : i32 to index
    %get3A_853 = arith.constant 16 : index
    %get3A_854 = tpu.vector_load %arg17[%get3A_852, %get3A_853] {strides = array<i32>} : memref<8x128xf32, #tpu.memory_space<vmem>>, vector<16xf32>,
    %gt3A_855 = arith.constant 0.000000e+00 : f32
    %gt3A_856 = vector.broadcast %gt3A_855 : f32 to vector<16xf32>
    %gt3A_857 = arith.cmpf ogt, %get3A_854, %gt3A_856 : vector<16xf32>
    %get3A_858 = arith.constant 5 : i32
    %get3A_859 = arith.index_cast %get3A_858 : i32 to index
    %get3A_860 = arith.constant 16 : index
    %get3A_861 = tpu.vector_load %arg18[%get3A_859, %get3A_860] {strides = array<i32>} : memref<8x128xf32, #tpu.memory_space<vmem>>, vector<16xf32>,
    %jit3A_862 = arith.constant 1.000000e+00 : f32
    %broadcast_in_dim3A_863 = vector.broadcast %jit3A_862 : f32 to vector<16xf32>
    %select_n3A_864 = arith.select %gt3A_857, %broadcast_in_dim3A_863, %get3A_861 : vector<16xi1>, vector<16xf32>
    %swap3A_865 = arith.constant 5 : i32
    %swap3A_866 = arith.index_cast %swap3A_865 : i32 to index
    %swap3A_867 = arith.constant 16 : index
    %swap3A_868 = tpu.vector_load %arg17[%swap3A_866, %swap3A_867] {strides = array<i32>} : memref<8x128xf32, #tpu.memory_space<vmem>>, vector<16xf32>,
    tpu.vector_store %arg17[%swap3A_866, %swap3A_867], %select_n3A_864 {strides = array<i32>} : memref<8x128xf32, #tpu.memory_space<vmem>>, vector<16xf32>,
    %get3A_869 = arith.constant 5 : i32
    %get3A_870 = arith.index_cast %get3A_869 : i32 to index
    %get3A_871 = arith.constant 32 : index
    %get3A_872 = tpu.vector_load %arg17[%get3A_870, %get3A_871] {strides = array<i32>} : memref<8x128xf32, #tpu.memory_space<vmem>>, vector<16xf32>,
    %gt3A_873 = arith.constant 0.000000e+00 : f32
    %gt3A_874 = vector.broadcast %gt3A_873 : f32 to vector<16xf32>
    %gt3A_875 = arith.cmpf ogt, %get3A_872, %gt3A_874 : vector<16xf32>
    %get3A_876 = arith.constant 5 : i32
    %get3A_877 = arith.index_cast %get3A_876 : i32 to index
    %get3A_878 = arith.constant 32 : index
    %get3A_879 = tpu.vector_load %arg18[%get3A_877, %get3A_878] {strides = array<i32>} : memref<8x128xf32, #tpu.memory_space<vmem>>, vector<16xf32>,
    %jit3A_880 = arith.constant 1.000000e+00 : f32
    %broadcast_in_dim3A_881 = vector.broadcast %jit3A_880 : f32 to vector<16xf32>
    %select_n3A_882 = arith.select %gt3A_875, %broadcast_in_dim3A_881, %get3A_879 : vector<16xi1>, vector<16xf32>
    %swap3A_883 = arith.constant 5 : i32
    %swap3A_884 = arith.index_cast %swap3A_883 : i32 to index
    %swap3A_885 = arith.constant 32 : index
    %swap3A_886 = tpu.vector_load %arg17[%swap3A_884, %swap3A_885] {strides = array<i32>} : memref<8x128xf32, #tpu.memory_space<vmem>>, vector<16xf32>,
    tpu.vector_store %arg17[%swap3A_884, %swap3A_885], %select_n3A_882 {strides = array<i32>} : memref<8x128xf32, #tpu.memory_space<vmem>>, vector<16xf32>,
    %get3A_887 = arith.constant 5 : i32
    %get3A_888 = arith.index_cast %get3A_887 : i32 to index
    %get3A_889 = arith.constant 48 : index
    %get3A_890 = tpu.vector_load %arg17[%get3A_888, %get3A_889] {strides = array<i32>} : memref<8x128xf32, #tpu.memory_space<vmem>>, vector<16xf32>,
    %gt3A_891 = arith.constant 0.000000e+00 : f32
    %gt3A_892 = vector.broadcast %gt3A_891 : f32 to vector<16xf32>
    %gt3A_893 = arith.cmpf ogt, %get3A_890, %gt3A_892 : vector<16xf32>
    %get3A_894 = arith.constant 5 : i32
    %get3A_895 = arith.index_cast %get3A_894 : i32 to index
    %get3A_896 = arith.constant 48 : index
    %get3A_897 = tpu.vector_load %arg18[%get3A_895, %get3A_896] {strides = array<i32>} : memref<8x128xf32, #tpu.memory_space<vmem>>, vector<16xf32>,
    %jit3A_898 = arith.constant 1.000000e+00 : f32
    %broadcast_in_dim3A_899 = vector.broadcast %jit3A_898 : f32 to vector<16xf32>
    %select_n3A_900 = arith.select %gt3A_893, %broadcast_in_dim3A_899, %get3A_897 : vector<16xi1>, vector<16xf32>
    %swap3A_901 = arith.constant 5 : i32
    %swap3A_902 = arith.index_cast %swap3A_901 : i32 to index
    %swap3A_903 = arith.constant 48 : index
    %swap3A_904 = tpu.vector_load %arg17[%swap3A_902, %swap3A_903] {strides = array<i32>} : memref<8x128xf32, #tpu.memory_space<vmem>>, vector<16xf32>,
    tpu.vector_store %arg17[%swap3A_902, %swap3A_903], %select_n3A_900 {strides = array<i32>} : memref<8x128xf32, #tpu.memory_space<vmem>>, vector<16xf32>,
    %get3A_905 = arith.constant 5 : i32
    %get3A_906 = arith.index_cast %get3A_905 : i32 to index
    %get3A_907 = arith.constant 64 : index
    %get3A_908 = tpu.vector_load %arg17[%get3A_906, %get3A_907] {strides = array<i32>} : memref<8x128xf32, #tpu.memory_space<vmem>>, vector<16xf32>,
    %gt3A_909 = arith.constant 0.000000e+00 : f32
    %gt3A_910 = vector.broadcast %gt3A_909 : f32 to vector<16xf32>
    %gt3A_911 = arith.cmpf ogt, %get3A_908, %gt3A_910 : vector<16xf32>
    %get3A_912 = arith.constant 5 : i32
    %get3A_913 = arith.index_cast %get3A_912 : i32 to index
    %get3A_914 = arith.constant 64 : index
    %get3A_915 = tpu.vector_load %arg18[%get3A_913, %get3A_914] {strides = array<i32>} : memref<8x128xf32, #tpu.memory_space<vmem>>, vector<16xf32>,
    %jit3A_916 = arith.constant 1.000000e+00 : f32
    %broadcast_in_dim3A_917 = vector.broadcast %jit3A_916 : f32 to vector<16xf32>
    %select_n3A_918 = arith.select %gt3A_911, %broadcast_in_dim3A_917, %get3A_915 : vector<16xi1>, vector<16xf32>
    %swap3A_919 = arith.constant 5 : i32
    %swap3A_920 = arith.index_cast %swap3A_919 : i32 to index
    %swap3A_921 = arith.constant 64 : index
    %swap3A_922 = tpu.vector_load %arg17[%swap3A_920, %swap3A_921] {strides = array<i32>} : memref<8x128xf32, #tpu.memory_space<vmem>>, vector<16xf32>,
    tpu.vector_store %arg17[%swap3A_920, %swap3A_921], %select_n3A_918 {strides = array<i32>} : memref<8x128xf32, #tpu.memory_space<vmem>>, vector<16xf32>,
    %get3A_923 = arith.constant 5 : i32
    %get3A_924 = arith.index_cast %get3A_923 : i32 to index
    %get3A_925 = arith.constant 80 : index
    %get3A_926 = tpu.vector_load %arg17[%get3A_924, %get3A_925] {strides = array<i32>} : memref<8x128xf32, #tpu.memory_space<vmem>>, vector<16xf32>,
    %gt3A_927 = arith.constant 0.000000e+00 : f32
    %gt3A_928 = vector.broadcast %gt3A_927 : f32 to vector<16xf32>
    %gt3A_929 = arith.cmpf ogt, %get3A_926, %gt3A_928 : vector<16xf32>
    %get3A_930 = arith.constant 5 : i32
    %get3A_931 = arith.index_cast %get3A_930 : i32 to index
    %get3A_932 = arith.constant 80 : index
    %get3A_933 = tpu.vector_load %arg18[%get3A_931, %get3A_932] {strides = array<i32>} : memref<8x128xf32, #tpu.memory_space<vmem>>, vector<16xf32>,
    %jit3A_934 = arith.constant 1.000000e+00 : f32
    %broadcast_in_dim3A_935 = vector.broadcast %jit3A_934 : f32 to vector<16xf32>
    %select_n3A_936 = arith.select %gt3A_929, %broadcast_in_dim3A_935, %get3A_933 : vector<16xi1>, vector<16xf32>
    %swap3A_937 = arith.constant 5 : i32
    %swap3A_938 = arith.index_cast %swap3A_937 : i32 to index
    %swap3A_939 = arith.constant 80 : index
    %swap3A_940 = tpu.vector_load %arg17[%swap3A_938, %swap3A_939] {strides = array<i32>} : memref<8x128xf32, #tpu.memory_space<vmem>>, vector<16xf32>,
    tpu.vector_store %arg17[%swap3A_938, %swap3A_939], %select_n3A_936 {strides = array<i32>} : memref<8x128xf32, #tpu.memory_space<vmem>>, vector<16xf32>,
    %get3A_941 = arith.constant 5 : i32
    %get3A_942 = arith.index_cast %get3A_941 : i32 to index
    %get3A_943 = arith.constant 96 : index
    %get3A_944 = tpu.vector_load %arg17[%get3A_942, %get3A_943] {strides = array<i32>} : memref<8x128xf32, #tpu.memory_space<vmem>>, vector<16xf32>,
    %gt3A_945 = arith.constant 0.000000e+00 : f32
    %gt3A_946 = vector.broadcast %gt3A_945 : f32 to vector<16xf32>
    %gt3A_947 = arith.cmpf ogt, %get3A_944, %gt3A_946 : vector<16xf32>
    %get3A_948 = arith.constant 5 : i32
    %get3A_949 = arith.index_cast %get3A_948 : i32 to index
    %get3A_950 = arith.constant 96 : index
    %get3A_951 = tpu.vector_load %arg18[%get3A_949, %get3A_950] {strides = array<i32>} : memref<8x128xf32, #tpu.memory_space<vmem>>, vector<16xf32>,
    %jit3A_952 = arith.constant 1.000000e+00 : f32
    %broadcast_in_dim3A_953 = vector.broadcast %jit3A_952 : f32 to vector<16xf32>
    %select_n3A_954 = arith.select %gt3A_947, %broadcast_in_dim3A_953, %get3A_951 : vector<16xi1>, vector<16xf32>
    %swap3A_955 = arith.constant 5 : i32
    %swap3A_956 = arith.index_cast %swap3A_955 : i32 to index
    %swap3A_957 = arith.constant 96 : index
    %swap3A_958 = tpu.vector_load %arg17[%swap3A_956, %swap3A_957] {strides = array<i32>} : memref<8x128xf32, #tpu.memory_space<vmem>>, vector<16xf32>,
    tpu.vector_store %arg17[%swap3A_956, %swap3A_957], %select_n3A_954 {strides = array<i32>} : memref<8x128xf32, #tpu.memory_space<vmem>>, vector<16xf32>,
    %get3A_959 = arith.constant 5 : i32
    %get3A_960 = arith.index_cast %get3A_959 : i32 to index
    %get3A_961 = arith.constant 112 : index
    %get3A_962 = tpu.vector_load %arg17[%get3A_960, %get3A_961] {strides = array<i32>} : memref<8x128xf32, #tpu.memory_space<vmem>>, vector<16xf32>,
    %gt3A_963 = arith.constant 0.000000e+00 : f32
    %gt3A_964 = vector.broadcast %gt3A_963 : f32 to vector<16xf32>
    %gt3A_965 = arith.cmpf ogt, %get3A_962, %gt3A_964 : vector<16xf32>
    %get3A_966 = arith.constant 5 : i32
    %get3A_967 = arith.index_cast %get3A_966 : i32 to index
    %get3A_968 = arith.constant 112 : index
    %get3A_969 = tpu.vector_load %arg18[%get3A_967, %get3A_968] {strides = array<i32>} : memref<8x128xf32, #tpu.memory_space<vmem>>, vector<16xf32>,
    %jit3A_970 = arith.constant 1.000000e+00 : f32
    %broadcast_in_dim3A_971 = vector.broadcast %jit3A_970 : f32 to vector<16xf32>
    %select_n3A_972 = arith.select %gt3A_965, %broadcast_in_dim3A_971, %get3A_969 : vector<16xi1>, vector<16xf32>
    %swap3A_973 = arith.constant 5 : i32
    %swap3A_974 = arith.index_cast %swap3A_973 : i32 to index
    %swap3A_975 = arith.constant 112 : index
    %swap3A_976 = tpu.vector_load %arg17[%swap3A_974, %swap3A_975] {strides = array<i32>} : memref<8x128xf32, #tpu.memory_space<vmem>>, vector<16xf32>,
    tpu.vector_store %arg17[%swap3A_974, %swap3A_975], %select_n3A_972 {strides = array<i32>} : memref<8x128xf32, #tpu.memory_space<vmem>>, vector<16xf32>,
    %get3A_977 = arith.constant 6 : i32
    %get3A_978 = arith.index_cast %get3A_977 : i32 to index
    %get3A_979 = arith.constant 0 : index
    %get3A_980 = tpu.vector_load %arg17[%get3A_978, %get3A_979] {strides = array<i32>} : memref<8x128xf32, #tpu.memory_space<vmem>>, vector<16xf32>,
    %gt3A_981 = arith.constant 0.000000e+00 : f32
    %gt3A_982 = vector.broadcast %gt3A_981 : f32 to vector<16xf32>
    %gt3A_983 = arith.cmpf ogt, %get3A_980, %gt3A_982 : vector<16xf32>
    %get3A_984 = arith.constant 6 : i32
    %get3A_985 = arith.index_cast %get3A_984 : i32 to index
    %get3A_986 = arith.constant 0 : index
    %get3A_987 = tpu.vector_load %arg18[%get3A_985, %get3A_986] {strides = array<i32>} : memref<8x128xf32, #tpu.memory_space<vmem>>, vector<16xf32>,
    %jit3A_988 = arith.constant 1.000000e+00 : f32
    %broadcast_in_dim3A_989 = vector.broadcast %jit3A_988 : f32 to vector<16xf32>
    %select_n3A_990 = arith.select %gt3A_983, %broadcast_in_dim3A_989, %get3A_987 : vector<16xi1>, vector<16xf32>
    %swap3A_991 = arith.constant 6 : i32
    %swap3A_992 = arith.index_cast %swap3A_991 : i32 to index
    %swap3A_993 = arith.constant 0 : index
    %swap3A_994 = tpu.vector_load %arg17[%swap3A_992, %swap3A_993] {strides = array<i32>} : memref<8x128xf32, #tpu.memory_space<vmem>>, vector<16xf32>,
    tpu.vector_store %arg17[%swap3A_992, %swap3A_993], %select_n3A_990 {strides = array<i32>} : memref<8x128xf32, #tpu.memory_space<vmem>>, vector<16xf32>,
    %get3A_995 = arith.constant 6 : i32
    %get3A_996 = arith.index_cast %get3A_995 : i32 to index
    %get3A_997 = arith.constant 16 : index
    %get3A_998 = tpu.vector_load %arg17[%get3A_996, %get3A_997] {strides = array<i32>} : memref<8x128xf32, #tpu.memory_space<vmem>>, vector<16xf32>,
    %gt3A_999 = arith.constant 0.000000e+00 : f32
    %gt3A_1000 = vector.broadcast %gt3A_999 : f32 to vector<16xf32>
    %gt3A_1001 = arith.cmpf ogt, %get3A_998, %gt3A_1000 : vector<16xf32>
    %get3A_1002 = arith.constant 6 : i32
    %get3A_1003 = arith.index_cast %get3A_1002 : i32 to index
    %get3A_1004 = arith.constant 16 : index
    %get3A_1005 = tpu.vector_load %arg18[%get3A_1003, %get3A_1004] {strides = array<i32>} : memref<8x128xf32, #tpu.memory_space<vmem>>, vector<16xf32>,
    %jit3A_1006 = arith.constant 1.000000e+00 : f32
    %broadcast_in_dim3A_1007 = vector.broadcast %jit3A_1006 : f32 to vector<16xf32>
    %select_n3A_1008 = arith.select %gt3A_1001, %broadcast_in_dim3A_1007, %get3A_1005 : vector<16xi1>, vector<16xf32>
    %swap3A_1009 = arith.constant 6 : i32
    %swap3A_1010 = arith.index_cast %swap3A_1009 : i32 to index
    %swap3A_1011 = arith.constant 16 : index
    %swap3A_1012 = tpu.vector_load %arg17[%swap3A_1010, %swap3A_1011] {strides = array<i32>} : memref<8x128xf32, #tpu.memory_space<vmem>>, vector<16xf32>,
    tpu.vector_store %arg17[%swap3A_1010, %swap3A_1011], %select_n3A_1008 {strides = array<i32>} : memref<8x128xf32, #tpu.memory_space<vmem>>, vector<16xf32>,
    %get3A_1013 = arith.constant 6 : i32
    %get3A_1014 = arith.index_cast %get3A_1013 : i32 to index
    %get3A_1015 = arith.constant 32 : index
    %get3A_1016 = tpu.vector_load %arg17[%get3A_1014, %get3A_1015] {strides = array<i32>} : memref<8x128xf32, #tpu.memory_space<vmem>>, vector<16xf32>,
    %gt3A_1017 = arith.constant 0.000000e+00 : f32
    %gt3A_1018 = vector.broadcast %gt3A_1017 : f32 to vector<16xf32>
    %gt3A_1019 = arith.cmpf ogt, %get3A_1016, %gt3A_1018 : vector<16xf32>
    %get3A_1020 = arith.constant 6 : i32
    %get3A_1021 = arith.index_cast %get3A_1020 : i32 to index
    %get3A_1022 = arith.constant 32 : index
    %get3A_1023 = tpu.vector_load %arg18[%get3A_1021, %get3A_1022] {strides = array<i32>} : memref<8x128xf32, #tpu.memory_space<vmem>>, vector<16xf32>,
    %jit3A_1024 = arith.constant 1.000000e+00 : f32
    %broadcast_in_dim3A_1025 = vector.broadcast %jit3A_1024 : f32 to vector<16xf32>
    %select_n3A_1026 = arith.select %gt3A_1019, %broadcast_in_dim3A_1025, %get3A_1023 : vector<16xi1>, vector<16xf32>
    %swap3A_1027 = arith.constant 6 : i32
    %swap3A_1028 = arith.index_cast %swap3A_1027 : i32 to index
    %swap3A_1029 = arith.constant 32 : index
    %swap3A_1030 = tpu.vector_load %arg17[%swap3A_1028, %swap3A_1029] {strides = array<i32>} : memref<8x128xf32, #tpu.memory_space<vmem>>, vector<16xf32>,
    tpu.vector_store %arg17[%swap3A_1028, %swap3A_1029], %select_n3A_1026 {strides = array<i32>} : memref<8x128xf32, #tpu.memory_space<vmem>>, vector<16xf32>,
    %get3A_1031 = arith.constant 6 : i32
    %get3A_1032 = arith.index_cast %get3A_1031 : i32 to index
    %get3A_1033 = arith.constant 48 : index
    %get3A_1034 = tpu.vector_load %arg17[%get3A_1032, %get3A_1033] {strides = array<i32>} : memref<8x128xf32, #tpu.memory_space<vmem>>, vector<16xf32>,
    %gt3A_1035 = arith.constant 0.000000e+00 : f32
    %gt3A_1036 = vector.broadcast %gt3A_1035 : f32 to vector<16xf32>
    %gt3A_1037 = arith.cmpf ogt, %get3A_1034, %gt3A_1036 : vector<16xf32>
    %get3A_1038 = arith.constant 6 : i32
    %get3A_1039 = arith.index_cast %get3A_1038 : i32 to index
    %get3A_1040 = arith.constant 48 : index
    %get3A_1041 = tpu.vector_load %arg18[%get3A_1039, %get3A_1040] {strides = array<i32>} : memref<8x128xf32, #tpu.memory_space<vmem>>, vector<16xf32>,
    %jit3A_1042 = arith.constant 1.000000e+00 : f32
    %broadcast_in_dim3A_1043 = vector.broadcast %jit3A_1042 : f32 to vector<16xf32>
    %select_n3A_1044 = arith.select %gt3A_1037, %broadcast_in_dim3A_1043, %get3A_1041 : vector<16xi1>, vector<16xf32>
    %swap3A_1045 = arith.constant 6 : i32
    %swap3A_1046 = arith.index_cast %swap3A_1045 : i32 to index
    %swap3A_1047 = arith.constant 48 : index
    %swap3A_1048 = tpu.vector_load %arg17[%swap3A_1046, %swap3A_1047] {strides = array<i32>} : memref<8x128xf32, #tpu.memory_space<vmem>>, vector<16xf32>,
    tpu.vector_store %arg17[%swap3A_1046, %swap3A_1047], %select_n3A_1044 {strides = array<i32>} : memref<8x128xf32, #tpu.memory_space<vmem>>, vector<16xf32>,
    %get3A_1049 = arith.constant 6 : i32
    %get3A_1050 = arith.index_cast %get3A_1049 : i32 to index
    %get3A_1051 = arith.constant 64 : index
    %get3A_1052 = tpu.vector_load %arg17[%get3A_1050, %get3A_1051] {strides = array<i32>} : memref<8x128xf32, #tpu.memory_space<vmem>>, vector<16xf32>,
    %gt3A_1053 = arith.constant 0.000000e+00 : f32
    %gt3A_1054 = vector.broadcast %gt3A_1053 : f32 to vector<16xf32>
    %gt3A_1055 = arith.cmpf ogt, %get3A_1052, %gt3A_1054 : vector<16xf32>
    %get3A_1056 = arith.constant 6 : i32
    %get3A_1057 = arith.index_cast %get3A_1056 : i32 to index
    %get3A_1058 = arith.constant 64 : index
    %get3A_1059 = tpu.vector_load %arg18[%get3A_1057, %get3A_1058] {strides = array<i32>} : memref<8x128xf32, #tpu.memory_space<vmem>>, vector<16xf32>,
    %jit3A_1060 = arith.constant 1.000000e+00 : f32
    %broadcast_in_dim3A_1061 = vector.broadcast %jit3A_1060 : f32 to vector<16xf32>
    %select_n3A_1062 = arith.select %gt3A_1055, %broadcast_in_dim3A_1061, %get3A_1059 : vector<16xi1>, vector<16xf32>
    %swap3A_1063 = arith.constant 6 : i32
    %swap3A_1064 = arith.index_cast %swap3A_1063 : i32 to index
    %swap3A_1065 = arith.constant 64 : index
    %swap3A_1066 = tpu.vector_load %arg17[%swap3A_1064, %swap3A_1065] {strides = array<i32>} : memref<8x128xf32, #tpu.memory_space<vmem>>, vector<16xf32>,
    tpu.vector_store %arg17[%swap3A_1064, %swap3A_1065], %select_n3A_1062 {strides = array<i32>} : memref<8x128xf32, #tpu.memory_space<vmem>>, vector<16xf32>,
    %get3A_1067 = arith.constant 6 : i32
    %get3A_1068 = arith.index_cast %get3A_1067 : i32 to index
    %get3A_1069 = arith.constant 80 : index
    %get3A_1070 = tpu.vector_load %arg17[%get3A_1068, %get3A_1069] {strides = array<i32>} : memref<8x128xf32, #tpu.memory_space<vmem>>, vector<16xf32>,
    %gt3A_1071 = arith.constant 0.000000e+00 : f32
    %gt3A_1072 = vector.broadcast %gt3A_1071 : f32 to vector<16xf32>
    %gt3A_1073 = arith.cmpf ogt, %get3A_1070, %gt3A_1072 : vector<16xf32>
    %get3A_1074 = arith.constant 6 : i32
    %get3A_1075 = arith.index_cast %get3A_1074 : i32 to index
    %get3A_1076 = arith.constant 80 : index
    %get3A_1077 = tpu.vector_load %arg18[%get3A_1075, %get3A_1076] {strides = array<i32>} : memref<8x128xf32, #tpu.memory_space<vmem>>, vector<16xf32>,
    %jit3A_1078 = arith.constant 1.000000e+00 : f32
    %broadcast_in_dim3A_1079 = vector.broadcast %jit3A_1078 : f32 to vector<16xf32>
    %select_n3A_1080 = arith.select %gt3A_1073, %broadcast_in_dim3A_1079, %get3A_1077 : vector<16xi1>, vector<16xf32>
    %swap3A_1081 = arith.constant 6 : i32
    %swap3A_1082 = arith.index_cast %swap3A_1081 : i32 to index
    %swap3A_1083 = arith.constant 80 : index
    %swap3A_1084 = tpu.vector_load %arg17[%swap3A_1082, %swap3A_1083] {strides = array<i32>} : memref<8x128xf32, #tpu.memory_space<vmem>>, vector<16xf32>,
    tpu.vector_store %arg17[%swap3A_1082, %swap3A_1083], %select_n3A_1080 {strides = array<i32>} : memref<8x128xf32, #tpu.memory_space<vmem>>, vector<16xf32>,
    %get3A_1085 = arith.constant 6 : i32
    %get3A_1086 = arith.index_cast %get3A_1085 : i32 to index
    %get3A_1087 = arith.constant 96 : index
    %get3A_1088 = tpu.vector_load %arg17[%get3A_1086, %get3A_1087] {strides = array<i32>} : memref<8x128xf32, #tpu.memory_space<vmem>>, vector<16xf32>,
    %gt3A_1089 = arith.constant 0.000000e+00 : f32
    %gt3A_1090 = vector.broadcast %gt3A_1089 : f32 to vector<16xf32>
    %gt3A_1091 = arith.cmpf ogt, %get3A_1088, %gt3A_1090 : vector<16xf32>
    %get3A_1092 = arith.constant 6 : i32
    %get3A_1093 = arith.index_cast %get3A_1092 : i32 to index
    %get3A_1094 = arith.constant 96 : index
    %get3A_1095 = tpu.vector_load %arg18[%get3A_1093, %get3A_1094] {strides = array<i32>} : memref<8x128xf32, #tpu.memory_space<vmem>>, vector<16xf32>,
    %jit3A_1096 = arith.constant 1.000000e+00 : f32
    %broadcast_in_dim3A_1097 = vector.broadcast %jit3A_1096 : f32 to vector<16xf32>
    %select_n3A_1098 = arith.select %gt3A_1091, %broadcast_in_dim3A_1097, %get3A_1095 : vector<16xi1>, vector<16xf32>
    %swap3A_1099 = arith.constant 6 : i32
    %swap3A_1100 = arith.index_cast %swap3A_1099 : i32 to index
    %swap3A_1101 = arith.constant 96 : index
    %swap3A_1102 = tpu.vector_load %arg17[%swap3A_1100, %swap3A_1101] {strides = array<i32>} : memref<8x128xf32, #tpu.memory_space<vmem>>, vector<16xf32>,
    tpu.vector_store %arg17[%swap3A_1100, %swap3A_1101], %select_n3A_1098 {strides = array<i32>} : memref<8x128xf32, #tpu.memory_space<vmem>>, vector<16xf32>,
    %get3A_1103 = arith.constant 6 : i32
    %get3A_1104 = arith.index_cast %get3A_1103 : i32 to index
    %get3A_1105 = arith.constant 112 : index
    %get3A_1106 = tpu.vector_load %arg17[%get3A_1104, %get3A_1105] {strides = array<i32>} : memref<8x128xf32, #tpu.memory_space<vmem>>, vector<16xf32>,
    %gt3A_1107 = arith.constant 0.000000e+00 : f32
    %gt3A_1108 = vector.broadcast %gt3A_1107 : f32 to vector<16xf32>
    %gt3A_1109 = arith.cmpf ogt, %get3A_1106, %gt3A_1108 : vector<16xf32>
    %get3A_1110 = arith.constant 6 : i32
    %get3A_1111 = arith.index_cast %get3A_1110 : i32 to index
    %get3A_1112 = arith.constant 112 : index
    %get3A_1113 = tpu.vector_load %arg18[%get3A_1111, %get3A_1112] {strides = array<i32>} : memref<8x128xf32, #tpu.memory_space<vmem>>, vector<16xf32>,
    %jit3A_1114 = arith.constant 1.000000e+00 : f32
    %broadcast_in_dim3A_1115 = vector.broadcast %jit3A_1114 : f32 to vector<16xf32>
    %select_n3A_1116 = arith.select %gt3A_1109, %broadcast_in_dim3A_1115, %get3A_1113 : vector<16xi1>, vector<16xf32>
    %swap3A_1117 = arith.constant 6 : i32
    %swap3A_1118 = arith.index_cast %swap3A_1117 : i32 to index
    %swap3A_1119 = arith.constant 112 : index
    %swap3A_1120 = tpu.vector_load %arg17[%swap3A_1118, %swap3A_1119] {strides = array<i32>} : memref<8x128xf32, #tpu.memory_space<vmem>>, vector<16xf32>,
    tpu.vector_store %arg17[%swap3A_1118, %swap3A_1119], %select_n3A_1116 {strides = array<i32>} : memref<8x128xf32, #tpu.memory_space<vmem>>, vector<16xf32>,
    %get3A_1121 = arith.constant 7 : i32
    %get3A_1122 = arith.index_cast %get3A_1121 : i32 to index
    %get3A_1123 = arith.constant 0 : index
    %get3A_1124 = tpu.vector_load %arg17[%get3A_1122, %get3A_1123] {strides = array<i32>} : memref<8x128xf32, #tpu.memory_space<vmem>>, vector<16xf32>,
    %gt3A_1125 = arith.constant 0.000000e+00 : f32
    %gt3A_1126 = vector.broadcast %gt3A_1125 : f32 to vector<16xf32>
    %gt3A_1127 = arith.cmpf ogt, %get3A_1124, %gt3A_1126 : vector<16xf32>
    %get3A_1128 = arith.constant 7 : i32
    %get3A_1129 = arith.index_cast %get3A_1128 : i32 to index
    %get3A_1130 = arith.constant 0 : index
    %get3A_1131 = tpu.vector_load %arg18[%get3A_1129, %get3A_1130] {strides = array<i32>} : memref<8x128xf32, #tpu.memory_space<vmem>>, vector<16xf32>,
    %jit3A_1132 = arith.constant 1.000000e+00 : f32
    %broadcast_in_dim3A_1133 = vector.broadcast %jit3A_1132 : f32 to vector<16xf32>
    %select_n3A_1134 = arith.select %gt3A_1127, %broadcast_in_dim3A_1133, %get3A_1131 : vector<16xi1>, vector<16xf32>
    %swap3A_1135 = arith.constant 7 : i32
    %swap3A_1136 = arith.index_cast %swap3A_1135 : i32 to index
    %swap3A_1137 = arith.constant 0 : index
    %swap3A_1138 = tpu.vector_load %arg17[%swap3A_1136, %swap3A_1137] {strides = array<i32>} : memref<8x128xf32, #tpu.memory_space<vmem>>, vector<16xf32>,
    tpu.vector_store %arg17[%swap3A_1136, %swap3A_1137], %select_n3A_1134 {strides = array<i32>} : memref<8x128xf32, #tpu.memory_space<vmem>>, vector<16xf32>,
    %get3A_1139 = arith.constant 7 : i32
    %get3A_1140 = arith.index_cast %get3A_1139 : i32 to index
    %get3A_1141 = arith.constant 16 : index
    %get3A_1142 = tpu.vector_load %arg17[%get3A_1140, %get3A_1141] {strides = array<i32>} : memref<8x128xf32, #tpu.memory_space<vmem>>, vector<16xf32>,
    %gt3A_1143 = arith.constant 0.000000e+00 : f32
    %gt3A_1144 = vector.broadcast %gt3A_1143 : f32 to vector<16xf32>
    %gt3A_1145 = arith.cmpf ogt, %get3A_1142, %gt3A_1144 : vector<16xf32>
    %get3A_1146 = arith.constant 7 : i32
    %get3A_1147 = arith.index_cast %get3A_1146 : i32 to index
    %get3A_1148 = arith.constant 16 : index
    %get3A_1149 = tpu.vector_load %arg18[%get3A_1147, %get3A_1148] {strides = array<i32>} : memref<8x128xf32, #tpu.memory_space<vmem>>, vector<16xf32>,
    %jit3A_1150 = arith.constant 1.000000e+00 : f32
    %broadcast_in_dim3A_1151 = vector.broadcast %jit3A_1150 : f32 to vector<16xf32>
    %select_n3A_1152 = arith.select %gt3A_1145, %broadcast_in_dim3A_1151, %get3A_1149 : vector<16xi1>, vector<16xf32>
    %swap3A_1153 = arith.constant 7 : i32
    %swap3A_1154 = arith.index_cast %swap3A_1153 : i32 to index
    %swap3A_1155 = arith.constant 16 : index
    %swap3A_1156 = tpu.vector_load %arg17[%swap3A_1154, %swap3A_1155] {strides = array<i32>} : memref<8x128xf32, #tpu.memory_space<vmem>>, vector<16xf32>,
    tpu.vector_store %arg17[%swap3A_1154, %swap3A_1155], %select_n3A_1152 {strides = array<i32>} : memref<8x128xf32, #tpu.memory_space<vmem>>, vector<16xf32>,
    %get3A_1157 = arith.constant 7 : i32
    %get3A_1158 = arith.index_cast %get3A_1157 : i32 to index
    %get3A_1159 = arith.constant 32 : index
    %get3A_1160 = tpu.vector_load %arg17[%get3A_1158, %get3A_1159] {strides = array<i32>} : memref<8x128xf32, #tpu.memory_space<vmem>>, vector<16xf32>,
    %gt3A_1161 = arith.constant 0.000000e+00 : f32
    %gt3A_1162 = vector.broadcast %gt3A_1161 : f32 to vector<16xf32>
    %gt3A_1163 = arith.cmpf ogt, %get3A_1160, %gt3A_1162 : vector<16xf32>
    %get3A_1164 = arith.constant 7 : i32
    %get3A_1165 = arith.index_cast %get3A_1164 : i32 to index
    %get3A_1166 = arith.constant 32 : index
    %get3A_1167 = tpu.vector_load %arg18[%get3A_1165, %get3A_1166] {strides = array<i32>} : memref<8x128xf32, #tpu.memory_space<vmem>>, vector<16xf32>,
    %jit3A_1168 = arith.constant 1.000000e+00 : f32
    %broadcast_in_dim3A_1169 = vector.broadcast %jit3A_1168 : f32 to vector<16xf32>
    %select_n3A_1170 = arith.select %gt3A_1163, %broadcast_in_dim3A_1169, %get3A_1167 : vector<16xi1>, vector<16xf32>
    %swap3A_1171 = arith.constant 7 : i32
    %swap3A_1172 = arith.index_cast %swap3A_1171 : i32 to index
    %swap3A_1173 = arith.constant 32 : index
    %swap3A_1174 = tpu.vector_load %arg17[%swap3A_1172, %swap3A_1173] {strides = array<i32>} : memref<8x128xf32, #tpu.memory_space<vmem>>, vector<16xf32>,
    tpu.vector_store %arg17[%swap3A_1172, %swap3A_1173], %select_n3A_1170 {strides = array<i32>} : memref<8x128xf32, #tpu.memory_space<vmem>>, vector<16xf32>,
    %get3A_1175 = arith.constant 7 : i32
    %get3A_1176 = arith.index_cast %get3A_1175 : i32 to index
    %get3A_1177 = arith.constant 48 : index
    %get3A_1178 = tpu.vector_load %arg17[%get3A_1176, %get3A_1177] {strides = array<i32>} : memref<8x128xf32, #tpu.memory_space<vmem>>, vector<16xf32>,
    %gt3A_1179 = arith.constant 0.000000e+00 : f32
    %gt3A_1180 = vector.broadcast %gt3A_1179 : f32 to vector<16xf32>
    %gt3A_1181 = arith.cmpf ogt, %get3A_1178, %gt3A_1180 : vector<16xf32>
    %get3A_1182 = arith.constant 7 : i32
    %get3A_1183 = arith.index_cast %get3A_1182 : i32 to index
    %get3A_1184 = arith.constant 48 : index
    %get3A_1185 = tpu.vector_load %arg18[%get3A_1183, %get3A_1184] {strides = array<i32>} : memref<8x128xf32, #tpu.memory_space<vmem>>, vector<16xf32>,
    %jit3A_1186 = arith.constant 1.000000e+00 : f32
    %broadcast_in_dim3A_1187 = vector.broadcast %jit3A_1186 : f32 to vector<16xf32>
    %select_n3A_1188 = arith.select %gt3A_1181, %broadcast_in_dim3A_1187, %get3A_1185 : vector<16xi1>, vector<16xf32>
    %swap3A_1189 = arith.constant 7 : i32
    %swap3A_1190 = arith.index_cast %swap3A_1189 : i32 to index
    %swap3A_1191 = arith.constant 48 : index
    %swap3A_1192 = tpu.vector_load %arg17[%swap3A_1190, %swap3A_1191] {strides = array<i32>} : memref<8x128xf32, #tpu.memory_space<vmem>>, vector<16xf32>,
    tpu.vector_store %arg17[%swap3A_1190, %swap3A_1191], %select_n3A_1188 {strides = array<i32>} : memref<8x128xf32, #tpu.memory_space<vmem>>, vector<16xf32>,
    %get3A_1193 = arith.constant 7 : i32
    %get3A_1194 = arith.index_cast %get3A_1193 : i32 to index
    %get3A_1195 = arith.constant 64 : index
    %get3A_1196 = tpu.vector_load %arg17[%get3A_1194, %get3A_1195] {strides = array<i32>} : memref<8x128xf32, #tpu.memory_space<vmem>>, vector<16xf32>,
    %gt3A_1197 = arith.constant 0.000000e+00 : f32
    %gt3A_1198 = vector.broadcast %gt3A_1197 : f32 to vector<16xf32>
    %gt3A_1199 = arith.cmpf ogt, %get3A_1196, %gt3A_1198 : vector<16xf32>
    %get3A_1200 = arith.constant 7 : i32
    %get3A_1201 = arith.index_cast %get3A_1200 : i32 to index
    %get3A_1202 = arith.constant 64 : index
    %get3A_1203 = tpu.vector_load %arg18[%get3A_1201, %get3A_1202] {strides = array<i32>} : memref<8x128xf32, #tpu.memory_space<vmem>>, vector<16xf32>,
    %jit3A_1204 = arith.constant 1.000000e+00 : f32
    %broadcast_in_dim3A_1205 = vector.broadcast %jit3A_1204 : f32 to vector<16xf32>
    %select_n3A_1206 = arith.select %gt3A_1199, %broadcast_in_dim3A_1205, %get3A_1203 : vector<16xi1>, vector<16xf32>
    %swap3A_1207 = arith.constant 7 : i32
    %swap3A_1208 = arith.index_cast %swap3A_1207 : i32 to index
    %swap3A_1209 = arith.constant 64 : index
    %swap3A_1210 = tpu.vector_load %arg17[%swap3A_1208, %swap3A_1209] {strides = array<i32>} : memref<8x128xf32, #tpu.memory_space<vmem>>, vector<16xf32>,
    tpu.vector_store %arg17[%swap3A_1208, %swap3A_1209], %select_n3A_1206 {strides = array<i32>} : memref<8x128xf32, #tpu.memory_space<vmem>>, vector<16xf32>,
    %get3A_1211 = arith.constant 7 : i32
    %get3A_1212 = arith.index_cast %get3A_1211 : i32 to index
    %get3A_1213 = arith.constant 80 : index
    %get3A_1214 = tpu.vector_load %arg17[%get3A_1212, %get3A_1213] {strides = array<i32>} : memref<8x128xf32, #tpu.memory_space<vmem>>, vector<16xf32>,
    %gt3A_1215 = arith.constant 0.000000e+00 : f32
    %gt3A_1216 = vector.broadcast %gt3A_1215 : f32 to vector<16xf32>
    %gt3A_1217 = arith.cmpf ogt, %get3A_1214, %gt3A_1216 : vector<16xf32>
    %get3A_1218 = arith.constant 7 : i32
    %get3A_1219 = arith.index_cast %get3A_1218 : i32 to index
    %get3A_1220 = arith.constant 80 : index
    %get3A_1221 = tpu.vector_load %arg18[%get3A_1219, %get3A_1220] {strides = array<i32>} : memref<8x128xf32, #tpu.memory_space<vmem>>, vector<16xf32>,
    %jit3A_1222 = arith.constant 1.000000e+00 : f32
    %broadcast_in_dim3A_1223 = vector.broadcast %jit3A_1222 : f32 to vector<16xf32>
    %select_n3A_1224 = arith.select %gt3A_1217, %broadcast_in_dim3A_1223, %get3A_1221 : vector<16xi1>, vector<16xf32>
    %swap3A_1225 = arith.constant 7 : i32
    %swap3A_1226 = arith.index_cast %swap3A_1225 : i32 to index
    %swap3A_1227 = arith.constant 80 : index
    %swap3A_1228 = tpu.vector_load %arg17[%swap3A_1226, %swap3A_1227] {strides = array<i32>} : memref<8x128xf32, #tpu.memory_space<vmem>>, vector<16xf32>,
    tpu.vector_store %arg17[%swap3A_1226, %swap3A_1227], %select_n3A_1224 {strides = array<i32>} : memref<8x128xf32, #tpu.memory_space<vmem>>, vector<16xf32>,
    %get3A_1229 = arith.constant 7 : i32
    %get3A_1230 = arith.index_cast %get3A_1229 : i32 to index
    %get3A_1231 = arith.constant 96 : index
    %get3A_1232 = tpu.vector_load %arg17[%get3A_1230, %get3A_1231] {strides = array<i32>} : memref<8x128xf32, #tpu.memory_space<vmem>>, vector<16xf32>,
    %gt3A_1233 = arith.constant 0.000000e+00 : f32
    %gt3A_1234 = vector.broadcast %gt3A_1233 : f32 to vector<16xf32>
    %gt3A_1235 = arith.cmpf ogt, %get3A_1232, %gt3A_1234 : vector<16xf32>
    %get3A_1236 = arith.constant 7 : i32
    %get3A_1237 = arith.index_cast %get3A_1236 : i32 to index
    %get3A_1238 = arith.constant 96 : index
    %get3A_1239 = tpu.vector_load %arg18[%get3A_1237, %get3A_1238] {strides = array<i32>} : memref<8x128xf32, #tpu.memory_space<vmem>>, vector<16xf32>,
    %jit3A_1240 = arith.constant 1.000000e+00 : f32
    %broadcast_in_dim3A_1241 = vector.broadcast %jit3A_1240 : f32 to vector<16xf32>
    %select_n3A_1242 = arith.select %gt3A_1235, %broadcast_in_dim3A_1241, %get3A_1239 : vector<16xi1>, vector<16xf32>
    %swap3A_1243 = arith.constant 7 : i32
    %swap3A_1244 = arith.index_cast %swap3A_1243 : i32 to index
    %swap3A_1245 = arith.constant 96 : index
    %swap3A_1246 = tpu.vector_load %arg17[%swap3A_1244, %swap3A_1245] {strides = array<i32>} : memref<8x128xf32, #tpu.memory_space<vmem>>, vector<16xf32>,
    tpu.vector_store %arg17[%swap3A_1244, %swap3A_1245], %select_n3A_1242 {strides = array<i32>} : memref<8x128xf32, #tpu.memory_space<vmem>>, vector<16xf32>,
    %get3A_1247 = arith.constant 7 : i32
    %get3A_1248 = arith.index_cast %get3A_1247 : i32 to index
    %get3A_1249 = arith.constant 112 : index
    %get3A_1250 = tpu.vector_load %arg17[%get3A_1248, %get3A_1249] {strides = array<i32>} : memref<8x128xf32, #tpu.memory_space<vmem>>, vector<16xf32>,
    %gt3A_1251 = arith.constant 0.000000e+00 : f32
    %gt3A_1252 = vector.broadcast %gt3A_1251 : f32 to vector<16xf32>
    %gt3A_1253 = arith.cmpf ogt, %get3A_1250, %gt3A_1252 : vector<16xf32>
    %get3A_1254 = arith.constant 7 : i32
    %get3A_1255 = arith.index_cast %get3A_1254 : i32 to index
    %get3A_1256 = arith.constant 112 : index
    %get3A_1257 = tpu.vector_load %arg18[%get3A_1255, %get3A_1256] {strides = array<i32>} : memref<8x128xf32, #tpu.memory_space<vmem>>, vector<16xf32>,
    %jit3A_1258 = arith.constant 1.000000e+00 : f32
    %broadcast_in_dim3A_1259 = vector.broadcast %jit3A_1258 : f32 to vector<16xf32>
    %select_n3A_1260 = arith.select %gt3A_1253, %broadcast_in_dim3A_1259, %get3A_1257 : vector<16xi1>, vector<16xf32>
    %swap3A_1261 = arith.constant 7 : i32
    %swap3A_1262 = arith.index_cast %swap3A_1261 : i32 to index
    %swap3A_1263 = arith.constant 112 : index
    %swap3A_1264 = tpu.vector_load %arg17[%swap3A_1262, %swap3A_1263] {strides = array<i32>} : memref<8x128xf32, #tpu.memory_space<vmem>>, vector<16xf32>,
    tpu.vector_store %arg17[%swap3A_1262, %swap3A_1263], %select_n3A_1260 {strides = array<i32>} : memref<8x128xf32, #tpu.memory_space<vmem>>, vector<16xf32>,
    "tpu.region"() ({
      %run_scoped3A = tpu.sem_alloc : memref<!tpu.dma_semaphore, #tpu.memory_space<semaphore_mem>>
      %dma_start3A_1271 = arith.constant 0 : i32
      %dma_start3A_1272 = tpu.memref_slice %arg22[%mul3A_7, %dma_start3A_1271] : memref<128x128xf32, #tpu.memory_space<vmem_shared>> -> memref<8x128xf32, #tpu.memory_space<vmem_shared>>
      %dma_start3A_1273 = arith.constant 0 : i32
      %dma_start3A_1274 = tpu.memref_slice %arg22[%mul3A_7, %dma_start3A_1273] : memref<128x128xf32, #tpu.memory_space<vmem_shared>> -> memref<8x128xf32, #tpu.memory_space<vmem_shared>>
      tpu.enqueue_dma source(%arg17 : memref<8x128xf32, #tpu.memory_space<vmem>>) target(%dma_start3A_1274 : memref<8x128xf32, #tpu.memory_space<vmem_shared>>) target_semaphore(%run_scoped3A : memref<!tpu.dma_semaphore, #tpu.memory_space<semaphore_mem>>)
      %dma_wait3A_1275 = arith.constant 0 : i32
      %dma_wait3A_1276 = tpu.memref_slice %arg22[%mul3A_7, %dma_wait3A_1275] : memref<128x128xf32, #tpu.memory_space<vmem_shared>> -> memref<8x128xf32, #tpu.memory_space<vmem_shared>>
      %dma_wait3A_1277 = arith.constant 0 : i32
      %dma_wait3A_1278 = tpu.memref_slice %arg22[%mul3A_7, %dma_wait3A_1277] : memref<128x128xf32, #tpu.memory_space<vmem_shared>> -> memref<8x128xf32, #tpu.memory_space<vmem_shared>>
      tpu.wait_dma2 semaphore(%run_scoped3A : memref<!tpu.dma_semaphore, #tpu.memory_space<semaphore_mem>>) src(%arg17 : memref<8x128xf32, #tpu.memory_space<vmem>>) dst(%dma_wait3A_1278 : memref<8x128xf32, #tpu.memory_space<vmem_shared>>)
      tpu.yield
    }) : () -> ()
    %barrier3A_1265 = arith.constant 0 : index
    tpu.barrier barrier_id(%barrier3A_1265)
    "tpu.region"() ({
      %run_scoped3A = tpu.sem_alloc : memref<!tpu.dma_semaphore, #tpu.memory_space<semaphore_mem>>
      tpu.enqueue_dma source(%arg22 : memref<128x128xf32, #tpu.memory_space<vmem_shared>>) target(%arg16 : memref<128x128xf32, #tpu.memory_space<vmem>>) target_semaphore(%run_scoped3A : memref<!tpu.dma_semaphore, #tpu.memory_space<semaphore_mem>>)
      tpu.wait_dma2 semaphore(%run_scoped3A : memref<!tpu.dma_semaphore, #tpu.memory_space<semaphore_mem>>) src(%arg22 : memref<128x128xf32, #tpu.memory_space<vmem_shared>>) dst(%arg16 : memref<128x128xf32, #tpu.memory_space<vmem>>)
      tpu.yield
    }) : () -> ()
    %mul3A_1266 = arith.constant 10000 : i32
    %mul3A_1267 = arith.muli %arg0, %mul3A_1266 : i32
    %parallel_loop3A_1268 = arith.constant 0 : i32
    %parallel_loop3A_1269 = arith.constant 10000 : i32
    %parallel_loop3A_1270 = arith.constant 16 : i32
    scf.for %parallel_loop3A_1271 = %parallel_loop3A_1268 to %parallel_loop3A_1269 step %parallel_loop3A_1270  : i32 {
      %parallel_loop3A_1272 = arith.addi %mul3A_1267, %parallel_loop3A_1271 : i32
      %parallel_loop3A_1273 = arith.index_cast %parallel_loop3A_1272 : i32 to index
      %parallel_loop3A_1274 = tpu.vector_load %arg14[%parallel_loop3A_1273] {strides = array<i32>} : memref<20000xi32, #tpu.memory_space<vmem>>, vector<16xi32>,
      %parallel_loop3A_1275 = arith.index_cast %parallel_loop3A_1271 : i32 to index
      %parallel_loop3A_1276 = tpu.vector_load %arg15[%parallel_loop3A_1275] {strides = array<i32>} : memref<10000xi32, #tpu.memory_space<vmem>>, vector<16xi32>,
      %parallel_loop3A_1277 = tpu.vector_load_idx %arg16[%parallel_loop3A_1274, %parallel_loop3A_1276] : memref<128x128xf32, #tpu.memory_space<vmem>>[vector<16xi32>, vector<16xi32>], vector<16xf32>,
      %parallel_loop3A_1278 = arith.index_cast %parallel_loop3A_1271 : i32 to index
      %parallel_loop3A_1279 = tpu.vector_load %arg20[%parallel_loop3A_1278] {strides = array<i32>} : memref<10000xf32, #tpu.memory_space<vmem>>, vector<16xf32>,
      tpu.vector_store %arg20[%parallel_loop3A_1278], %parallel_loop3A_1277 {strides = array<i32>} : memref<10000xf32, #tpu.memory_space<vmem>>, vector<16xf32>,
      %parallel_loop3A_1280 = arith.index_cast %parallel_loop3A_1271 : i32 to index
      %parallel_loop3A_1281 = tpu.vector_load %arg19[%parallel_loop3A_1280] {strides = array<i32>} : memref<10000xf32, #tpu.memory_space<vmem>>, vector<16xf32>,
      tpu.vector_store %arg19[%parallel_loop3A_1280], %broadcast_in_dim3A_1 {strides = array<i32>} : memref<10000xf32, #tpu.memory_space<vmem>>, vector<16xf32>,
    } {sc.loop_unroll_factor = 25 : i64, sc.parallel_access}
    "tpu.region"() ({
      %run_scoped3A = tpu.sem_alloc : memref<!tpu.dma_semaphore, #tpu.memory_space<semaphore_mem>>
      %dma_start3A_1271 = tpu.memref_slice %arg7[%mul3A_5] : memref<320000xf32, #tpu.memory_space<hbm>> -> memref<10000xf32, #tpu.memory_space<hbm>>
      %dma_start3A_1272 = tpu.memref_slice %arg7[%mul3A_5] : memref<320000xf32, #tpu.memory_space<hbm>> -> memref<10000xf32, #tpu.memory_space<hbm>>
      tpu.enqueue_dma source(%arg19 : memref<10000xf32, #tpu.memory_space<vmem>>) target(%dma_start3A_1272 : memref<10000xf32, #tpu.memory_space<hbm>>) target_semaphore(%run_scoped3A : memref<!tpu.dma_semaphore, #tpu.memory_space<semaphore_mem>>)
      %dma_wait3A_1273 = tpu.memref_slice %arg7[%mul3A_5] : memref<320000xf32, #tpu.memory_space<hbm>> -> memref<10000xf32, #tpu.memory_space<hbm>>
      %dma_wait3A_1274 = tpu.memref_slice %arg7[%mul3A_5] : memref<320000xf32, #tpu.memory_space<hbm>> -> memref<10000xf32, #tpu.memory_space<hbm>>
      tpu.wait_dma2 semaphore(%run_scoped3A : memref<!tpu.dma_semaphore, #tpu.memory_space<semaphore_mem>>) src(%arg19 : memref<10000xf32, #tpu.memory_space<vmem>>) dst(%dma_wait3A_1274 : memref<10000xf32, #tpu.memory_space<hbm>>)
      tpu.yield
    }) : () -> ()
    "tpu.region"() ({
      %run_scoped3A = tpu.sem_alloc : memref<!tpu.dma_semaphore, #tpu.memory_space<semaphore_mem>>
      %dma_start3A_1271 = tpu.memref_slice %arg8[%mul3A_5] : memref<320000xf32, #tpu.memory_space<hbm>> -> memref<10000xf32, #tpu.memory_space<hbm>>
      %dma_start3A_1272 = tpu.memref_slice %arg8[%mul3A_5] : memref<320000xf32, #tpu.memory_space<hbm>> -> memref<10000xf32, #tpu.memory_space<hbm>>
      tpu.enqueue_dma source(%arg20 : memref<10000xf32, #tpu.memory_space<vmem>>) target(%dma_start3A_1272 : memref<10000xf32, #tpu.memory_space<hbm>>) target_semaphore(%run_scoped3A : memref<!tpu.dma_semaphore, #tpu.memory_space<semaphore_mem>>)
      %dma_wait3A_1273 = tpu.memref_slice %arg8[%mul3A_5] : memref<320000xf32, #tpu.memory_space<hbm>> -> memref<10000xf32, #tpu.memory_space<hbm>>
      %dma_wait3A_1274 = tpu.memref_slice %arg8[%mul3A_5] : memref<320000xf32, #tpu.memory_space<hbm>> -> memref<10000xf32, #tpu.memory_space<hbm>>
      tpu.wait_dma2 semaphore(%run_scoped3A : memref<!tpu.dma_semaphore, #tpu.memory_space<semaphore_mem>>) src(%arg20 : memref<10000xf32, #tpu.memory_space<vmem>>) dst(%dma_wait3A_1274 : memref<10000xf32, #tpu.memory_space<hbm>>)
      tpu.yield
    }) : () -> ()
    return
  }
}

module attributes {stable_mosaic.version = 14 : i64} {
  func.func @_argmax_body(%arg0: memref<10000x128xf32, #tpu.memory_space<vmem>>, %arg1: memref<10000x1xi32, #tpu.memory_space<vmem>>) attributes {dimension_semantics = [], scalar_prefetch = 0 : i64, scratch_operands = 0 : i64, tpu.core_type = #tpu.core_type<tc>} {
    %get3A = arith.constant 0 : index
    %get3A_0 = arith.constant 0 : index
    %get3A_1 = vector.load %arg0[%get3A, %get3A_0] : memref<10000x128xf32, #tpu.memory_space<vmem>>, vector<10000x128xf32>
    %argmax3A = tpu.reduce_index %get3A_1 {axis = 1 : i32, kind = #tpu.reduction_kind<arg_max>} : vector<10000x128xf32> -> vector<10000xi32>
    %broadcast_in_dim3A = vector.shape_cast %argmax3A : vector<10000xi32> to vector<10000x1xi32>
    %swap3A = arith.constant 0 : index
    %swap3A_2 = arith.constant 0 : index
    %swap3A_3 = vector.load %arg1[%swap3A, %swap3A_2] : memref<10000x1xi32, #tpu.memory_space<vmem>>, vector<10000x1xi32>
    tpu.vector_store %arg1[%swap3A, %swap3A_2], %broadcast_in_dim3A {strides = array<i32>} : memref<10000x1xi32, #tpu.memory_space<vmem>>, vector<10000x1xi32>,
    return
  }
}

</mosaic_0001>

<sc_bundles>
// kernel: kernel.4.cloned.1.call-start
scs
__scs_entry_jumppad:
0x0: {  	(pc) =	sbr.rel $0x88, $3  }
0x1: {  	(tag) =	ssettag $0x0;
	lr =	simm.s32 $0x1  }
0x2: {  	[smem:$0x3F9C] =	sst lr;
	_ =	strace $0xD0000000  }
0x3: {  	_ = 	snop  }
0x4: {  	_ = 	snop  }
0x5: {  	_ = 	snop  }
0x6: {  	_ = 	snop  }
0x7: {  	_ = 	snop  }
__scs_overlays_trampoline_lowered:
0x8: {  	[smem:$0x3FAB] =	sst s0  }
0x9: {  	[smem:$0x3FAC] =	sst s1  }
0xa: {  	[smem:$0x3FAD] =	sst s2  }
0xb: {  	[smem:$0x3FAE] =	sst s3  }
0xc: {  	[smem:$0x3FAF] =	sst s4  }
0xd: {  	[smem:$0x3FB0] =	sst s5  }
0xe: {  	[smem:$0x3FB1] =	sst s6  }
0xf: {  	[smem:$0x3FB2] =	sst s7  }
0x10: {  	[smem:$0x3FB3] =	sst s8  }
0x11: {  	[smem:$0x3FB4] =	sst s9;
	s0 =	simm.s32 @!p0 $0x0  }
0x12: {  	s1 =	sld [smem:$0x3F9A];
	s0 =	simm.s32 @p0 $0x1  }
0x13: {  	[smem:$0x3FB5] =	sst s0;
	s0 =	simm.s32 @!p1 $0x0  }
0x14: {  	s2 =	sld [smem:$0x3F99];
	s0 =	simm.s32 @p1 $0x1  }
0x15: {  	[smem:$0x3FB6] =	sst s0;
	s0 =	simm.s32 @!p2 $0x0  }
0x16: {  	s3 =	sld [smem:$0x3FDB];
	s0 =	simm.s32 @p2 $0x1  }
0x17: {  	s4 =	simm.s32 $0x1BF5;
	[smem:$0x3FB8] =	sst s0  }
0x18: {  	s0 =	sld [smem:$0x3F9B];
	_ =	swait.ge [sflag:s4], $0x0  }
0x19: {  	s7 =	sld [smem:$0x3F9C]  }
0x1a: {  	s8 =	sadd.s32 $0xFFFFE003, lr  }
0x1b: {  	s9 =	sadd.s32 $0xFFFFFEF7, lr;
	s5 =	simm.s32 $0xFFFFFFFF;
	p2 =	slt.u32 s8, $0xFFFFF086  }
0x1c: {  	p1 =	slt.u32 s9, $0xF7A;
	s5 =	simm.s32 @!p2 $0x0  }
0x1d: {  	s5 =	simm.s32 @p1 $0x1;
	p0 =	seq.s32 s7, s2  }
0x1e: {  	s7 =	smul.u32 @!p0 $0xF7A, s2;
	p2 =	seq.s32 @!p0 s5, $0x0  }
0x1f: {  	s9 =	smul.u32 $0xF7A, s1;
	s8 =	simm.s32 @!p0 $0x1BF5;
	p2 =	por !p2, p0  }
0x20: {  	[sflag:s8] =	ssyncset.s32 @!p0 $0xFFFFF086;
	s6 =	sadd.s32 @!p0 s3, s7;
	s7 =	simm.s32 @!p0 $0x108  }
0x21: {  	s3 =	sadd.s32 s3, s9;
	s6 =	sadd.s32 @!p0 $0x88, s6;
	s7 =	simm.s32 @p2 $0x1082  }
0x22: {  	[simem:s7], [sflag:s8] =	dma.local @!p0 [hbm:s6], $0xF7A  }
0x23: {  	s9 =	sor.u32 $0xD0000000, s2;
	s6 =	simm.s32 $0x108;
	_ =	swait.ge @!p0 [sflag:s8], $0x0  }
0x24: {  	s3 =	sadd.s32 $0x88, s3;
	s6 =	simm.s32 @!p1 $0x1082;
	[sflag:s4] =	ssyncset.s32 $0xFFFFF086  }
0x25: {  	[simem:s6], [sflag:s4] =	dma.local [hbm:s3], $0xF7A  }
0x26: {  	[smem:$0x3F9C] =	sst s1;
	(tag) =	ssettag s2;
	_ =	strace s9  }
0x27: {  	s1 =	sld [smem:$0x3FAC]  }
0x28: {  	s2 =	sld [smem:$0x3FAD]  }
0x29: {  	s4 =	sld [smem:$0x3FAF]  }
0x2a: {  	p0 =	seq.s32 s5, $0x0;
	s5 =	sld [smem:$0x3FB0]  }
0x2b: {  	s6 =	sld [smem:$0x3FB1]  }
0x2c: {  	s7 =	sld [smem:$0x3FB2]  }
0x2d: {  	s3 =	simm.s32 $0x108;
	s8 =	sld [smem:$0x3FB3]  }
0x2e: {  	s3 =	simm.s32 @!p0 $0x1082;
	s9 =	sld [smem:$0x3FB4]  }
0x2f: {  	lr =	sadd.s32 s0, s3;
	s0 =	sld [smem:$0x3FAB]  }
0x30: {  	s3 =	sld [smem:$0x3FAE]  }
0x31: {  	[smem:$0x3FB7] =	sst s10  }
0x32: {  	s10 =	sld [smem:$0x3FB5];
	_ =	sdelay $0x3  }
0x33: {  	p0 =	seq.s32 s10, $0x1;
	s10 =	sld [smem:$0x3FB7];
	_ =	sdelay $0x3  }
0x34: {  	[smem:$0x3FB7] =	sst s10  }
0x35: {  	s10 =	sld [smem:$0x3FB6];
	_ =	sdelay $0x3  }
0x36: {  	p1 =	seq.s32 s10, $0x1;
	s10 =	sld [smem:$0x3FB7];
	_ =	sdelay $0x3  }
0x37: {  	[smem:$0x3FB7] =	sst s10  }
0x38: {  	s10 =	sld [smem:$0x3FB8]  }
0x39: {  	_ = 	snop;
	(pc) =	sbr.ind lr, $3  }
0x3a: {  	_ = 	snop  }
0x3b: {  	_ = 	snop  }
0x3c: {  	p2 =	seq.s32 s10, $0x1;
	s10 =	sld [smem:$0x3FB7]  }
0x3d: {  	_ =	shalt  }
0x3e: {  	_ =	shalt  }
0x3f: {  	_ =	shalt  }
0x40: {  	_ =	shalt  }
0x41: {  	_ =	shalt  }
0x42: {  	_ =	shalt  }
0x43: {  	_ =	shalt  }
0x44: {  	_ =	shalt  }
0x45: {  	_ =	shalt  }
0x46: {  	_ =	shalt  }
0x47: {  	_ =	shalt  }
0x48: {  	_ =	shalt  }
0x49: {  	_ =	shalt  }
0x4a: {  	_ =	shalt  }
0x4b: {  	_ =	shalt  }
0x4c: {  	_ =	shalt  }
0x4d: {  	_ =	shalt  }
0x4e: {  	_ =	shalt  }
0x4f: {  	_ =	shalt  }
0x50: {  	_ =	shalt  }
0x51: {  	_ =	shalt  }
0x52: {  	_ =	shalt  }
0x53: {  	_ =	shalt  }
0x54: {  	_ =	shalt  }
0x55: {  	_ =	shalt  }
0x56: {  	_ =	shalt  }
0x57: {  	_ =	shalt  }
0x58: {  	_ =	shalt  }
0x59: {  	_ =	shalt  }
0x5a: {  	_ =	shalt  }
0x5b: {  	_ =	shalt  }
0x5c: {  	_ =	shalt  }
0x5d: {  	_ =	shalt  }
0x5e: {  	_ =	shalt  }
0x5f: {  	_ =	shalt  }
0x60: {  	_ =	shalt  }
0x61: {  	_ =	shalt  }
0x62: {  	_ =	shalt  }
0x63: {  	_ =	shalt  }
0x64: {  	_ =	shalt  }
0x65: {  	_ =	shalt  }
0x66: {  	_ =	shalt  }
0x67: {  	_ =	shalt  }
0x68: {  	_ =	shalt  }
0x69: {  	_ =	shalt  }
0x6a: {  	_ =	shalt  }
0x6b: {  	_ =	shalt  }
0x6c: {  	_ =	shalt  }
0x6d: {  	_ =	shalt  }
0x6e: {  	_ =	shalt  }
0x6f: {  	_ =	shalt  }
0x70: {  	_ =	shalt  }
0x71: {  	_ =	shalt  }
0x72: {  	_ =	shalt  }
0x73: {  	_ =	shalt  }
0x74: {  	_ =	shalt  }
0x75: {  	_ =	shalt  }
0x76: {  	_ =	shalt  }
0x77: {  	_ =	shalt  }
0x78: {  	_ =	shalt  }
0x79: {  	_ =	shalt  }
0x7a: {  	_ =	shalt  }
0x7b: {  	_ =	shalt  }
0x7c: {  	_ =	shalt  }
0x7d: {  	_ =	shalt  }
0x7e: {  	_ =	shalt  }
0x7f: {  	_ =	shalt  }
0x80: {  	_ =	shalt  }
0x81: {  	_ =	shalt  }
0x82: {  	_ =	shalt  }
0x83: {  	_ =	shalt  }
0x84: {  	_ =	shalt  }
0x85: {  	_ =	shalt  }
0x86: {  	_ =	shalt  }
0x87: {  	_ =	shalt  }
.Lfunc_end0:
.L_simem_size_0:
called_computation_lowered:
.L_overlay_start_0:
0x88: {  	s2 =	sld [smem:$0x3FD9]  }
0x89: {  	s3 =	sld [smem:$0x3FFE];
	_ =	sdelay $0x1  }
0x8a: {  	s1 =	srdreg.scid  }
0x8b: {  	s0 =	sand.u32 $0x1, s1  }
0x8c: {  	s14 =	sshll.u32 s0, $0xA;
	s2 =	sadd.s32 s3, s2  }
0x8d: {  	s2 =	sadd.s32 s2, s14  }
0x8e: {  	[smem:$0x3FC3] =	sst s2  }
0x8f: {  	_ = 	snop  }
0x90: {  	s2 =	sld [smem:$0x3FC8]  }
0x91: {  	s15 =	sld [smem:$0x3FD0]  }
0x92: {  	s4 =	sld [smem:$0x3FC7]  }
0x93: {  	s5 =	sld [smem:$0x3FC6]  }
0x94: {  	s7 =	simm.s32 $0xA;
	s8 =	simm.s32 $0x10;
	s6 =	sld [smem:$0x3FC5]  }
0x95: {  	[smem:s8], [sflag:s7] =	dma.local [hbm:s15], $0x1  }
0x96: {  	_ =	swait.eq [sflag:s7], $0x1  }
0x97: {  	[sflag:s7] =	ssyncset.done $0x0  }
0x98: {  	[sflag:s7] =	ssyncadd.s32 $0xFFFFFFFF  }
0x99: {  	s16 =	sld [smem:$0x11];
	(tm) =	ssettm $0x1  }
0x9a: {  	s17 =	sld [smem:$0x3FFB];
	_ =	sdelay $0x3  }
0x9b: {  	_ =	strace s17  }
0x9c: {  	s7 =	sld [smem:$0x3FFC];
	_ =	sdelay $0x3  }
0x9d: {  	_ =	strace s7  }
0x9e: {  	s7 =	sld [smem:$0x3FFD];
	_ =	sdelay $0x3  }
0x9f: {  	_ =	strace s7  }
0xa0: {  	_ =	strace $0x8FFFFFFF  }
0xa1: {  	s18 =	sld [smem:$0x3FDB];
	_ =	sdelay $0x1  }
0xa2: {  	s19 =	simm.s32 $_scs_section_size  }
0xa3: {  	s9 =	simm.s32 $_size__tile_overlayer_lowered;
	s10 =	simm.s32 $_tile_overlayer_lowered  }
0xa4: {  	s22 =	simm.s32 $0x1BFF;
	s21 =	sshll.u32 s10, $0x1;
	s7 =	sadd.s32 s19, s18  }
0xa5: {  	s11 =	simm.s32 $0x0;
	s20 =	sshll.u32 s9, $0x1;
	s9 =	sadd.s32 s21, s7  }
0xa6: {  	[timem:s11], [sflag:s22] =	dma.local [hbm:s9], s20  }
0xa7: {  	_ =	swait.ge [sflag:s22], s20  }
0xa8: {  	s8 =	ssub.s32 $0x0, s20;
	[sflag:s22] =	ssyncset.done $0x0  }
0xa9: {  	[sflag:s22] =	ssyncadd.s32 s8;
	_ =	sdelay $0x1  }
0xaa: {  	s23 =	simm.s32 $0x1B8B  }
0xab: {  	_ =	swait.ge [sflag:s23], $0x1  }
0xac: {  	[sflag:s23] =	ssyncset.done $0x0  }
0xad: {  	s25 =	simm.s32 $0x1B8E;
	s24 =	sld [smem:$0x3FFE];
	[sflag:s23] =	ssyncadd.s32 $0xFFFFFFFF  }
0xae: {  	s26 =	simm.s32 $execute0_lowered;
	[smem:$0x3FD2] =	sst s25  }
0xaf: {  	s9 =	sshll.u32 s26, $0x1;
	_ =	strace $0x80000046;
	[dreg:$0x1] =	wrdreg $0xFFFFFFFF  }
0xb0: {  	s28 =	simm.s32 $_size_execute0_lowered;
	s7 =	sadd.s32 s7, s9;
	[dreg:$0x0] =	wrdreg $0x0  }
0xb1: {  	s9 =	sshll.u32 s28, $0x1;
	[dreg:$0x2] =	wrdreg s7  }
0xb2: {  	[dreg:$0x3] =	wrdreg s9  }
0xb3: {  	[dreg:$0x4] =	wrdreg $0xC0  }
0xb4: {  	_ =	task [dreg:s11], $0x5FFFF  }
0xb5: {  	[dreg:$0x1] =	wrdreg $0xFFFFFFFF  }
0xb6: {  	[dreg:$0x0] =	wrdreg $0x60  }
0xb7: {  	[dreg:$0x2] =	wrdreg s16  }
0xb8: {  	[dreg:$0x3] =	wrdreg s4  }
0xb9: {  	[dreg:$0x4] =	wrdreg s5  }
0xba: {  	[dreg:$0x5] =	wrdreg s6  }
0xbb: {  	[dreg:$0x6] =	wrdreg s2  }
0xbc: {  	[dreg:$0x7] =	wrdreg s24  }
0xbd: {  	[dreg:$0x8] =	wrdreg $0x1D3000  }
0xbe: {  	[dreg:$0x9] =	wrdreg $0x1D7000  }
0xbf: {  	[dreg:$0xa] =	wrdreg $0x9  }
0xc0: {  	_ =	task.clear_ibuf [dreg:s11], $0xBFFFF;
	_ =	strace $0x90000046  }
0xc1: {  	s29 =	simm.s32 $0x9;
	_ =	strace $0x80000048  }
0xc2: {  	_ =	swait.ge [sflag:s29], $0x1  }
0xc3: {  	[sflag:s29] =	ssyncadd.s32 $0xFFFFFFFF  }
0xc4: {  	_ =	strace $0x90000048  }
0xc5: {  	_ =	sfence  }
0xc6: {  	s30 =	sld [smem:$0x0];
	_ =	sdelay $0x2  }
0xc7: {  	s31 =	sshll.u32 s1, $0xD;
	s1 =	sshrl.u32 s1, $0x2  }
0xc8: {  	s3 =	sand.u32 $0x4000, s31;
	s1 =	sadd.s32 s1, s30  }
0xc9: {  	s0 =	sor.u32 s3, s0;
	s1 =	sshll.u32 s1, $0x11  }
0xca: {  	s0 =	sor.u32 s1, s0  }
0xcb: {  	s0 =	sadd.s32 $0x8F2B, s0  }
0xcc: {  	[sflag:s0] =	ssyncadd.remote.s32 $0x1  }
0xcd: {  	_ =	sfence.sel $0xFFFF  }
0xce: {  	[dreg:$0x0] =	wrdreg $0xFFFFFFFF;
	(pc) =	sbr.abs _section_cstart, $3  }
0xcf: {  	[dreg:$0x1] =	wrdreg $0xFFFFFFFF  }
0xd0: {  	_ =	task.clear_ibuf [dreg:s11], $0x2FFFF;
	_ =	strace $0x9FFFFFFF  }
0xd1: {  	(tm) =	ssettm $0x7FFFFFFF  }
tec
execute0_lowered:
.L_overlay_start_1:
0x0: {  	(tag) =	ssettag $0x1  }
0x1: {  	s0 =	rddreg [dreg:$0x1]  }
0x2: {  	s1 =	rddreg [dreg:$0x2]  }
0x3: {  	s3 =	rddreg [dreg:$0x3]  }
0x4: {  	s5 =	rddreg [dreg:$0x4]  }
0x5: {  	s6 =	rddreg [dreg:$0x5]  }
0x6: {  	s2 =	rddreg [dreg:$0x6]  }
0x7: {  	s13 =	rddreg [dreg:$0x7];
	s4 =	srdreg.scid  }
0x8: {  	s7 =	stileid.u32;
	s28 =	simm.s32 $0x4;
	s29 =	simm.s32 $0x5  }
0x9: {  	s18 =	simm.s32 $0x7;
	s8 =	sand.u32 $0x1, s4;
	s9 =	sshll.u32 s7, $0x1  }
0xa: {  	s4 =	simm.s32 $0x0;
	s10 =	smul.u32 $0x4E20, s7;
	s23 =	sshll.u32 s7, $0x7  }
0xb: {  	s24 =	sshll.u32 s7, $0xA;
	p0 =	sne.s32 s7, $0x0;
	p1 =	sne.s32 s7, $0x1  }
0xc: {  	s9 =	sor.u32 s8, s9;
	[smem:$0x7FF] =	sst s4;
	s25 =	smul.u32 $0x9C40, s8  }
0xd: {  	s11 =	ssub.s32 $0x2, s8;
	s16 =	sshrl.u32 @!p0 s13, $0x3;
	s9 =	smul.u32 $0x4E2, s9  }
0xe: {  	_ =	strace $0x80000047;
	s12 =	sshrl.u32 s11, $0x1;
	s10 =	sshrl.u32 s10, $0x3  }
0xf: {  	s14 =	ssub.s32 s11, s12;
	s19 =	sadd.s32 $0x4E2, s10;
	s20 =	sadd.s32 s0, s10  }
0x10: {  	v0 =	vlaneseq.u32;
	s10 =	sadd.s32 s1, s10;
	s11 =	sadd.s32 s24, s2;
	s31 =	sshrl.u32 s25, $0x2  }
0x11: {  	v2 =	vor.u32 $0x10, v0;
	s24 =	simm.s32 $0x0;
	s6 =	sadd.s32 s9, s6;
	[dreg:$0x9] =	wrdreg s20  }
0x12: {  	[tilespmem:$0x1FF90] =	vst v2;
	v2 =	vor.u32 $0x20, v0;
	[dreg:$0xa] =	wrdreg s10;
	s0 =	sadd.s32 s0, s19;
	s21 =	sadd.s32 s1, s19  }
0x13: {  	[tilespmem:$0x1FFA0] =	vst v2;
	v2 =	vor.u32 $0x30, v0;
	s22 =	sadd.s32 s3, s9;
	s14 =	smax.u32 s14, $0x1;
	[dreg:$0xb] =	wrdreg s0  }
0x14: {  	s15 =	sadd.s32 $0xC640, s31;
	s19 =	simm.s32 $0x9;
	[tilespmem:$0x1FFB0] =	vst v2;
	v2 =	vor.u32 $0x40, v0;
	[dreg:$0xc] =	wrdreg s21  }
0x15: {  	s20 =	simm.s32 $0x2;
	[dreg:$0xd] =	wrdreg s22;
	s0 =	sadd.s32 s5, s23;
	[tilespmem:$0x1FFC0] =	vst v2;
	v2 =	vor.u32 $0x50, v0  }
0x16: {  	s1 =	simm.s32 $0x6;
	s26 =	sadd.s32 $0x800, s6;
	[dreg:$0xe] =	wrdreg s0;
	[tilespmem:$0x1FFD0] =	vst v2;
	v2 =	vor.u32 $0x60, v0  }
0x17: {  	s30 =	sadd.s32 $0xA600, s6;
	s21 =	simm.s32 $0x3;
	[dreg:$0xf] =	wrdreg s26;
	v0 =	vor.u32 $0x70, v0;
	[tilespmem:$0x1FFE0] =	vst v2  }
0x18: {  	v1 =	vimm.f32 $0.0e+00;
	v9 =	vimm.f32 $1.000000000e+00;
	[dreg:$0x10] =	wrdreg s30;
	s26 =	simm.s32 $0x13B80;
	s0 =	simm.s32 $0x8;
	[tilespmem:$0x1FFF0] =	vst v0  }
.LBB2_1:
0x19: {  	s3 =	simm.s32 @!p0 $0x1C01;
	s5 =	rddreg [dreg:$0x0]  }
0x1a: {  	[spmem:s16], [sflag:s3] =	dma.local @!p0 [hbm:s5], $0x4F0  }
0x1b: {  	s25 =	simm.s32 $0x2780;
	s3 =	rddreg [dreg:$0x9]  }
0x1c: {  	[tilespmem:s25], [sflag:$0x2] =	stream.linear.gather [hbm4b:s3+s4], $0x2710, $0x38;
	[tilespmem:$0x1D978] =	vst v63  }
0x1d: {  	s31 =	simm.s32 $0x4F00;
	s30 =	rddreg [dreg:$0xa];
	s3 =	simm.s32 $0x13BC0  }
0x1e: {  	[tilespmem:s31], [sflag:$0x3] =	stream.linear.gather [hbm4b:s30+s4], $0x2710, $0x38;
	[tilespmem:$0x1D978] =	vst v63  }
0x1f: {  	[tilespmem:s3+$0xFFFFFFC0] =	vst v1  }
0x20: {  	[tilespmem:s3+$0x30] =	vst v1  }
0x21: {  	[tilespmem:s3+$0x20] =	vst v1  }
0x22: {  	[tilespmem:s3+$0x10] =	vst v1  }
0x23: {  	[tilespmem:s3+$0x0] =	vst v1  }
0x24: {  	[tilespmem:s3+$0xFFFFFFF0] =	vst v1  }
0x25: {  	s5 =	simm.s32 $0x0;
	[tilespmem:s3+$0xFFFFFFE0] =	vst v1  }
.LBB2_2:
0x26: {  	s5 =	sadd.s32 $0x80, s5;
	[tilespmem:s3+$0xFFFFFFD0] =	vst v1;
	s3 =	sadd.s32 $0x80, s3  }
0x27: {  	[tilespmem:s3+$0xFFFFFFC0] =	vst v1;
	p2 =	slt.u32 s5, $0x3F80  }
0x28: {  	[tilespmem:s3+$0x30] =	vst v1  }
.Ltmp0:
0x29: {  	[tilespmem:s3+$0x20] =	vst v1;
	(pc) =	sbr.rel @p2 .LBB2_2-.Ltmp0, $4  }
0x2a: {  	[tilespmem:s3+$0x10] =	vst v1  }
0x2b: {  	[tilespmem:s3+$0x0] =	vst v1  }
0x2c: {  	[tilespmem:s3+$0xFFFFFFF0] =	vst v1  }
0x2d: {  	[tilespmem:s3+$0xFFFFFFE0] =	vst v1  }
0x2e: {  	[tilespmem:s3+$0xFFFFFFD0] =	vst v1;
	s3 =	simm.s32 @!p1 $0x13B80  }
0x2f: {  	[spmem:s2] =	stream.linear.scatter @!p1 [tilespmem:s3], [sflag:$0x9], $0x4000, $0x38;
	[tilespmem:$0x1D978] =	vst v63  }
0x30: {  	s3 =	simm.s32 @!p1 $0x9  }
0x31: {  	_ =	swait.ge @!p1 [sflag:s3], $0x4000  }
0x32: {  	[sflag:s3] =	ssyncset.done @!p1 $0x0  }
0x33: {  	v0 =	vlaneseq.u32;
	[sflag:s3] =	ssyncadd.s32 @!p1 $0xFFFFC000  }
0x34: {  	[tilespmem:$0x1D280] =	vst v0;
	v0 =	vld [tilespmem:$0x1FF90];
	_ =	sdelay $0x4  }
0x35: {  	[tilespmem:$0x1D290] =	vst v0;
	v0 =	vld [tilespmem:$0x1FFA0];
	_ =	sdelay $0x4  }
0x36: {  	[tilespmem:$0x1D2A0] =	vst v0;
	v0 =	vld [tilespmem:$0x1FFB0];
	_ =	sdelay $0x4  }
0x37: {  	[tilespmem:$0x1D2B0] =	vst v0;
	v0 =	vld [tilespmem:$0x1FFC0];
	_ =	sdelay $0x4  }
0x38: {  	[tilespmem:$0x1D2C0] =	vst v0;
	v0 =	vld [tilespmem:$0x1FFD0];
	_ =	sdelay $0x4  }
0x39: {  	[tilespmem:$0x1D2D0] =	vst v0;
	v0 =	vld [tilespmem:$0x1FFE0];
	_ =	sdelay $0x4  }
0x3a: {  	[tilespmem:$0x1D2E0] =	vst v0;
	v0 =	vld [tilespmem:$0x1FFF0];
	_ =	sdelay $0x4  }
0x3b: {  	s3 =	simm.s32 @!p0 $0x1;
	[tilespmem:$0x1D2F0] =	vst v0  }
0x3c: {  	_ =	swait.ge @!p0 [sflag:s3], $0x4F0  }
0x3d: {  	[sflag:s3] =	ssyncset.done @!p0 $0x0  }
0x3e: {  	[sflag:s3] =	ssyncadd.s32 @!p0 $0xFFFFFB10  }
0x3f: {  	[bflag:$0x0] =	sbarrier.arrive $0xFFFF  }
0x40: {  	s9 =	rddreg [dreg:$0x7]  }
0x41: {  	[tilespmem:s4], [sflag:$0x9] =	stream.linear.gather [spmem:s9], $0x2780, $0x38;
	[tilespmem:$0x1D978] =	vst v63  }
0x42: {  	_ =	swait.ge [sflag:s19], $0x2780  }
0x43: {  	[sflag:s19] =	ssyncset.done $0x0  }
0x44: {  	[sflag:s19] =	ssyncadd.s32 $0xFFFFD880  }
0x45: {  	_ =	swait.ge [sflag:s20], $0x2710  }
0x46: {  	[sflag:s20] =	ssyncset.done $0x0  }
0x47: {  	[sflag:s20] =	ssyncadd.s32 $0xFFFFD8F0  }
0x48: {  	_ =	swait.ge [sflag:s21], $0x2710  }
0x49: {  	[sflag:s21] =	ssyncset.done $0x0  }
0x4a: {  	s5 =	simm.s32 $0x7680;
	s10 =	rddreg [dreg:$0xb];
	[sflag:s21] =	ssyncadd.s32 $0xFFFFD8F0  }
0x4b: {  	[tilespmem:s5], [sflag:$0x4] =	stream.linear.gather [hbm4b:s10+s4], $0x2710, $0x38;
	[tilespmem:$0x1D978] =	vst v63  }
0x4c: {  	s13 =	simm.s32 $0x9E00;
	s12 =	rddreg [dreg:$0xc]  }
0x4d: {  	[tilespmem:s13], [sflag:$0x5] =	stream.linear.gather [hbm4b:s12+s4], $0x2710, $0x38;
	[tilespmem:$0x1D978] =	vst v63  }
0x4e: {  	s22 =	simm.s32 $0x11400;
	s30 =	simm.s32 $0x0;
	s17 =	rddreg [dreg:$0xd]  }
0x4f: {  	[tilespmem:s22], [sflag:$0x6] =	stream.linear.gather [hbm4b:s17+s4], $0x2710, $0x38;
	[tilespmem:$0x1D978] =	vst v63  }
0x50: {  	s25 =	simm.s32 $0x17F80;
	s31 =	sand.u32 $0x3FE0, s30;
	s23 =	rddreg [dreg:$0xe]  }
0x51: {  	[tilespmem:s25], [sflag:$0x7] =	stream.linear.gather [hbm4b:s23+s4], $0x400, $0x38;
	[tilespmem:$0x1D978] =	vst v63  }
0x52: {  	s8 =	simm.s32 $0xA0;
	v12 =	vld [tilespmem:s31+$0x2800]  }
0x53: {  	s3 =	sand.u32 $0x3FE0, s8;
	v13 =	vld [tilespmem:s31+$0x4F80]  }
0x54: {  	v10 =	vld [tilespmem:s3+$0x2800]  }
0x55: {  	s7 =	simm.s32 $0x4F50;
	v11 =	vld [tilespmem:s3+$0x4F80]  }
0x56: {  	s6 =	simm.s32 $0x27D0;
	v15 =	vld [tilespmem:s7+$0x40]  }
0x57: {  	v16 =	vld [tilespmem:s6+$0xFFFFFFB0]  }
0x58: {  	v17 =	vld [tilespmem:s7+$0xFFFFFFB0]  }
0x59: {  	v21 =	vld [tilespmem:s6+$0xFFFFFFC0]  }
0x5a: {  	v22 =	vld [tilespmem:s7+$0xFFFFFFC0]  }
0x5b: {  	v23 =	vld [tilespmem:s6+$0xFFFFFFD0]  }
0x5c: {  	v24 =	vld [tilespmem:s7+$0xFFFFFFD0]  }
0x5d: {  	v25 =	vld [tilespmem:s7+$0xFFFFFFE0]  }
0x5e: {  	v26 =	vld [tilespmem:s6+$0xFFFFFFF0]  }
0x5f: {  	v27 =	vld [tilespmem:s7+$0xFFFFFFF0]  }
0x60: {  	v14 =	vld.idx.msk [tilespmem:v12+s4+$0x0], $0xffff  }
0x61: {  	v12 =	vld.idx.msk [tilespmem:v13+s4+$0x0], $0xffff  }
0x62: {  	v13 =	vld [tilespmem:s6+$0x40]  }
0x63: {  	v29 =	vld [tilespmem:s6+$0x0]  }
0x64: {  	v30 =	vld [tilespmem:s7+$0x0]  }
0x65: {  	v31 =	vld [tilespmem:s6+$0x10]  }
0x66: {  	v32 =	vld [tilespmem:s7+$0x10]  }
0x67: {  	v20 =	vld [tilespmem:s6+$0x20]  }
0x68: {  	v19 =	vld [tilespmem:s7+$0x20]  }
0x69: {  	v18 =	vld.idx.msk [tilespmem:v16+s4+$0x0], $0xffff  }
0x6a: {  	v28 =	vld.idx.msk [tilespmem:v13+s4+$0x0], $0xffff  }
0x6b: {  	v13 =	vld.idx.msk [tilespmem:v15+s4+$0x0], $0xffff  }
0x6c: {  	v15 =	vld [tilespmem:s6+$0xFFFFFFE0]  }
0x6d: {  	v33 =	vld.idx.msk [tilespmem:v17+s4+$0x0], $0xffff  }
0x6e: {  	v17 =	vld.idx.msk [tilespmem:v21+s4+$0x0], $0xffff;
	v16 =	vand.u32 $0xFFFFFF80, v12;
	v34 =	vshll.u32 v14, $0x7  }
0x6f: {  	v21 =	vld.idx.msk [tilespmem:v22+s4+$0x0], $0xffff;
	v12 =	vand.u32 $0x7F, v12;
	v16 =	vadd.s32 v34, v16  }
0x70: {  	v24 =	vld.idx.msk [tilespmem:v24+s4+$0x0], $0xffff;
	v22 =	vor.u32 v12, v16  }
0x71: {  	v16 =	vld.idx.msk [tilespmem:v23+s4+$0x0], $0xffff;
	v12 =	vand.u32 $0xFFFFFF80, v13;
	v23 =	vshll.u32 v28, $0x7  }
0x72: {  	v35 =	vld.idx.msk [tilespmem:v25+s4+$0x0], $0xffff;
	v13 =	vand.u32 $0x7F, v13;
	v12 =	vadd.s32 v23, v12  }
0x73: {  	v23 =	vand.u32 $0xFFFFFF80, v33;
	v62 =	vor.u32 v13, v12;
	v13 =	vshll.u32 v18, $0x7;
	v12 =	vld.idx.msk [tilespmem:v26+s4+$0x0], $0xffff  }
0x74: {  	v25 =	vand.u32 $0x7F, v33;
	v15 =	vld.idx.msk [tilespmem:v15+s4+$0x0], $0xffff;
	v13 =	vadd.s32 v13, v23  }
0x75: {  	v63 =	vand.u32 $0xFFFFFF80, v21;
	[tilespmem:v22+s26+$0x0] =	vst.idx.msk $0xffff, v9;
	v22 =	vshll.u32 v17, $0x7;
	v23 =	vld.idx.msk [tilespmem:v27+s4+$0x0], $0xffff;
	v26 =	vor.u32 v25, v13  }
0x76: {  	v21 =	vand.u32 $0x7F, v21;
	v22 =	vadd.s32 v22, v63;
	v13 =	vld.idx.msk [tilespmem:v29+s4+$0x0], $0xffff  }
0x77: {  	[tilespmem:s31+$0xC600] =	vst v14;
	v14 =	vshll.u32 v16, $0x7;
	v25 =	vor.u32 v21, v22;
	v21 =	vand.u32 $0xFFFFFF80, v24;
	v22 =	vld.idx.msk [tilespmem:v30+s4+$0x0], $0xffff  }
0x78: {  	s5 =	simm.s32 $0xC5D0;
	v24 =	vand.u32 $0x7F, v24;
	v29 =	vand.u32 $0xFFFFFF80, v35;
	v21 =	vadd.s32 v14, v21;
	v14 =	vld.idx.msk [tilespmem:v31+s4+$0x0], $0xffff;
	[tilespmem:v62+s26+$0x0] =	vst.idx.msk $0xffff, v9  }
0x79: {  	v24 =	vor.u32 v24, v21;
	v21 =	vld.idx.msk [tilespmem:v32+s4+$0x0], $0xffff;
	v27 =	vshll.u32 v15, $0x7;
	[tilespmem:s5+$0x40] =	vst v28;
	v28 =	vand.u32 $0x7F, v35  }
.LBB2_4:
0x7a: {  	s8 =	sadd.s32 $0xA0, s8;
	[tilespmem:v26+s26+$0x0] =	vst.idx.msk $0xffff, v9;
	v26 =	vadd.s32 v27, v29;
	v27 =	vshll.u32 v12, $0x7;
	v20 =	vld.idx.msk [tilespmem:v20+s4+$0x0], $0xffff  }
0x7b: {  	s22 =	sand.u32 $0x3FE0, s8;
	[tilespmem:s5+$0xFFFFFFB0] =	vst v18;
	v18 =	vor.u32 v28, v26;
	v26 =	vand.u32 $0xFFFFFF80, v23;
	v23 =	vand.u32 $0x7F, v23;
	v19 =	vld.idx.msk [tilespmem:v19+s4+$0x0], $0xffff  }
0x7c: {  	v28 =	vld [tilespmem:s22+$0x2800];
	[tilespmem:v25+s26+$0x0] =	vst.idx.msk $0xffff, v9;
	v25 =	vadd.s32 v27, v26;
	v26 =	vshll.u32 v13, $0x7  }
0x7d: {  	v27 =	vld [tilespmem:s22+$0x4F80];
	[tilespmem:s5+$0xFFFFFFC0] =	vst v17;
	v17 =	vor.u32 v23, v25;
	v23 =	vand.u32 $0xFFFFFF80, v22;
	v22 =	vand.u32 $0x7F, v22  }
0x7e: {  	v25 =	vld.idx.msk [tilespmem:v10+s4+$0x0], $0xffff;
	[tilespmem:v24+s26+$0x0] =	vst.idx.msk $0xffff, v9;
	v10 =	vadd.s32 v26, v23;
	v23 =	vshll.u32 v14, $0x7  }
0x7f: {  	s6 =	sadd.s32 $0xA0, s6;
	v2 =	vand.u32 $0xFFFFFF80, v21;
	v24 =	vld.idx.msk [tilespmem:v11+s4+$0x0], $0xffff;
	[tilespmem:s5+$0xFFFFFFD0] =	vst v16;
	v16 =	vor.u32 v22, v10;
	v11 =	vand.u32 $0x7F, v21  }
0x80: {  	s7 =	sadd.s32 $0xA0, s7;
	p2 =	slt.u32 s8, $0x2620;
	v0 =	vadd.s32 v23, v2;
	v21 =	vld [tilespmem:s6+$0x40];
	[tilespmem:v18+s26+$0x0] =	vst.idx.msk $0xffff, v9;
	v18 =	vshll.u32 v20, $0x7  }
0x81: {  	v22 =	vld [tilespmem:s7+$0x40];
	[tilespmem:s5+$0xFFFFFFE0] =	vst v15;
	v15 =	vor.u32 v11, v0;
	v0 =	vand.u32 $0xFFFFFF80, v19;
	v19 =	vand.u32 $0x7F, v19;
	v10 =	vmovc v28  }
0x82: {  	v23 =	vld [tilespmem:s6+$0xFFFFFFB0];
	[tilespmem:v17+s26+$0x0] =	vst.idx.msk $0xffff, v9;
	v17 =	vadd.s32 v18, v0;
	v11 =	vmov v27  }
0x83: {  	v26 =	vld [tilespmem:s7+$0xFFFFFFB0];
	[tilespmem:s5+$0xFFFFFFF0] =	vst v12;
	v12 =	vor.u32 v19, v17  }
0x84: {  	v17 =	vld [tilespmem:s6+$0xFFFFFFC0];
	[tilespmem:v16+s26+$0x0] =	vst.idx.msk $0xffff, v9  }
0x85: {  	v16 =	vld [tilespmem:s7+$0xFFFFFFC0];
	[tilespmem:s5+$0x0] =	vst v13  }
0x86: {  	v13 =	vld [tilespmem:s6+$0xFFFFFFD0];
	[tilespmem:v15+s26+$0x0] =	vst.idx.msk $0xffff, v9  }
0x87: {  	v15 =	vld [tilespmem:s7+$0xFFFFFFD0];
	[tilespmem:s5+$0x10] =	vst v14  }
0x88: {  	v14 =	vld.idx.msk [tilespmem:v21+s4+$0x0], $0xffff;
	[tilespmem:v12+s26+$0x0] =	vst.idx.msk $0xffff, v9  }
0x89: {  	v12 =	vld.idx.msk [tilespmem:v22+s4+$0x0], $0xffff;
	[tilespmem:s5+$0x20] =	vst v20  }
0x8a: {  	v21 =	vld [tilespmem:s6+$0xFFFFFFE0]  }
0x8b: {  	v22 =	vld [tilespmem:s7+$0xFFFFFFE0]  }
0x8c: {  	v27 =	vld [tilespmem:s6+$0xFFFFFFF0]  }
0x8d: {  	v19 =	vshll.u32 v25, $0x7;
	v18 =	vand.u32 $0xFFFFFF80, v24;
	v28 =	vld [tilespmem:s7+$0xFFFFFFF0]  }
0x8e: {  	v18 =	vadd.s32 v19, v18;
	v20 =	vand.u32 $0x7F, v24;
	v29 =	vld [tilespmem:s6+$0x0]  }
0x8f: {  	v30 =	vor.u32 v20, v18;
	v19 =	vshll.u32 v14, $0x7;
	v18 =	vand.u32 $0xFFFFFF80, v12;
	v24 =	vld [tilespmem:s7+$0x0]  }
0x90: {  	v12 =	vand.u32 $0x7F, v12;
	v18 =	vadd.s32 v19, v18;
	v31 =	vld [tilespmem:s6+$0x10]  }
0x91: {  	v12 =	vor.u32 v12, v18;
	v32 =	vld [tilespmem:s7+$0x10]  }
0x92: {  	v20 =	vld [tilespmem:s6+$0x20]  }
0x93: {  	v19 =	vld [tilespmem:s7+$0x20]  }
0x94: {  	v18 =	vld.idx.msk [tilespmem:v23+s4+$0x0], $0xffff;
	[tilespmem:v30+s26+$0x0] =	vst.idx.msk $0xffff, v9  }
0x95: {  	v23 =	vld.idx.msk [tilespmem:v26+s4+$0x0], $0xffff;
	[tilespmem:s3+$0xC600] =	vst v25;
	s3 =	smov.u32 s22  }
0x96: {  	s5 =	sadd.s32 $0xA0, s5;
	v17 =	vld.idx.msk [tilespmem:v17+s4+$0x0], $0xffff;
	[tilespmem:v12+s26+$0x0] =	vst.idx.msk $0xffff, v9  }
0x97: {  	v25 =	vld.idx.msk [tilespmem:v16+s4+$0x0], $0xffff;
	[tilespmem:s5+$0x40] =	vst v14  }
0x98: {  	v16 =	vld.idx.msk [tilespmem:v13+s4+$0x0], $0xffff  }
0x99: {  	v14 =	vld.idx.msk [tilespmem:v15+s4+$0x0], $0xffff  }
0x9a: {  	v12 =	vshll.u32 v18, $0x7;
	v15 =	vld.idx.msk [tilespmem:v21+s4+$0x0], $0xffff  }
0x9b: {  	v13 =	vand.u32 $0xFFFFFF80, v23;
	v21 =	vand.u32 $0x7F, v23;
	v30 =	vld.idx.msk [tilespmem:v22+s4+$0x0], $0xffff  }
0x9c: {  	v13 =	vadd.s32 v12, v13;
	v22 =	vshll.u32 v17, $0x7;
	v12 =	vld.idx.msk [tilespmem:v27+s4+$0x0], $0xffff  }
.Ltmp1:
0x9d: {  	v26 =	vor.u32 v21, v13;
	v13 =	vand.u32 $0xFFFFFF80, v25;
	v21 =	vand.u32 $0x7F, v25;
	v23 =	vld.idx.msk [tilespmem:v28+s4+$0x0], $0xffff;
	(pc) =	sbr.rel @p2 .LBB2_4-.Ltmp1, $4  }
0x9e: {  	v22 =	vadd.s32 v22, v13;
	v27 =	vshll.u32 v16, $0x7;
	v13 =	vld.idx.msk [tilespmem:v29+s4+$0x0], $0xffff  }
0x9f: {  	v25 =	vor.u32 v21, v22;
	v21 =	vand.u32 $0xFFFFFF80, v14;
	v28 =	vand.u32 $0x7F, v14;
	v22 =	vld.idx.msk [tilespmem:v24+s4+$0x0], $0xffff  }
0xa0: {  	v21 =	vadd.s32 v27, v21;
	v27 =	vshll.u32 v15, $0x7;
	v14 =	vld.idx.msk [tilespmem:v31+s4+$0x0], $0xffff  }
0xa1: {  	v24 =	vor.u32 v28, v21;
	v29 =	vand.u32 $0xFFFFFF80, v30;
	v28 =	vand.u32 $0x7F, v30;
	v21 =	vld.idx.msk [tilespmem:v32+s4+$0x0], $0xffff  }
0xa2: {  	_ =	sdelay $0x3  }
0xa3: {  	v20 =	vld.idx.msk [tilespmem:v20+s4+$0x0], $0xffff  }
0xa4: {  	v19 =	vld.idx.msk [tilespmem:v19+s4+$0x0], $0xffff  }
0xa5: {  	v10 =	vld.idx.msk [tilespmem:v10+s4+$0x0], $0xffff  }
0xa6: {  	v11 =	vld.idx.msk [tilespmem:v11+s4+$0x0], $0xffff;
	s6 =	sadd.s32 $0xA0, s6  }
0xa7: {  	s7 =	sadd.s32 $0xA0, s7;
	v30 =	vld [tilespmem:s6+$0x40]  }
0xa8: {  	v31 =	vld [tilespmem:s7+$0x40]  }
0xa9: {  	v32 =	vld [tilespmem:s6+$0xFFFFFFB0]  }
0xaa: {  	v33 =	vld [tilespmem:s7+$0xFFFFFFB0]  }
0xab: {  	v34 =	vld [tilespmem:s6+$0xFFFFFFC0]  }
0xac: {  	v35 =	vld [tilespmem:s7+$0xFFFFFFC0]  }
0xad: {  	v36 =	vld [tilespmem:s6+$0xFFFFFFD0]  }
0xae: {  	v37 =	vld [tilespmem:s7+$0xFFFFFFD0]  }
0xaf: {  	v38 =	vld [tilespmem:s6+$0xFFFFFFE0]  }
0xb0: {  	v39 =	vld [tilespmem:s7+$0xFFFFFFE0]  }
0xb1: {  	v40 =	vld [tilespmem:s6+$0xFFFFFFF0]  }
0xb2: {  	v5 =	vadd.s32 v27, v29;
	v27 =	vld [tilespmem:s7+$0xFFFFFFF0]  }
0xb3: {  	v7 =	vor.u32 v28, v5;
	v28 =	vld [tilespmem:s6+$0x0]  }
0xb4: {  	[tilespmem:v26+s26+$0x0] =	vst.idx.msk $0xffff, v9;
	v6 =	vshll.u32 v12, $0x7;
	v41 =	vand.u32 $0xFFFFFF80, v23;
	v26 =	vld [tilespmem:s7+$0x0]  }
0xb5: {  	v42 =	vand.u32 $0x7F, v23;
	[tilespmem:v25+s26+$0x0] =	vst.idx.msk $0xffff, v9;
	v43 =	vadd.s32 v6, v41;
	v25 =	vld [tilespmem:s6+$0x10]  }
0xb6: {  	[tilespmem:v24+s26+$0x0] =	vst.idx.msk $0xffff, v9;
	v44 =	vshll.u32 v13, $0x7;
	v24 =	vld [tilespmem:s7+$0x10];
	v45 =	vor.u32 v42, v43;
	v46 =	vand.u32 $0xFFFFFF80, v22  }
0xb7: {  	[tilespmem:s5+$0xFFFFFFB0] =	vst v18;
	v47 =	vand.u32 $0x7F, v22;
	v23 =	vadd.s32 v44, v46;
	v48 =	vshll.u32 v14, $0x7;
	v30 =	vld.idx.msk [tilespmem:v30+s4+$0x0], $0xffff  }
0xb8: {  	[tilespmem:s5+$0xFFFFFFC0] =	vst v17;
	v49 =	vor.u32 v47, v23;
	v50 =	vand.u32 $0xFFFFFF80, v21;
	v51 =	vand.u32 $0x7F, v21;
	v31 =	vld.idx.msk [tilespmem:v31+s4+$0x0], $0xffff  }
0xb9: {  	[tilespmem:s5+$0xFFFFFFD0] =	vst v16;
	v52 =	vadd.s32 v48, v50;
	v53 =	vshll.u32 v20, $0x7;
	v54 =	vand.u32 $0xFFFFFF80, v19;
	v55 =	vld.idx.msk [tilespmem:v32+s4+$0x0], $0xffff  }
0xba: {  	v56 =	vand.u32 $0x7F, v19;
	v59 =	vand.u32 $0xFFFFFF80, v11;
	v60 =	vshll.u32 v10, $0x7;
	[tilespmem:v7+s26+$0x0] =	vst.idx.msk $0xffff, v9;
	v57 =	vld.idx.msk [tilespmem:v33+s4+$0x0], $0xffff  }
0xbb: {  	v11 =	vand.u32 $0x7F, v11;
	v18 =	vor.u32 v51, v52;
	[tilespmem:s5+$0xFFFFFFE0] =	vst v15;
	v15 =	vadd.s32 v53, v54;
	v61 =	vld.idx.msk [tilespmem:v34+s4+$0x0], $0xffff  }
0xbc: {  	[tilespmem:v45+s26+$0x0] =	vst.idx.msk $0xffff, v9;
	v58 =	vor.u32 v56, v15;
	v15 =	vadd.s32 v60, v59;
	v62 =	vld.idx.msk [tilespmem:v35+s4+$0x0], $0xffff  }
0xbd: {  	[tilespmem:s5+$0xFFFFFFF0] =	vst v12;
	v11 =	vor.u32 v11, v15;
	v5 =	vld.idx.msk [tilespmem:v36+s4+$0x0], $0xffff  }
0xbe: {  	[tilespmem:v49+s26+$0x0] =	vst.idx.msk $0xffff, v9;
	v7 =	vld.idx.msk [tilespmem:v37+s4+$0x0], $0xffff;
	v63 =	vand.u32 $0xFFFFFF80, v31;
	v4 =	vshll.u32 v30, $0x7  }
0xbf: {  	v34 =	vld.idx.msk [tilespmem:v38+s4+$0x0], $0xffff;
	[tilespmem:s5+$0x0] =	vst v13;
	v6 =	vand.u32 $0x7F, v31;
	v33 =	vshll.u32 v55, $0x7;
	v35 =	vand.u32 $0xFFFFFF80, v57  }
0xc0: {  	v38 =	vld.idx.msk [tilespmem:v39+s4+$0x0], $0xffff;
	[tilespmem:v18+s26+$0x0] =	vst.idx.msk $0xffff, v9;
	v37 =	vand.u32 $0x7F, v57;
	v39 =	vshll.u32 v61, $0x7;
	v13 =	vadd.s32 v4, v63  }
0xc1: {  	v22 =	vld [tilespmem:s7+$0x20];
	[tilespmem:s5+$0x10] =	vst v14;
	v42 =	vand.u32 $0xFFFFFF80, v62;
	v36 =	vadd.s32 v33, v35;
	v13 =	vor.u32 v6, v13  }
0xc2: {  	v23 =	vld [tilespmem:s6+$0x20];
	[tilespmem:v11+s26+$0x0] =	vst.idx.msk $0xffff, v9;
	v43 =	vand.u32 $0x7F, v62;
	v11 =	vadd.s32 v39, v42;
	v12 =	vor.u32 v37, v36  }
0xc3: {  	v41 =	vld.idx.msk [tilespmem:v40+s4+$0x0], $0xffff;
	[tilespmem:v58+s26+$0x0] =	vst.idx.msk $0xffff, v9;
	v11 =	vor.u32 v43, v11  }
0xc4: {  	v44 =	vld.idx.msk [tilespmem:v27+s4+$0x0], $0xffff;
	[tilespmem:s5+$0x20] =	vst v20  }
0xc5: {  	v45 =	vld.idx.msk [tilespmem:v28+s4+$0x0], $0xffff;
	v46 =	vand.u32 $0xFFFFFF80, v7;
	[tilespmem:s3+$0xC600] =	vst v10;
	v10 =	vshll.u32 v5, $0x7  }
0xc6: {  	v48 =	vld.idx.msk [tilespmem:v26+s4+$0x0], $0xffff;
	v47 =	vand.u32 $0x7F, v7;
	v10 =	vadd.s32 v10, v46;
	[tilespmem:v13+s26+$0x0] =	vst.idx.msk $0xffff, v9  }
0xc7: {  	v25 =	vld.idx.msk [tilespmem:v25+s4+$0x0], $0xffff;
	v49 =	vshll.u32 v34, $0x7;
	v50 =	vand.u32 $0xFFFFFF80, v38;
	v10 =	vor.u32 v47, v10;
	[tilespmem:v12+s26+$0x0] =	vst.idx.msk $0xffff, v9  }
0xc8: {  	s8 =	sadd.s32 $0xA0, s5;
	v24 =	vld.idx.msk [tilespmem:v24+s4+$0x0], $0xffff;
	v19 =	vand.u32 $0x7F, v38;
	v51 =	vadd.s32 v49, v50;
	[tilespmem:v11+s26+$0x0] =	vst.idx.msk $0xffff, v9  }
0xc9: {  	v22 =	vld.idx.msk [tilespmem:v22+s4+$0x0], $0xffff;
	v52 =	vshll.u32 v41, $0x7;
	v54 =	vand.u32 $0xFFFFFF80, v44;
	v12 =	vor.u32 v19, v51;
	[tilespmem:s8+$0x40] =	vst v30  }
0xca: {  	v53 =	vld.idx.msk [tilespmem:v23+s4+$0x0], $0xffff;
	v16 =	vand.u32 $0x7F, v44;
	v11 =	vadd.s32 v52, v54;
	[tilespmem:s8+$0xFFFFFFB0] =	vst v55  }
0xcb: {  	v56 =	vand.u32 $0xFFFFFF80, v48;
	v55 =	vshll.u32 v45, $0x7;
	[tilespmem:s8+$0xFFFFFFC0] =	vst v61;
	v11 =	vor.u32 v16, v11  }
0xcc: {  	v18 =	vand.u32 $0x7F, v48;
	[tilespmem:v10+s26+$0x0] =	vst.idx.msk $0xffff, v9;
	v10 =	vadd.s32 v55, v56  }
0xcd: {  	v57 =	vshll.u32 v25, $0x7;
	v58 =	vand.u32 $0xFFFFFF80, v24;
	[tilespmem:s8+$0xFFFFFFD0] =	vst v5;
	v10 =	vor.u32 v18, v10  }
0xce: {  	v59 =	vand.u32 $0x7F, v24;
	v60 =	vadd.s32 v57, v58;
	[tilespmem:v12+s26+$0x0] =	vst.idx.msk $0xffff, v9  }
0xcf: {  	v62 =	vand.u32 $0xFFFFFF80, v22;
	v61 =	vshll.u32 v53, $0x7;
	v12 =	vor.u32 v59, v60;
	[tilespmem:s8+$0xFFFFFFE0] =	vst v34  }
0xd0: {  	v63 =	vand.u32 $0x7F, v22;
	[tilespmem:v11+s26+$0x0] =	vst.idx.msk $0xffff, v9;
	v11 =	vadd.s32 v61, v62  }
0xd1: {  	[tilespmem:s8+$0xFFFFFFF0] =	vst v41;
	v11 =	vor.u32 v63, v11  }
0xd2: {  	[tilespmem:v10+s26+$0x0] =	vst.idx.msk $0xffff, v9  }
0xd3: {  	[tilespmem:s8+$0x0] =	vst v45  }
0xd4: {  	[tilespmem:v12+s26+$0x0] =	vst.idx.msk $0xffff, v9  }
0xd5: {  	[tilespmem:s8+$0x10] =	vst v25  }
0xd6: {  	s7 =	simm.s32 $0x75C0;
	[tilespmem:v11+s26+$0x0] =	vst.idx.msk $0xffff, v9  }
0xd7: {  	s6 =	simm.s32 $0xEC40;
	s5 =	simm.s32 $0x26B0;
	s3 =	simm.s32 $0x4E40;
	[tilespmem:s8+$0x20] =	vst v53  }
.LBB2_6:
0xd8: {  	v10 =	vld [tilespmem:s3+$0x0]  }
0xd9: {  	v11 =	vld [tilespmem:s7+$0x0];
	_ =	sdelay $0x6  }
0xda: {  	v10 =	vld.idx.msk [tilespmem:v10+s4+$0x0], $0xffff  }
0xdb: {  	v11 =	vld.idx.msk [tilespmem:v11+s4+$0x0], $0xffff;
	_ =	sdelay $0x4  }
0xdc: {  	v12 =	vand.u32 $0xFFFFFF80, v11;
	v13 =	vshll.u32 v10, $0x7  }
0xdd: {  	v11 =	vand.u32 $0x7F, v11;
	v12 =	vadd.s32 v13, v12  }
0xde: {  	s5 =	sadd.s32 $0x10, s5;
	v11 =	vor.u32 v11, v12  }
0xdf: {  	p2 =	slt.u32 s5, $0x2700  }
.Ltmp2:
0xe0: {  	_ = 	snop;
	(pc) =	sbr.rel @p2 .LBB2_6-.Ltmp2, $3  }
0xe1: {  	_ =	sdelay $0x1  }
0xe2: {  	[tilespmem:v11+s26+$0x0] =	vst.idx.msk $0xffff, v9  }
0xe3: {  	s7 =	sadd.s32 $0x10, s7;
	s3 =	sadd.s32 $0x10, s3;
	[tilespmem:s6+$0x0] =	vst v10;
	s6 =	sadd.s32 $0x10, s6  }
0xe4: {  	_ =	swait.ge [sflag:s28], $0x2710  }
0xe5: {  	[sflag:s28] =	ssyncset.done $0x0  }
0xe6: {  	[sflag:s28] =	ssyncadd.s32 $0xFFFFD8F0  }
0xe7: {  	_ =	swait.ge [sflag:s29], $0x2710  }
0xe8: {  	[sflag:s29] =	ssyncset.done $0x0  }
0xe9: {  	s3 =	simm.s32 $0x76D0;
	[sflag:s29] =	ssyncadd.s32 $0xFFFFD8F0  }
0xea: {  	s5 =	simm.s32 $0x9E50;
	v10 =	vld [tilespmem:s3+$0xFFFFFFB0]  }
0xeb: {  	v11 =	vld [tilespmem:s5+$0xFFFFFFB0]  }
0xec: {  	v12 =	vld [tilespmem:s3+$0xFFFFFFC0]  }
0xed: {  	v13 =	vld [tilespmem:s5+$0xFFFFFFC0]  }
0xee: {  	v14 =	vld [tilespmem:s3+$0xFFFFFFD0]  }
0xef: {  	v15 =	vld [tilespmem:s5+$0xFFFFFFD0]  }
0xf0: {  	v16 =	vld [tilespmem:s3+$0xFFFFFFE0]  }
0xf1: {  	v17 =	vld [tilespmem:s5+$0xFFFFFFE0]  }
0xf2: {  	v18 =	vld [tilespmem:s3+$0xFFFFFFF0]  }
0xf3: {  	v19 =	vld [tilespmem:s3+$0x20]  }
0xf4: {  	v20 =	vld [tilespmem:s5+$0x20]  }
0xf5: {  	v21 =	vld [tilespmem:s5+$0xFFFFFFF0]  }
0xf6: {  	v22 =	vld [tilespmem:s3+$0x0]  }
0xf7: {  	v23 =	vld [tilespmem:s5+$0x0]  }
0xf8: {  	v24 =	vld [tilespmem:s3+$0x10]  }
0xf9: {  	v25 =	vld [tilespmem:s5+$0x10]  }
0xfa: {  	v26 =	vld [tilespmem:s3+$0x40]  }
0xfb: {  	s6 =	simm.s32 $0x7770;
	v27 =	vld [tilespmem:s5+$0x40]  }
0xfc: {  	v52 =	vld [tilespmem:s6+$0xFFFFFFC0]  }
0xfd: {  	v39 =	vld [tilespmem:s6+$0xFFFFFFD0]  }
0xfe: {  	v44 =	vld [tilespmem:s6+$0xFFFFFFE0]  }
0xff: {  	v47 =	vld [tilespmem:s6+$0xFFFFFFF0]  }
0x100: {  	v54 =	vld [tilespmem:s6+$0x20]  }
0x101: {  	s3 =	simm.s32 $0x9EF0;
	v60 =	vld [tilespmem:s6+$0x0]  }
0x102: {  	v35 =	vld [tilespmem:s3+$0xFFFFFFC0]  }
0x103: {  	v41 =	vld [tilespmem:s3+$0xFFFFFFD0]  }
0x104: {  	v53 =	vld [tilespmem:s3+$0xFFFFFFE0]  }
0x105: {  	v56 =	vld [tilespmem:s3+$0x20]  }
0x106: {  	v58 =	vld [tilespmem:s3+$0xFFFFFFF0]  }
0x107: {  	v61 =	vld [tilespmem:s3+$0x0]  }
0x108: {  	v19 =	vld.idx.msk [tilespmem:v19+s4+$0x0], $0xffff  }
0x109: {  	v28 =	vld.idx.msk [tilespmem:v10+s4+$0x0], $0xffff  }
0x10a: {  	v10 =	vld.idx.msk [tilespmem:v11+s4+$0x0], $0xffff  }
0x10b: {  	v29 =	vld.idx.msk [tilespmem:v12+s4+$0x0], $0xffff  }
0x10c: {  	v11 =	vld.idx.msk [tilespmem:v13+s4+$0x0], $0xffff  }
0x10d: {  	v14 =	vld.idx.msk [tilespmem:v14+s4+$0x0], $0xffff  }
0x10e: {  	v12 =	vld.idx.msk [tilespmem:v15+s4+$0x0], $0xffff  }
0x10f: {  	v15 =	vld.idx.msk [tilespmem:v16+s4+$0x0], $0xffff  }
0x110: {  	v13 =	vld.idx.msk [tilespmem:v17+s4+$0x0], $0xffff  }
0x111: {  	v16 =	vld.idx.msk [tilespmem:v21+s4+$0x0], $0xffff  }
0x112: {  	s30 =	simm.s32 $0x0;
	v17 =	vld.idx.msk [tilespmem:v23+s4+$0x0], $0xffff  }
0x113: {  	s31 =	sand.u32 $0x3FE0, s30;
	v23 =	vld.idx.msk [tilespmem:v18+s4+$0x0], $0xffff  }
0x114: {  	v18 =	vld [tilespmem:s31+$0x7700]  }
0x115: {  	v63 =	vld [tilespmem:s3+$0x10];
	v33 =	vshll.u32 v19, $0x7  }
0x116: {  	v20 =	vld.idx.msk [tilespmem:v20+s4+$0x0], $0xffff;
	v34 =	vand.u32 $0x7F, v11;
	v36 =	vand.u32 $0x7F, v12;
	v37 =	vand.u32 $0x7F, v13  }
0x117: {  	v21 =	vld.idx.msk [tilespmem:v25+s4+$0x0], $0xffff;
	v38 =	vand.u32 $0x7F, v16;
	v40 =	vshll.u32 v28, $0x7;
	v11 =	vand.u32 $0xFFFFFF80, v11  }
0x118: {  	v25 =	vld [tilespmem:s31+$0x9E80];
	v42 =	vshll.u32 v29, $0x7;
	v12 =	vand.u32 $0xFFFFFF80, v12;
	v43 =	vshll.u32 v14, $0x7  }
0x119: {  	v30 =	vld.idx.msk [tilespmem:v22+s4+$0x0], $0xffff;
	v13 =	vand.u32 $0xFFFFFF80, v13;
	v45 =	vshll.u32 v15, $0x7;
	v11 =	vadd.s32 v42, v11  }
0x11a: {  	v22 =	vld [tilespmem:s6+$0xFFFFFFB0];
	v16 =	vand.u32 $0xFFFFFF80, v16;
	v12 =	vadd.s32 v43, v12;
	v11 =	vor.u32 v34, v11  }
0x11b: {  	v31 =	vld.idx.msk [tilespmem:v24+s4+$0x0], $0xffff;
	v46 =	vshll.u32 v23, $0x7;
	v13 =	vadd.s32 v45, v13;
	v12 =	vor.u32 v36, v12  }
0x11c: {  	v16 =	vadd.s32 v46, v16;
	v13 =	vor.u32 v37, v13;
	v32 =	vld.idx.msk [tilespmem:v18+s4+$0x0], $0xffff;
	v18 =	vand.u32 $0xFFFFFF80, v20  }
0x11d: {  	v24 =	vld.idx.msk [tilespmem:v27+s4+$0x0], $0xffff;
	v38 =	vor.u32 v38, v16;
	v20 =	vand.u32 $0x7F, v20;
	v18 =	vadd.s32 v33, v18  }
0x11e: {  	v27 =	vld [tilespmem:s3+$0xFFFFFFB0];
	v18 =	vor.u32 v20, v18;
	v20 =	vand.u32 $0x7F, v10;
	v10 =	vand.u32 $0xFFFFFF80, v10  }
0x11f: {  	v26 =	vld.idx.msk [tilespmem:v26+s4+$0x0], $0xffff;
	v10 =	vadd.s32 v40, v10;
	[tilespmem:v11+s26+$0x0] =	vst.idx.msk $0xffff, v9  }
0x120: {  	v42 =	vld.idx.msk [tilespmem:v54+s4+$0x0], $0xffff;
	v10 =	vor.u32 v20, v10;
	[tilespmem:v12+s26+$0x0] =	vst.idx.msk $0xffff, v9  }
0x121: {  	v55 =	vshll.u32 v30, $0x7;
	v25 =	vld.idx.msk [tilespmem:v25+s4+$0x0], $0xffff;
	[tilespmem:v13+s26+$0x0] =	vst.idx.msk $0xffff, v9  }
0x122: {  	s5 =	simm.s32 $0xED20;
	v57 =	vand.u32 $0xFFFFFF80, v21;
	v59 =	vshll.u32 v31, $0x7;
	v20 =	vand.u32 $0xFFFFFF80, v17;
	[tilespmem:v38+s26+$0x0] =	vst.idx.msk $0xffff, v9;
	v13 =	vld.idx.msk [tilespmem:v44+s4+$0x0], $0xffff  }
0x123: {  	v16 =	vand.u32 $0x7F, v17;
	v17 =	vadd.s32 v55, v20;
	v20 =	vand.u32 $0xFFFFFF80, v24;
	[tilespmem:s5+$0xFFFFFFB0] =	vst v23;
	v23 =	vld.idx.msk [tilespmem:v61+s4+$0x0], $0xffff  }
0x124: {  	v62 =	vor.u32 v16, v17;
	v17 =	vld [tilespmem:s6+$0x10];
	v16 =	vand.u32 $0x7F, v21;
	[tilespmem:v18+s26+$0x0] =	vst.idx.msk $0xffff, v9;
	v18 =	vadd.s32 v59, v57  }
0x125: {  	v21 =	vand.u32 $0x7F, v24;
	v11 =	vor.u32 v16, v18;
	v16 =	vld [tilespmem:s6+$0x40];
	[tilespmem:v10+s26+$0x0] =	vst.idx.msk $0xffff, v9;
	v10 =	vshll.u32 v26, $0x7  }
0x126: {  	v18 =	vand.u32 $0xFFFFFF80, v25;
	[tilespmem:s31+$0xED00] =	vst v19;
	v19 =	vld.idx.msk [tilespmem:v27+s4+$0x0], $0xffff;
	s6 =	simm.s32 $0xA0;
	v10 =	vadd.s32 v10, v20;
	v20 =	vshll.u32 v32, $0x7  }
0x127: {  	[tilespmem:s5+$0xFFFFFF80] =	vst v29;
	s7 =	sand.u32 $0x3FE0, s6;
	v12 =	vadd.s32 v20, v18;
	v20 =	vor.u32 v21, v10;
	v21 =	vld.idx.msk [tilespmem:v56+s4+$0x0], $0xffff  }
0x128: {  	[tilespmem:s5+$0xFFFFFF70] =	vst v28;
	v28 =	vld [tilespmem:s7+$0x7700];
	v10 =	vand.u32 $0x7F, v25  }
0x129: {  	[tilespmem:s5+$0xFFFFFF90] =	vst v14;
	v18 =	vld [tilespmem:s3+$0x40];
	v12 =	vor.u32 v10, v12  }
0x12a: {  	[tilespmem:s5+$0xFFFFFFA0] =	vst v15;
	v10 =	vld.idx.msk [tilespmem:v22+s4+$0x0], $0xffff  }
0x12b: {  	[tilespmem:v62+s26+$0x0] =	vst.idx.msk $0xffff, v9;
	v22 =	vld.idx.msk [tilespmem:v41+s4+$0x0], $0xffff  }
0x12c: {  	v25 =	vshll.u32 v42, $0x7;
	[tilespmem:v11+s26+$0x0] =	vst.idx.msk $0xffff, v9;
	v11 =	vld.idx.msk [tilespmem:v52+s4+$0x0], $0xffff;
	v24 =	vand.u32 $0xFFFFFF80, v21  }
0x12d: {  	[tilespmem:v20+s26+$0x0] =	vst.idx.msk $0xffff, v9;
	v20 =	vld.idx.msk [tilespmem:v35+s4+$0x0], $0xffff;
	v14 =	vand.u32 $0x7F, v21;
	v21 =	vadd.s32 v25, v24  }
0x12e: {  	[tilespmem:v12+s26+$0x0] =	vst.idx.msk $0xffff, v9;
	v12 =	vld.idx.msk [tilespmem:v39+s4+$0x0], $0xffff;
	v15 =	vor.u32 v14, v21  }
0x12f: {  	[tilespmem:s5+$0xFFFFFFC0] =	vst v30;
	v25 =	vld.idx.msk [tilespmem:v53+s4+$0x0], $0xffff  }
0x130: {  	[tilespmem:s5+$0xFFFFFFD0] =	vst v31;
	v24 =	vld.idx.msk [tilespmem:v58+s4+$0x0], $0xffff  }
0x131: {  	[tilespmem:s5+$0x0] =	vst v26;
	v21 =	vld.idx.msk [tilespmem:v63+s4+$0x0], $0xffff  }
0x132: {  	v26 =	vld [tilespmem:s7+$0x9E80];
	[tilespmem:s5+$0xFFFFFFF0] =	vst v32  }
0x133: {  	v14 =	vld.idx.msk [tilespmem:v47+s4+$0x0], $0xffff;
	[tilespmem:v15+s26+$0x0] =	vst.idx.msk $0xffff, v9  }
0x134: {  	v29 =	vand.u32 $0x7F, v19;
	v27 =	vand.u32 $0x7F, v20;
	v15 =	vld.idx.msk [tilespmem:v60+s4+$0x0], $0xffff;
	[tilespmem:s7+$0xED00] =	vst v42;
	s7 =	simm.s32 $0x7810  }
.LBB2_8:
0x135: {  	v30 =	vld [tilespmem:s7+$0xFFFFFFB0];
	v31 =	vand.u32 $0x7F, v22;
	v32 =	vand.u32 $0x7F, v25;
	v33 =	vand.u32 $0x7F, v24  }
0x136: {  	v19 =	vand.u32 $0xFFFFFF80, v19;
	v34 =	vand.u32 $0x7F, v23;
	v35 =	vld.idx.msk [tilespmem:v17+s4+$0x0], $0xffff;
	v17 =	vand.u32 $0x7F, v21  }
0x137: {  	v36 =	vshll.u32 v10, $0x7;
	v20 =	vand.u32 $0xFFFFFF80, v20;
	v37 =	vshll.u32 v11, $0x7;
	v18 =	vld.idx.msk [tilespmem:v18+s4+$0x0], $0xffff  }
0x138: {  	v22 =	vand.u32 $0xFFFFFF80, v22;
	v38 =	vshll.u32 v12, $0x7;
	v25 =	vand.u32 $0xFFFFFF80, v25;
	s3 =	sadd.s32 $0xA0, s3;
	v39 =	vld.idx.msk [tilespmem:v16+s4+$0x0], $0xffff  }
0x139: {  	v24 =	vand.u32 $0xFFFFFF80, v24;
	v41 =	vshll.u32 v14, $0x7;
	v16 =	vshll.u32 v13, $0x7;
	v40 =	vld [tilespmem:s3+$0xFFFFFFB0]  }
0x13a: {  	v23 =	vand.u32 $0xFFFFFF80, v23;
	v19 =	vadd.s32 v36, v19;
	v36 =	vshll.u32 v15, $0x7;
	v28 =	vld.idx.msk [tilespmem:v28+s4+$0x0], $0xffff  }
0x13b: {  	v20 =	vadd.s32 v37, v20;
	v21 =	vand.u32 $0xFFFFFF80, v21;
	v19 =	vor.u32 v29, v19;
	v26 =	vld.idx.msk [tilespmem:v26+s4+$0x0], $0xffff  }
0x13c: {  	v22 =	vadd.s32 v38, v22;
	v20 =	vor.u32 v27, v20;
	v27 =	vshll.u32 v35, $0x7;
	v29 =	vld [tilespmem:s7+$0xFFFFFFC0]  }
0x13d: {  	v22 =	vor.u32 v31, v22;
	v16 =	vadd.s32 v16, v25;
	v25 =	vand.u32 $0xFFFFFF80, v18;
	v37 =	vld [tilespmem:s3+$0xFFFFFFC0]  }
0x13e: {  	v24 =	vadd.s32 v41, v24;
	v16 =	vor.u32 v32, v16;
	v32 =	vshll.u32 v39, $0x7;
	v31 =	vld [tilespmem:s7+$0xFFFFFFD0]  }
0x13f: {  	v24 =	vor.u32 v33, v24;
	v23 =	vadd.s32 v36, v23;
	v21 =	vadd.s32 v27, v21;
	v38 =	vld [tilespmem:s3+$0xFFFFFFD0]  }
0x140: {  	v18 =	vand.u32 $0x7F, v18;
	v27 =	vld [tilespmem:s7+$0xFFFFFFE0];
	[tilespmem:v19+s26+$0x0] =	vst.idx.msk $0xffff, v9;
	v19 =	vor.u32 v34, v23;
	v23 =	vadd.s32 v32, v25  }
0x141: {  	v17 =	vor.u32 v17, v21;
	v21 =	vshll.u32 v28, $0x7;
	v25 =	vld [tilespmem:s3+$0xFFFFFFE0];
	[tilespmem:v20+s26+$0x0] =	vst.idx.msk $0xffff, v9;
	v20 =	vand.u32 $0xFFFFFF80, v26  }
0x142: {  	v18 =	vor.u32 v18, v23;
	v32 =	vld [tilespmem:s7+$0xFFFFFFF0];
	[tilespmem:v22+s26+$0x0] =	vst.idx.msk $0xffff, v9;
	v22 =	vand.u32 $0x7F, v26;
	v20 =	vadd.s32 v21, v20  }
0x143: {  	v21 =	vld [tilespmem:s7+$0x20];
	[tilespmem:v16+s26+$0x0] =	vst.idx.msk $0xffff, v9;
	v16 =	vor.u32 v22, v20  }
0x144: {  	v20 =	vld [tilespmem:s3+$0x20];
	[tilespmem:v24+s26+$0x0] =	vst.idx.msk $0xffff, v9  }
0x145: {  	v23 =	vld [tilespmem:s3+$0xFFFFFFF0];
	[tilespmem:v19+s26+$0x0] =	vst.idx.msk $0xffff, v9  }
0x146: {  	v33 =	vld [tilespmem:s7+$0x0];
	[tilespmem:v17+s26+$0x0] =	vst.idx.msk $0xffff, v9  }
0x147: {  	v26 =	vld [tilespmem:s3+$0x0];
	[tilespmem:v18+s26+$0x0] =	vst.idx.msk $0xffff, v9  }
0x148: {  	s5 =	sadd.s32 $0xA0, s5;
	v17 =	vld [tilespmem:s7+$0x10];
	[tilespmem:v16+s26+$0x0] =	vst.idx.msk $0xffff, v9  }
0x149: {  	v34 =	vld [tilespmem:s3+$0x10];
	[tilespmem:s5+$0xFFFFFFF0] =	vst v28  }
0x14a: {  	v16 =	vld [tilespmem:s7+$0x40];
	[tilespmem:s5+$0xFFFFFF70] =	vst v10  }
0x14b: {  	v28 =	vld.idx.msk [tilespmem:v21+s4+$0x0], $0xffff;
	[tilespmem:s5+$0xFFFFFF80] =	vst v11  }
0x14c: {  	v21 =	vld.idx.msk [tilespmem:v20+s4+$0x0], $0xffff;
	[tilespmem:s5+$0xFFFFFF90] =	vst v12  }
0x14d: {  	v18 =	vld [tilespmem:s3+$0x40];
	[tilespmem:s5+$0xFFFFFFA0] =	vst v13  }
0x14e: {  	v10 =	vld.idx.msk [tilespmem:v30+s4+$0x0], $0xffff;
	[tilespmem:s5+$0xFFFFFFB0] =	vst v14  }
0x14f: {  	v19 =	vld.idx.msk [tilespmem:v40+s4+$0x0], $0xffff;
	[tilespmem:s5+$0xFFFFFFC0] =	vst v15  }
0x150: {  	v11 =	vld.idx.msk [tilespmem:v29+s4+$0x0], $0xffff;
	[tilespmem:s5+$0xFFFFFFD0] =	vst v35  }
0x151: {  	v20 =	vld.idx.msk [tilespmem:v37+s4+$0x0], $0xffff;
	[tilespmem:s5+$0x0] =	vst v39  }
0x152: {  	v14 =	vshll.u32 v28, $0x7;
	v13 =	vand.u32 $0xFFFFFF80, v21;
	v12 =	vld.idx.msk [tilespmem:v31+s4+$0x0], $0xffff  }
0x153: {  	v15 =	vand.u32 $0x7F, v21;
	v14 =	vadd.s32 v14, v13;
	v22 =	vld.idx.msk [tilespmem:v38+s4+$0x0], $0xffff  }
0x154: {  	v15 =	vor.u32 v15, v14;
	v13 =	vld.idx.msk [tilespmem:v27+s4+$0x0], $0xffff  }
0x155: {  	v25 =	vld.idx.msk [tilespmem:v25+s4+$0x0], $0xffff  }
0x156: {  	s6 =	sadd.s32 $0xA0, s6;
	v24 =	vld.idx.msk [tilespmem:v23+s4+$0x0], $0xffff  }
0x157: {  	p2 =	slt.u32 s6, $0x2620;
	v23 =	vld.idx.msk [tilespmem:v26+s4+$0x0], $0xffff  }
.Ltmp3:
0x158: {  	v21 =	vld.idx.msk [tilespmem:v34+s4+$0x0], $0xffff;
	(pc) =	sbr.rel @p2 .LBB2_8-.Ltmp3, $4  }
0x159: {  	s8 =	sand.u32 $0x3FE0, s6;
	v14 =	vld.idx.msk [tilespmem:v32+s4+$0x0], $0xffff;
	[tilespmem:v15+s26+$0x0] =	vst.idx.msk $0xffff, v9  }
0x15a: {  	[tilespmem:s8+$0xED00] =	vst v28;
	v28 =	vld [tilespmem:s8+$0x7700]  }
0x15b: {  	v26 =	vld [tilespmem:s8+$0x9E80]  }
0x15c: {  	s7 =	sadd.s32 $0xA0, s7;
	v29 =	vand.u32 $0x7F, v19;
	v27 =	vand.u32 $0x7F, v20;
	v15 =	vld.idx.msk [tilespmem:v33+s4+$0x0], $0xffff  }
0x15d: {  	v30 =	vand.u32 $0x7F, v22  }
0x15e: {  	v31 =	vand.u32 $0x7F, v25;
	v19 =	vand.u32 $0xFFFFFF80, v19;
	v35 =	vshll.u32 v10, $0x7  }
0x15f: {  	v20 =	vand.u32 $0xFFFFFF80, v20;
	v36 =	vshll.u32 v11, $0x7;
	v49 =	vand.u32 $0xFFFFFF80, v22  }
0x160: {  	v37 =	vshll.u32 v12, $0x7;
	v50 =	vand.u32 $0xFFFFFF80, v25;
	v19 =	vadd.s32 v35, v19  }
0x161: {  	v38 =	vshll.u32 v13, $0x7;
	v20 =	vadd.s32 v36, v20;
	v19 =	vor.u32 v29, v19  }
0x162: {  	v51 =	vand.u32 $0xFFFFFF80, v24;
	v22 =	vadd.s32 v37, v49;
	v20 =	vor.u32 v27, v20  }
0x163: {  	v39 =	vshll.u32 v14, $0x7;
	v25 =	vadd.s32 v38, v50;
	v22 =	vor.u32 v30, v22  }
0x164: {  	v32 =	vand.u32 $0x7F, v24;
	v17 =	vld.idx.msk [tilespmem:v17+s4+$0x0], $0xffff;
	v25 =	vor.u32 v31, v25;
	v24 =	vadd.s32 v39, v51  }
0x165: {  	v18 =	vld.idx.msk [tilespmem:v18+s4+$0x0], $0xffff;
	v24 =	vor.u32 v32, v24  }
0x166: {  	v16 =	vld.idx.msk [tilespmem:v16+s4+$0x0], $0xffff;
	[tilespmem:v19+s26+$0x0] =	vst.idx.msk $0xffff, v9  }
0x167: {  	[tilespmem:v20+s26+$0x0] =	vst.idx.msk $0xffff, v9  }
0x168: {  	v33 =	vand.u32 $0x7F, v23;
	v34 =	vand.u32 $0x7F, v21;
	[tilespmem:v22+s26+$0x0] =	vst.idx.msk $0xffff, v9  }
0x169: {  	v52 =	vand.u32 $0xFFFFFF80, v23;
	v54 =	vand.u32 $0xFFFFFF80, v21;
	v28 =	vld.idx.msk [tilespmem:v28+s4+$0x0], $0xffff;
	v53 =	vshll.u32 v15, $0x7;
	[tilespmem:v25+s26+$0x0] =	vst.idx.msk $0xffff, v9  }
0x16a: {  	s8 =	sadd.s32 $0xA0, s5;
	v26 =	vld.idx.msk [tilespmem:v26+s4+$0x0], $0xffff;
	v55 =	vshll.u32 v17, $0x7;
	v56 =	vand.u32 $0xFFFFFF80, v18;
	v23 =	vadd.s32 v53, v52;
	[tilespmem:v24+s26+$0x0] =	vst.idx.msk $0xffff, v9  }
0x16b: {  	v57 =	vshll.u32 v16, $0x7;
	v21 =	vadd.s32 v55, v54;
	v58 =	vor.u32 v33, v23;
	[tilespmem:s8+$0xFFFFFF70] =	vst v10  }
0x16c: {  	v18 =	vand.u32 $0x7F, v18;
	v59 =	vadd.s32 v57, v56;
	v60 =	vor.u32 v34, v21;
	[tilespmem:s8+$0xFFFFFF80] =	vst v11  }
0x16d: {  	v18 =	vor.u32 v18, v59;
	[tilespmem:s8+$0xFFFFFF90] =	vst v12  }
0x16e: {  	[tilespmem:s8+$0xFFFFFFA0] =	vst v13  }
0x16f: {  	v62 =	vshll.u32 v28, $0x7;
	v61 =	vand.u32 $0xFFFFFF80, v26;
	[tilespmem:s8+$0xFFFFFFB0] =	vst v14  }
0x170: {  	v63 =	vand.u32 $0x7F, v26;
	v21 =	vadd.s32 v62, v61;
	[tilespmem:v58+s26+$0x0] =	vst.idx.msk $0xffff, v9  }
0x171: {  	v21 =	vor.u32 v63, v21;
	[tilespmem:v60+s26+$0x0] =	vst.idx.msk $0xffff, v9  }
0x172: {  	[tilespmem:v18+s26+$0x0] =	vst.idx.msk $0xffff, v9  }
0x173: {  	[tilespmem:s8+$0xFFFFFFC0] =	vst v15  }
0x174: {  	[tilespmem:s8+$0xFFFFFFD0] =	vst v17  }
0x175: {  	[tilespmem:s8+$0x0] =	vst v16  }
0x176: {  	s3 =	simm.s32 $0x9D40;
	[tilespmem:v21+s26+$0x0] =	vst.idx.msk $0xffff, v9  }
0x177: {  	s5 =	simm.s32 $0x26B0;
	s6 =	simm.s32 $0x11350;
	s7 =	simm.s32 $0xC4C0;
	[tilespmem:s8+$0xFFFFFFF0] =	vst v28  }
.LBB2_10:
0x178: {  	v10 =	vld [tilespmem:s3+$0x0]  }
0x179: {  	v11 =	vld [tilespmem:s7+$0x0];
	_ =	sdelay $0x6  }
0x17a: {  	v10 =	vld.idx.msk [tilespmem:v10+s4+$0x0], $0xffff  }
0x17b: {  	v11 =	vld.idx.msk [tilespmem:v11+s4+$0x0], $0xffff;
	_ =	sdelay $0x4  }
0x17c: {  	v12 =	vand.u32 $0xFFFFFF80, v11;
	v13 =	vshll.u32 v10, $0x7  }
0x17d: {  	v11 =	vand.u32 $0x7F, v11;
	v12 =	vadd.s32 v13, v12  }
0x17e: {  	s5 =	sadd.s32 $0x10, s5;
	v11 =	vor.u32 v11, v12  }
0x17f: {  	p2 =	slt.u32 s5, $0x2700  }
.Ltmp4:
0x180: {  	_ = 	snop;
	(pc) =	sbr.rel @p2 .LBB2_10-.Ltmp4, $3  }
0x181: {  	_ =	sdelay $0x1  }
0x182: {  	[tilespmem:v11+s26+$0x0] =	vst.idx.msk $0xffff, v9  }
0x183: {  	s7 =	sadd.s32 $0x10, s7;
	s3 =	sadd.s32 $0x10, s3;
	[tilespmem:s6+$0x0] =	vst v10;
	s6 =	sadd.s32 $0x10, s6  }
0x184: {  	[bflag:$0x0] =	sbarrier.arrive $0xFFFF;
	s3 =	simm.s32 $0x80;
	s5 =	simm.s32 $0x1D280  }
0x185: {  	[spmem:s2] =	stream.indirect.scatter.add.f32 [tilespmem:s26], [sflag:$0x8], $0x80, s5, s3, $0xb8;
	[tilespmem:$0x1D978] =	vst v63  }
0x186: {  	_ =	swait.ge [sflag:s1], $0x2710  }
0x187: {  	s31 =	simm.s32 $0x0;
	[sflag:s1] =	ssyncset.done $0x0  }
0x188: {  	s5 =	sand.u32 $0x3FF0, s31;
	[sflag:s1] =	ssyncadd.s32 $0xFFFFD8F0  }
0x189: {  	v13 =	vld [tilespmem:s5+$0x11580]  }
0x18a: {  	s7 =	simm.s32 $0x190;
	v10 =	vld [tilespmem:s5+$0x11480]  }
0x18b: {  	s3 =	sand.u32 $0x3FF0, s7;
	v11 =	vld [tilespmem:s5+$0x11500]  }
0x18c: {  	s6 =	simm.s32 $0x114C0;
	v12 =	vld [tilespmem:s3+$0x11580]  }
0x18d: {  	v14 =	vld [tilespmem:s6+$0xB0]  }
0x18e: {  	v15 =	vld [tilespmem:s6+$0xFFFFFF40]  }
0x18f: {  	v16 =	vld [tilespmem:s6+$0xFFFFFF50]  }
0x190: {  	v17 =	vld [tilespmem:s6+$0xFFFFFF60]  }
0x191: {  	v18 =	vld [tilespmem:s6+$0xFFFFFF70]  }
0x192: {  	v19 =	vld [tilespmem:s6+$0xFFFFFF80]  }
0x193: {  	v20 =	vld [tilespmem:s6+$0xFFFFFF90]  }
0x194: {  	v21 =	vld [tilespmem:s6+$0xFFFFFFA0]  }
0x195: {  	v22 =	vld [tilespmem:s6+$0xFFFFFFB0]  }
0x196: {  	v23 =	vld [tilespmem:s6+$0xFFFFFFD0]  }
0x197: {  	v24 =	vld [tilespmem:s6+$0xFFFFFFE0]  }
0x198: {  	v25 =	vld [tilespmem:s6+$0xFFFFFFF0]  }
0x199: {  	v26 =	vld [tilespmem:s6+$0x0]  }
0x19a: {  	v27 =	vld [tilespmem:s6+$0x10]  }
0x19b: {  	v28 =	vld [tilespmem:s6+$0x20]  }
0x19c: {  	v29 =	vld [tilespmem:s6+$0x30]  }
0x19d: {  	v30 =	vld [tilespmem:s6+$0x50]  }
0x19e: {  	v31 =	vld [tilespmem:s6+$0x60]  }
0x19f: {  	v32 =	vld [tilespmem:s6+$0x70]  }
0x1a0: {  	v33 =	vld [tilespmem:s6+$0x80]  }
0x1a1: {  	v34 =	vld [tilespmem:s6+$0x90]  }
0x1a2: {  	v35 =	vld [tilespmem:s6+$0xA0]  }
0x1a3: {  	v13 =	vld.idx.msk [tilespmem:v13+s4+$0x0], $0xffff  }
0x1a4: {  	v14 =	vld.idx.msk [tilespmem:v14+s4+$0x0], $0xffff  }
0x1a5: {  	v15 =	vld.idx.msk [tilespmem:v15+s4+$0x0], $0xffff  }
0x1a6: {  	v16 =	vld.idx.msk [tilespmem:v16+s4+$0x0], $0xffff  }
0x1a7: {  	v17 =	vld.idx.msk [tilespmem:v17+s4+$0x0], $0xffff  }
0x1a8: {  	v18 =	vld.idx.msk [tilespmem:v18+s4+$0x0], $0xffff  }
0x1a9: {  	v63 =	vld.idx.msk [tilespmem:v31+s4+$0x0], $0xffff;
	[tilespmem:s5+$0x11580] =	vst v13  }
0x1aa: {  	v13 =	vld.idx.msk [tilespmem:v19+s4+$0x0], $0xffff;
	[tilespmem:s6+$0xB0] =	vst v14  }
0x1ab: {  	v14 =	vld.idx.msk [tilespmem:v20+s4+$0x0], $0xffff;
	[tilespmem:s6+$0xFFFFFF40] =	vst v15  }
0x1ac: {  	v15 =	vld.idx.msk [tilespmem:v21+s4+$0x0], $0xffff;
	[tilespmem:s6+$0xFFFFFF50] =	vst v16  }
0x1ad: {  	v16 =	vld.idx.msk [tilespmem:v22+s4+$0x0], $0xffff;
	[tilespmem:s6+$0xFFFFFF60] =	vst v17  }
0x1ae: {  	v17 =	vld.idx.msk [tilespmem:v23+s4+$0x0], $0xffff;
	[tilespmem:s6+$0xFFFFFF70] =	vst v18  }
0x1af: {  	v18 =	vld.idx.msk [tilespmem:v24+s4+$0x0], $0xffff;
	[tilespmem:s6+$0x60] =	vst v63  }
0x1b0: {  	v19 =	vld.idx.msk [tilespmem:v29+s4+$0x0], $0xffff;
	[tilespmem:s6+$0xFFFFFF80] =	vst v13  }
0x1b1: {  	v20 =	vld.idx.msk [tilespmem:v30+s4+$0x0], $0xffff;
	[tilespmem:s6+$0xFFFFFF90] =	vst v14  }
0x1b2: {  	v13 =	vld.idx.msk [tilespmem:v25+s4+$0x0], $0xffff;
	[tilespmem:s6+$0xFFFFFFA0] =	vst v15  }
0x1b3: {  	v15 =	vld.idx.msk [tilespmem:v27+s4+$0x0], $0xffff;
	[tilespmem:s6+$0xFFFFFFB0] =	vst v16  }
0x1b4: {  	v16 =	vld.idx.msk [tilespmem:v28+s4+$0x0], $0xffff;
	[tilespmem:s6+$0xFFFFFFD0] =	vst v17  }
0x1b5: {  	v14 =	vld.idx.msk [tilespmem:v26+s4+$0x0], $0xffff;
	[tilespmem:s6+$0xFFFFFFE0] =	vst v18  }
0x1b6: {  	v18 =	vld.idx.msk [tilespmem:v32+s4+$0x0], $0xffff;
	[tilespmem:s6+$0x30] =	vst v19  }
0x1b7: {  	v17 =	vld.idx.msk [tilespmem:v33+s4+$0x0], $0xffff;
	[tilespmem:s6+$0x50] =	vst v20  }
0x1b8: {  	[tilespmem:s6+$0x10] =	vst v15;
	v15 =	vld.idx.msk [tilespmem:v34+s4+$0x0], $0xffff  }
0x1b9: {  	[tilespmem:s6+$0x20] =	vst v16;
	v16 =	vld.idx.msk [tilespmem:v35+s4+$0x0], $0xffff  }
0x1ba: {  	[tilespmem:s6+$0xFFFFFFF0] =	vst v13;
	v13 =	vld [tilespmem:s3+$0x11480]  }
0x1bb: {  	[tilespmem:s6+$0x0] =	vst v14;
	v14 =	vld [tilespmem:s3+$0x11500]  }
.LBB2_12:
0x1bc: {  	s7 =	sadd.s32 $0x190, s7;
	v19 =	vld.idx.msk [tilespmem:v10+s4+$0x0], $0xffff;
	[tilespmem:s6+$0x70] =	vst v18  }
0x1bd: {  	s8 =	sand.u32 $0x3FF0, s7;
	v18 =	vld.idx.msk [tilespmem:v11+s4+$0x0], $0xffff;
	[tilespmem:s6+$0x80] =	vst v17  }
0x1be: {  	p2 =	slt.u32 s7, $0x2580;
	v17 =	vld [tilespmem:s8+$0x11580];
	[tilespmem:s6+$0x90] =	vst v15  }
0x1bf: {  	v15 =	vld.idx.msk [tilespmem:v12+s4+$0x0], $0xffff;
	[tilespmem:s6+$0xA0] =	vst v16;
	s6 =	sadd.s32 $0x190, s6;
	v10 =	vmov v13  }
0x1c0: {  	v13 =	vld [tilespmem:s6+$0xB0];
	v11 =	vmov v14  }
0x1c1: {  	v14 =	vld [tilespmem:s6+$0xFFFFFF40]  }
0x1c2: {  	v16 =	vld [tilespmem:s6+$0xFFFFFF50];
	[tilespmem:s5+$0x11480] =	vst v19  }
0x1c3: {  	v19 =	vld [tilespmem:s6+$0xFFFFFF60];
	[tilespmem:s5+$0x11500] =	vst v18;
	v12 =	vmov v17;
	s5 =	smov.u32 s3;
	s3 =	smov.u32 s8  }
0x1c4: {  	v17 =	vld [tilespmem:s6+$0xFFFFFF70]  }
0x1c5: {  	v18 =	vld [tilespmem:s6+$0xFFFFFF80]  }
0x1c6: {  	v20 =	vld [tilespmem:s6+$0xFFFFFF90]  }
0x1c7: {  	v21 =	vld [tilespmem:s6+$0xFFFFFFA0]  }
0x1c8: {  	v13 =	vld.idx.msk [tilespmem:v13+s4+$0x0], $0xffff  }
0x1c9: {  	v22 =	vld [tilespmem:s6+$0xFFFFFFB0]  }
0x1ca: {  	v23 =	vld [tilespmem:s6+$0xFFFFFFD0]  }
0x1cb: {  	v24 =	vld [tilespmem:s6+$0xFFFFFFE0]  }
0x1cc: {  	v25 =	vld [tilespmem:s6+$0xFFFFFFF0]  }
0x1cd: {  	v26 =	vld [tilespmem:s6+$0x0];
	[tilespmem:s5+$0x11580] =	vst v15  }
0x1ce: {  	v15 =	vld [tilespmem:s6+$0x10];
	[tilespmem:s6+$0xB0] =	vst v13  }
0x1cf: {  	v13 =	vld [tilespmem:s6+$0x20]  }
0x1d0: {  	v27 =	vld [tilespmem:s6+$0x30]  }
0x1d1: {  	v28 =	vld [tilespmem:s6+$0x50]  }
0x1d2: {  	v29 =	vld [tilespmem:s6+$0x60]  }
0x1d3: {  	v30 =	vld [tilespmem:s6+$0x70]  }
0x1d4: {  	v31 =	vld [tilespmem:s6+$0x80]  }
0x1d5: {  	v32 =	vld [tilespmem:s6+$0x90]  }
0x1d6: {  	v33 =	vld [tilespmem:s6+$0xA0]  }
0x1d7: {  	v14 =	vld.idx.msk [tilespmem:v14+s4+$0x0], $0xffff  }
0x1d8: {  	v16 =	vld.idx.msk [tilespmem:v16+s4+$0x0], $0xffff  }
0x1d9: {  	v19 =	vld.idx.msk [tilespmem:v19+s4+$0x0], $0xffff  }
0x1da: {  	v17 =	vld.idx.msk [tilespmem:v17+s4+$0x0], $0xffff  }
0x1db: {  	v18 =	vld.idx.msk [tilespmem:v18+s4+$0x0], $0xffff  }
0x1dc: {  	v20 =	vld.idx.msk [tilespmem:v20+s4+$0x0], $0xffff  }
0x1dd: {  	[tilespmem:s6+$0xFFFFFF40] =	vst v14;
	v14 =	vld.idx.msk [tilespmem:v21+s4+$0x0], $0xffff  }
0x1de: {  	[tilespmem:s6+$0xFFFFFF50] =	vst v16;
	v16 =	vld.idx.msk [tilespmem:v22+s4+$0x0], $0xffff  }
0x1df: {  	[tilespmem:s6+$0xFFFFFF60] =	vst v19;
	v19 =	vld.idx.msk [tilespmem:v23+s4+$0x0], $0xffff  }
0x1e0: {  	[tilespmem:s6+$0xFFFFFF70] =	vst v17;
	v17 =	vld.idx.msk [tilespmem:v24+s4+$0x0], $0xffff  }
0x1e1: {  	[tilespmem:s6+$0xFFFFFF80] =	vst v18;
	v18 =	vld.idx.msk [tilespmem:v25+s4+$0x0], $0xffff  }
0x1e2: {  	[tilespmem:s6+$0xFFFFFF90] =	vst v20;
	v20 =	vld.idx.msk [tilespmem:v26+s4+$0x0], $0xffff  }
0x1e3: {  	[tilespmem:s6+$0xFFFFFFA0] =	vst v14;
	v14 =	vld.idx.msk [tilespmem:v15+s4+$0x0], $0xffff  }
0x1e4: {  	[tilespmem:s6+$0xFFFFFFB0] =	vst v16;
	v13 =	vld.idx.msk [tilespmem:v13+s4+$0x0], $0xffff  }
0x1e5: {  	[tilespmem:s6+$0xFFFFFFD0] =	vst v19;
	v16 =	vld.idx.msk [tilespmem:v27+s4+$0x0], $0xffff  }
0x1e6: {  	[tilespmem:s6+$0xFFFFFFE0] =	vst v17;
	v19 =	vld.idx.msk [tilespmem:v28+s4+$0x0], $0xffff  }
0x1e7: {  	[tilespmem:s6+$0xFFFFFFF0] =	vst v18;
	v21 =	vld.idx.msk [tilespmem:v29+s4+$0x0], $0xffff  }
0x1e8: {  	[tilespmem:s6+$0x0] =	vst v20;
	v18 =	vld.idx.msk [tilespmem:v30+s4+$0x0], $0xffff  }
.Ltmp5:
0x1e9: {  	[tilespmem:s6+$0x10] =	vst v14;
	v17 =	vld.idx.msk [tilespmem:v31+s4+$0x0], $0xffff;
	(pc) =	sbr.rel @p2 .LBB2_12-.Ltmp5, $4  }
0x1ea: {  	[tilespmem:s6+$0x20] =	vst v13;
	v15 =	vld.idx.msk [tilespmem:v32+s4+$0x0], $0xffff  }
0x1eb: {  	[tilespmem:s6+$0x30] =	vst v16;
	v16 =	vld.idx.msk [tilespmem:v33+s4+$0x0], $0xffff  }
0x1ec: {  	v13 =	vld [tilespmem:s3+$0x11480];
	[tilespmem:s6+$0x50] =	vst v19  }
0x1ed: {  	v14 =	vld [tilespmem:s3+$0x11500];
	[tilespmem:s6+$0x60] =	vst v21  }
0x1ee: {  	_ =	sdelay $0x3  }
0x1ef: {  	v10 =	vld.idx.msk [tilespmem:v10+s4+$0x0], $0xffff  }
0x1f0: {  	v11 =	vld.idx.msk [tilespmem:v11+s4+$0x0], $0xffff  }
0x1f1: {  	v12 =	vld.idx.msk [tilespmem:v12+s4+$0x0], $0xffff;
	s7 =	sadd.s32 $0x190, s6  }
0x1f2: {  	v19 =	vld [tilespmem:s7+$0xB0]  }
0x1f3: {  	v20 =	vld [tilespmem:s7+$0xFFFFFF40]  }
0x1f4: {  	v21 =	vld [tilespmem:s7+$0xFFFFFF50]  }
0x1f5: {  	v22 =	vld [tilespmem:s7+$0xFFFFFF60]  }
0x1f6: {  	v23 =	vld [tilespmem:s7+$0xFFFFFF70]  }
0x1f7: {  	v24 =	vld [tilespmem:s7+$0xFFFFFF80]  }
0x1f8: {  	v25 =	vld [tilespmem:s7+$0xFFFFFF90]  }
0x1f9: {  	v26 =	vld [tilespmem:s7+$0xFFFFFFA0]  }
0x1fa: {  	v27 =	vld [tilespmem:s7+$0xFFFFFFB0]  }
0x1fb: {  	v28 =	vld [tilespmem:s7+$0xFFFFFFD0]  }
0x1fc: {  	v29 =	vld [tilespmem:s7+$0xFFFFFFE0]  }
0x1fd: {  	v30 =	vld [tilespmem:s7+$0xFFFFFFF0]  }
0x1fe: {  	v31 =	vld [tilespmem:s7+$0x0]  }
0x1ff: {  	v32 =	vld [tilespmem:s7+$0x10]  }
0x200: {  	v33 =	vld [tilespmem:s7+$0x20]  }
0x201: {  	v34 =	vld [tilespmem:s7+$0x30]  }
0x202: {  	v35 =	vld [tilespmem:s7+$0x50]  }
0x203: {  	v36 =	vld [tilespmem:s7+$0x60]  }
0x204: {  	v37 =	vld [tilespmem:s7+$0x70]  }
0x205: {  	[tilespmem:s6+$0x70] =	vst v18;
	v18 =	vld [tilespmem:s7+$0x80]  }
0x206: {  	[tilespmem:s6+$0x80] =	vst v17;
	v17 =	vld [tilespmem:s7+$0x90]  }
0x207: {  	[tilespmem:s6+$0x90] =	vst v15;
	v15 =	vld [tilespmem:s7+$0xA0]  }
0x208: {  	v19 =	vld.idx.msk [tilespmem:v19+s4+$0x0], $0xffff  }
0x209: {  	[tilespmem:s6+$0xA0] =	vst v16;
	v16 =	vld.idx.msk [tilespmem:v20+s4+$0x0], $0xffff  }
0x20a: {  	[tilespmem:s5+$0x11480] =	vst v10;
	v10 =	vld.idx.msk [tilespmem:v21+s4+$0x0], $0xffff  }
0x20b: {  	[tilespmem:s5+$0x11500] =	vst v11;
	v11 =	vld.idx.msk [tilespmem:v22+s4+$0x0], $0xffff  }
0x20c: {  	[tilespmem:s3+$0x11580] =	vst v12;
	v12 =	vld.idx.msk [tilespmem:v23+s4+$0x0], $0xffff  }
0x20d: {  	v20 =	vld.idx.msk [tilespmem:v25+s4+$0x0], $0xffff;
	[tilespmem:s7+$0xB0] =	vst v19  }
0x20e: {  	v19 =	vld.idx.msk [tilespmem:v24+s4+$0x0], $0xffff;
	[tilespmem:s7+$0xFFFFFF40] =	vst v16  }
0x20f: {  	v16 =	vld.idx.msk [tilespmem:v26+s4+$0x0], $0xffff;
	[tilespmem:s7+$0xFFFFFF50] =	vst v10  }
0x210: {  	v10 =	vld.idx.msk [tilespmem:v27+s4+$0x0], $0xffff;
	[tilespmem:s7+$0xFFFFFF60] =	vst v11  }
0x211: {  	v11 =	vld.idx.msk [tilespmem:v28+s4+$0x0], $0xffff;
	[tilespmem:s7+$0xFFFFFF70] =	vst v12  }
0x212: {  	v12 =	vld.idx.msk [tilespmem:v29+s4+$0x0], $0xffff;
	[tilespmem:s7+$0xFFFFFF90] =	vst v20  }
0x213: {  	v20 =	vld.idx.msk [tilespmem:v31+s4+$0x0], $0xffff;
	[tilespmem:s7+$0xFFFFFF80] =	vst v19  }
0x214: {  	v19 =	vld.idx.msk [tilespmem:v30+s4+$0x0], $0xffff;
	[tilespmem:s7+$0xFFFFFFA0] =	vst v16  }
0x215: {  	v16 =	vld.idx.msk [tilespmem:v32+s4+$0x0], $0xffff;
	[tilespmem:s7+$0xFFFFFFB0] =	vst v10  }
0x216: {  	v10 =	vld.idx.msk [tilespmem:v33+s4+$0x0], $0xffff;
	[tilespmem:s7+$0xFFFFFFD0] =	vst v11  }
0x217: {  	v11 =	vld.idx.msk [tilespmem:v34+s4+$0x0], $0xffff;
	[tilespmem:s7+$0xFFFFFFE0] =	vst v12  }
0x218: {  	v12 =	vld.idx.msk [tilespmem:v35+s4+$0x0], $0xffff;
	[tilespmem:s7+$0x0] =	vst v20  }
0x219: {  	v20 =	vld.idx.msk [tilespmem:v37+s4+$0x0], $0xffff;
	[tilespmem:s7+$0xFFFFFFF0] =	vst v19  }
0x21a: {  	v19 =	vld.idx.msk [tilespmem:v36+s4+$0x0], $0xffff;
	[tilespmem:s7+$0x10] =	vst v16  }
0x21b: {  	v16 =	vld.idx.msk [tilespmem:v18+s4+$0x0], $0xffff;
	[tilespmem:s7+$0x20] =	vst v10  }
0x21c: {  	v10 =	vld.idx.msk [tilespmem:v17+s4+$0x0], $0xffff;
	[tilespmem:s7+$0x30] =	vst v11  }
0x21d: {  	v11 =	vld.idx.msk [tilespmem:v15+s4+$0x0], $0xffff;
	[tilespmem:s7+$0x50] =	vst v12  }
0x21e: {  	v12 =	vld.idx.msk [tilespmem:v13+s4+$0x0], $0xffff;
	[tilespmem:s7+$0x70] =	vst v20  }
0x21f: {  	v13 =	vld.idx.msk [tilespmem:v14+s4+$0x0], $0xffff;
	[tilespmem:s7+$0x60] =	vst v19  }
0x220: {  	[tilespmem:s7+$0x80] =	vst v16  }
0x221: {  	[tilespmem:s7+$0x90] =	vst v10  }
0x222: {  	[tilespmem:s7+$0xA0] =	vst v11  }
0x223: {  	[tilespmem:s3+$0x11480] =	vst v12  }
0x224: {  	[tilespmem:s3+$0x11500] =	vst v13  }
0x225: {  	_ =	swait.ge [sflag:s0], $0x4000  }
0x226: {  	[sflag:s0] =	ssyncset.done $0x0  }
0x227: {  	[sflag:s0] =	ssyncadd.s32 $0xFFFFC000  }
0x228: {  	s7 =	simm.s32 $0x17B80;
	[bflag:$0x0] =	sbarrier.arrive $0xFFFF  }
0x229: {  	[tilespmem:s7], [sflag:$0x9] =	stream.linear.gather [spmem:s11], $0x400, $0x38;
	[tilespmem:$0x1D978] =	vst v63  }
0x22a: {  	_ =	swait.ge [sflag:s19], $0x400  }
0x22b: {  	[sflag:s19] =	ssyncset.done $0x0  }
0x22c: {  	[sflag:s19] =	ssyncadd.s32 $0xFFFFFC00  }
0x22d: {  	_ =	swait.ge [sflag:s18], $0x400  }
0x22e: {  	[sflag:s18] =	ssyncset.done $0x0  }
0x22f: {  	[sflag:s18] =	ssyncadd.s32 $0xFFFFFC00  }
0x230: {  	v11 =	vld [tilespmem:$0x17B80]  }
0x231: {  	v12 =	vld [tilespmem:$0x17F80]  }
0x232: {  	v17 =	vld [tilespmem:$0x17B90]  }
0x233: {  	v18 =	vld [tilespmem:$0x17F90]  }
0x234: {  	v21 =	vld [tilespmem:$0x17BA0]  }
0x235: {  	v22 =	vld [tilespmem:$0x17FA0]  }
0x236: {  	v23 =	vld [tilespmem:$0x17BB0]  }
0x237: {  	v24 =	vld [tilespmem:$0x17FB0]  }
0x238: {  	v25 =	vld [tilespmem:$0x17BC0]  }
0x239: {  	v26 =	vld [tilespmem:$0x17FC0]  }
0x23a: {  	v27 =	vld [tilespmem:$0x17BD0]  }
0x23b: {  	v28 =	vld [tilespmem:$0x17FD0]  }
0x23c: {  	v29 =	vld [tilespmem:$0x17BE0]  }
0x23d: {  	v30 =	vld [tilespmem:$0x17FE0]  }
0x23e: {  	v31 =	vld [tilespmem:$0x17BF0]  }
0x23f: {  	v32 =	vld [tilespmem:$0x17FF0]  }
0x240: {  	v33 =	vld [tilespmem:$0x17C00]  }
0x241: {  	v34 =	vld [tilespmem:$0x18000]  }
0x242: {  	v35 =	vld [tilespmem:$0x17C10]  }
0x243: {  	v36 =	vld [tilespmem:$0x18010]  }
0x244: {  	v37 =	vld [tilespmem:$0x17C20]  }
0x245: {  	v38 =	vld [tilespmem:$0x18020]  }
0x246: {  	v39 =	vld [tilespmem:$0x17C30]  }
0x247: {  	v40 =	vld [tilespmem:$0x18030]  }
0x248: {  	v41 =	vld [tilespmem:$0x17C40]  }
0x249: {  	v42 =	vld [tilespmem:$0x18040]  }
0x24a: {  	v43 =	vld [tilespmem:$0x17C50]  }
0x24b: {  	v44 =	vld [tilespmem:$0x18050]  }
0x24c: {  	v45 =	vld [tilespmem:$0x17C60]  }
0x24d: {  	v46 =	vld [tilespmem:$0x18060]  }
0x24e: {  	v47 =	vld [tilespmem:$0x17C70]  }
0x24f: {  	v48 =	vld [tilespmem:$0x18070]  }
0x250: {  	v49 =	vld [tilespmem:$0x17C80]  }
0x251: {  	v50 =	vld [tilespmem:$0x18080]  }
0x252: {  	v51 =	vld [tilespmem:$0x17C90]  }
0x253: {  	v52 =	vld [tilespmem:$0x18090]  }
0x254: {  	v53 =	vld [tilespmem:$0x17CA0]  }
0x255: {  	v54 =	vld [tilespmem:$0x180A0]  }
0x256: {  	v55 =	vld [tilespmem:$0x17CB0]  }
0x257: {  	v56 =	vld [tilespmem:$0x180B0]  }
0x258: {  	v57 =	vld [tilespmem:$0x17CC0]  }
0x259: {  	v58 =	vld [tilespmem:$0x180C0]  }
0x25a: {  	v59 =	vld [tilespmem:$0x17CD0]  }
0x25b: {  	v60 =	vld [tilespmem:$0x180D0]  }
0x25c: {  	v61 =	vld [tilespmem:$0x17CE0]  }
0x25d: {  	v62 =	vld [tilespmem:$0x180E0]  }
0x25e: {  	v63 =	vld [tilespmem:$0x17CF0]  }
0x25f: {  	v0 =	vld [tilespmem:$0x180F0]  }
0x260: {  	v2 =	vld [tilespmem:$0x17D00]  }
0x261: {  	v3 =	vld [tilespmem:$0x18100]  }
0x262: {  	v4 =	vld [tilespmem:$0x17D10]  }
0x263: {  	v5 =	vld [tilespmem:$0x18110]  }
0x264: {  	v6 =	vld [tilespmem:$0x17D20]  }
0x265: {  	v7 =	vld [tilespmem:$0x18120]  }
0x266: {  	v20 =	vld [tilespmem:$0x18160]  }
0x267: {  	v8 =	vld [tilespmem:$0x17D30]  }
0x268: {  	v10 =	vld [tilespmem:$0x18130]  }
0x269: {  	v13 =	vld [tilespmem:$0x17D40]  }
0x26a: {  	v14 =	vld [tilespmem:$0x18140];
	vm0 =	vgt.f32 v11, $0.0e+00  }
0x26b: {  	v15 =	vld [tilespmem:$0x17D50];
	[tilespmem:$0x1FF20] =	vst v20;
	vm1 =	vgt.f32 v17, $0.0e+00;
	v17 =	vsel vm0, $0x3F800000, v12  }
0x26c: {  	v20 =	vld [tilespmem:$0x17D70];
	vm14 =	vgt.f32 v21, $0.0e+00;
	v18 =	vsel vm1, $0x3F800000, v18;
	[tilespmem:$0x17B80] =	vst v17  }
0x26d: {  	v16 =	vld [tilespmem:$0x18150];
	vm15 =	vgt.f32 v23, $0.0e+00;
	v21 =	vsel vm14, $0x3F800000, v22;
	[tilespmem:$0x17B90] =	vst v18  }
0x26e: {  	v19 =	vld [tilespmem:$0x17D60];
	vm4 =	vgt.f32 v25, $0.0e+00;
	[tilespmem:$0x17BA0] =	vst v21;
	v21 =	vsel vm15, $0x3F800000, v24  }
0x26f: {  	v11 =	vld [tilespmem:$0x17DA0];
	[tilespmem:$0x17BB0] =	vst v21;
	v21 =	vsel vm4, $0x3F800000, v26  }
0x270: {  	vm5 =	vgt.f32 v27, $0.0e+00;
	v23 =	vld [tilespmem:$0x181C0];
	[tilespmem:$0x17BC0] =	vst v21  }
0x271: {  	vm6 =	vgt.f32 v29, $0.0e+00;
	v25 =	vld [tilespmem:$0x181D0];
	v21 =	vsel vm5, $0x3F800000, v28;
	[tilespmem:$0x1FF30] =	vst v20  }
0x272: {  	vm7 =	vgt.f32 v31, $0.0e+00;
	v20 =	vld [tilespmem:$0x18170];
	[tilespmem:$0x17BD0] =	vst v21;
	v21 =	vsel vm6, $0x3F800000, v30  }
0x273: {  	vm8 =	vgt.f32 v33, $0.0e+00;
	v27 =	vld [tilespmem:$0x181E0];
	[tilespmem:$0x17BE0] =	vst v21;
	v21 =	vsel vm7, $0x3F800000, v32  }
0x274: {  	vm9 =	vgt.f32 v35, $0.0e+00;
	v29 =	vld [tilespmem:$0x181F0];
	[tilespmem:$0x17BF0] =	vst v21;
	v21 =	vsel vm8, $0x3F800000, v34  }
0x275: {  	v31 =	vld [tilespmem:$0x18200];
	[tilespmem:$0x17C00] =	vst v21;
	v21 =	vsel vm9, $0x3F800000, v36  }
0x276: {  	vm10 =	vgt.f32 v37, $0.0e+00;
	v37 =	vld [tilespmem:$0x18320];
	[tilespmem:$0x17C10] =	vst v21  }
0x277: {  	vm11 =	vgt.f32 v39, $0.0e+00;
	v39 =	vld [tilespmem:$0x18330];
	v21 =	vsel vm10, $0x3F800000, v38;
	[tilespmem:$0x1FF40] =	vst v20  }
0x278: {  	vm12 =	vgt.f32 v41, $0.0e+00;
	v12 =	vld [tilespmem:$0x181A0];
	[tilespmem:$0x17C20] =	vst v21;
	v21 =	vsel vm11, $0x3F800000, v40  }
0x279: {  	v22 =	vld [tilespmem:$0x17DC0];
	vm11 =	vgt.f32 v63, $0.0e+00;
	[tilespmem:$0x17C30] =	vst v21;
	v21 =	vsel vm12, $0x3F800000, v42  }
0x27a: {  	vm13 =	vgt.f32 v43, $0.0e+00;
	vm14 =	vgt.f32 v45, $0.0e+00;
	v45 =	vld [tilespmem:$0x17E10];
	v0 =	vsel vm11, $0x3F800000, v0;
	[tilespmem:$0x17C40] =	vst v21  }
0x27b: {  	v20 =	vld [tilespmem:$0x17D80];
	vm12 =	vgt.f32 v2, $0.0e+00;
	v21 =	vsel vm13, $0x3F800000, v44;
	[tilespmem:$0x17CF0] =	vst v0  }
0x27c: {  	v17 =	vld [tilespmem:$0x17DB0];
	v0 =	vsel vm12, $0x3F800000, v3;
	[tilespmem:$0x17C50] =	vst v21  }
0x27d: {  	v18 =	vld [tilespmem:$0x181B0];
	vm13 =	vgt.f32 v4, $0.0e+00;
	v21 =	vsel vm14, $0x3F800000, v46;
	[tilespmem:$0x17D00] =	vst v0  }
0x27e: {  	v24 =	vld [tilespmem:$0x17DD0];
	v0 =	vsel vm13, $0x3F800000, v5;
	[tilespmem:$0x17C60] =	vst v21  }
0x27f: {  	vm15 =	vgt.f32 v47, $0.0e+00;
	v47 =	vld [tilespmem:$0x18210];
	[tilespmem:$0x17D10] =	vst v0  }
0x280: {  	v26 =	vld [tilespmem:$0x17DE0];
	vm14 =	vgt.f32 v6, $0.0e+00;
	v21 =	vsel vm15, $0x3F800000, v48;
	[tilespmem:$0x1FF50] =	vst v20  }
0x281: {  	vm4 =	vgt.f32 v49, $0.0e+00;
	v49 =	vld [tilespmem:$0x17E20];
	v0 =	vsel vm14, $0x3F800000, v7;
	[tilespmem:$0x17C70] =	vst v21  }
0x282: {  	v28 =	vld [tilespmem:$0x17DF0];
	vm15 =	vgt.f32 v8, $0.0e+00;
	v21 =	vsel vm4, $0x3F800000, v50;
	[tilespmem:$0x17D20] =	vst v0  }
0x283: {  	vm5 =	vgt.f32 v51, $0.0e+00;
	v51 =	vld [tilespmem:$0x18220];
	v0 =	vsel vm15, $0x3F800000, v10;
	vm4 =	vgt.f32 v13, $0.0e+00;
	[tilespmem:$0x17C80] =	vst v21  }
0x284: {  	v30 =	vld [tilespmem:$0x17E00];
	v21 =	vsel vm5, $0x3F800000, v52;
	[tilespmem:$0x17D30] =	vst v0;
	v0 =	vsel vm4, $0x3F800000, v14;
	vm5 =	vgt.f32 v15, $0.0e+00  }
0x285: {  	v20 =	vld [tilespmem:$0x18180];
	[tilespmem:$0x17D40] =	vst v0;
	v0 =	vsel vm5, $0x3F800000, v16  }
0x286: {  	[tilespmem:$0x17D50] =	vst v0;
	v0 =	vld [tilespmem:$0x1FF20]  }
0x287: {  	vm6 =	vgt.f32 v53, $0.0e+00;
	v53 =	vld [tilespmem:$0x17E30]  }
0x288: {  	vm7 =	vgt.f32 v55, $0.0e+00;
	v55 =	vld [tilespmem:$0x18230]  }
0x289: {  	vm8 =	vgt.f32 v57, $0.0e+00;
	v57 =	vld [tilespmem:$0x18240]  }
0x28a: {  	v10 =	vld [tilespmem:$0x1FF30];
	[tilespmem:$0x17C90] =	vst v21;
	v21 =	vsel vm6, $0x3F800000, v54;
	vm6 =	vgt.f32 v19, $0.0e+00  }
0x28b: {  	[tilespmem:$0x1FF60] =	vst v20;
	v20 =	vld [tilespmem:$0x17D90];
	v0 =	vsel vm6, $0x3F800000, v0  }
0x28c: {  	[tilespmem:$0x17D60] =	vst v0;
	v0 =	vld [tilespmem:$0x1FF40]  }
0x28d: {  	vm9 =	vgt.f32 v59, $0.0e+00;
	v59 =	vld [tilespmem:$0x18250]  }
0x28e: {  	v36 =	vld [tilespmem:$0x17F20]  }
0x28f: {  	vm10 =	vgt.f32 v61, $0.0e+00;
	v61 =	vld [tilespmem:$0x18270]  }
0x290: {  	v13 =	vld [tilespmem:$0x1FF50];
	[tilespmem:$0x17CA0] =	vst v21;
	v21 =	vsel vm7, $0x3F800000, v56;
	vm7 =	vgt.f32 v10, $0.0e+00  }
0x291: {  	[tilespmem:$0x1FF70] =	vst v20;
	v20 =	vld [tilespmem:$0x18190];
	v0 =	vsel vm7, $0x3F800000, v0  }
0x292: {  	[tilespmem:$0x17D70] =	vst v0;
	v0 =	vld [tilespmem:$0x1FF60]  }
0x293: {  	v38 =	vld [tilespmem:$0x17F30]  }
0x294: {  	v63 =	vld [tilespmem:$0x18280]  }
0x295: {  	v2 =	vld [tilespmem:$0x17E60]  }
0x296: {  	vm11 =	vgt.f32 v17, $0.0e+00;
	v17 =	vld [tilespmem:$0x17ED0];
	[tilespmem:$0x17CB0] =	vst v21;
	v21 =	vsel vm8, $0x3F800000, v58;
	vm8 =	vgt.f32 v13, $0.0e+00  }
0x297: {  	v14 =	vld [tilespmem:$0x1FF70];
	[tilespmem:$0x1FF80] =	vst v20;
	v0 =	vsel vm8, $0x3F800000, v0  }
0x298: {  	[tilespmem:$0x17D80] =	vst v0;
	v0 =	vld [tilespmem:$0x1FF80]  }
0x299: {  	v3 =	vld [tilespmem:$0x18260]  }
0x29a: {  	vm12 =	vgt.f32 v22, $0.0e+00;
	v22 =	vld [tilespmem:$0x182F0]  }
0x29b: {  	vm13 =	vgt.f32 v24, $0.0e+00;
	v24 =	vld [tilespmem:$0x18300];
	[tilespmem:$0x17CC0] =	vst v21;
	v21 =	vsel vm9, $0x3F800000, v60  }
0x29c: {  	v8 =	vld [tilespmem:$0x17E90];
	[tilespmem:$0x17CD0] =	vst v21;
	v21 =	vsel vm10, $0x3F800000, v62;
	vm9 =	vgt.f32 v14, $0.0e+00  }
0x29d: {  	v15 =	vld [tilespmem:$0x17EC0];
	vm10 =	vgt.f32 v11, $0.0e+00;
	[tilespmem:$0x17CE0] =	vst v21;
	v0 =	vsel vm9, $0x3F800000, v0  }
0x29e: {  	v16 =	vld [tilespmem:$0x182C0];
	[tilespmem:$0x17D90] =	vst v0;
	v0 =	vsel vm10, $0x3F800000, v12  }
0x29f: {  	v19 =	vld [tilespmem:$0x17EE0];
	[tilespmem:$0x17DA0] =	vst v0;
	v0 =	vsel vm11, $0x3F800000, v18  }
0x2a0: {  	v56 =	vld [tilespmem:$0x17E40];
	[tilespmem:$0x17DB0] =	vst v0;
	v0 =	vsel vm12, $0x3F800000, v23  }
0x2a1: {  	vm14 =	vgt.f32 v26, $0.0e+00;
	v58 =	vld [tilespmem:$0x17E50];
	[tilespmem:$0x17DC0] =	vst v0;
	v0 =	vsel vm13, $0x3F800000, v25  }
0x2a2: {  	vm15 =	vgt.f32 v28, $0.0e+00;
	v60 =	vld [tilespmem:$0x17E70];
	[tilespmem:$0x17DD0] =	vst v0;
	v0 =	vsel vm14, $0x3F800000, v27  }
0x2a3: {  	vm4 =	vgt.f32 v30, $0.0e+00;
	v10 =	vld [tilespmem:$0x18290];
	[tilespmem:$0x17DE0] =	vst v0;
	v0 =	vsel vm15, $0x3F800000, v29  }
0x2a4: {  	vm5 =	vgt.f32 v45, $0.0e+00;
	v62 =	vld [tilespmem:$0x17E80];
	[tilespmem:$0x17DF0] =	vst v0;
	v0 =	vsel vm4, $0x3F800000, v31  }
0x2a5: {  	v13 =	vld [tilespmem:$0x17EA0];
	vm6 =	vgt.f32 v49, $0.0e+00;
	[tilespmem:$0x17E00] =	vst v0;
	v0 =	vsel vm5, $0x3F800000, v47  }
0x2a6: {  	v11 =	vld [tilespmem:$0x17EB0];
	vm7 =	vgt.f32 v53, $0.0e+00;
	[tilespmem:$0x17E10] =	vst v0;
	v0 =	vsel vm6, $0x3F800000, v51  }
0x2a7: {  	v21 =	vld [tilespmem:$0x17EF0];
	vm8 =	vgt.f32 v56, $0.0e+00;
	[tilespmem:$0x17E20] =	vst v0;
	v0 =	vsel vm7, $0x3F800000, v55  }
0x2a8: {  	v20 =	vld [tilespmem:$0x182E0];
	vm9 =	vgt.f32 v58, $0.0e+00;
	[tilespmem:$0x17E30] =	vst v0;
	v0 =	vsel vm8, $0x3F800000, v57  }
0x2a9: {  	v14 =	vld [tilespmem:$0x182A0];
	vm10 =	vgt.f32 v2, $0.0e+00;
	[tilespmem:$0x17E40] =	vst v0;
	v0 =	vsel vm9, $0x3F800000, v59  }
0x2aa: {  	v12 =	vld [tilespmem:$0x182B0];
	vm11 =	vgt.f32 v60, $0.0e+00;
	[tilespmem:$0x17E50] =	vst v0;
	v0 =	vsel vm10, $0x3F800000, v3  }
0x2ab: {  	v2 =	vld [tilespmem:$0x17F10];
	vm12 =	vgt.f32 v62, $0.0e+00;
	[tilespmem:$0x17E60] =	vst v0;
	v0 =	vsel vm11, $0x3F800000, v61  }
0x2ac: {  	v18 =	vld [tilespmem:$0x182D0];
	vm13 =	vgt.f32 v8, $0.0e+00;
	[tilespmem:$0x17E70] =	vst v0;
	v0 =	vsel vm12, $0x3F800000, v63  }
0x2ad: {  	v23 =	vld [tilespmem:$0x17F00];
	vm14 =	vgt.f32 v13, $0.0e+00;
	[tilespmem:$0x17E80] =	vst v0;
	v0 =	vsel vm13, $0x3F800000, v10  }
0x2ae: {  	v8 =	vld [tilespmem:$0x17F40];
	vm15 =	vgt.f32 v11, $0.0e+00;
	[tilespmem:$0x17E90] =	vst v0;
	v0 =	vsel vm14, $0x3F800000, v14  }
0x2af: {  	v13 =	vld [tilespmem:$0x17F60];
	vm4 =	vgt.f32 v15, $0.0e+00;
	[tilespmem:$0x17EA0] =	vst v0;
	v0 =	vsel vm15, $0x3F800000, v12  }
0x2b0: {  	vm5 =	vgt.f32 v17, $0.0e+00;
	v3 =	vld [tilespmem:$0x18310];
	[tilespmem:$0x17EB0] =	vst v0;
	v0 =	vsel vm4, $0x3F800000, v16  }
0x2b1: {  	v11 =	vld [tilespmem:$0x17F50];
	vm6 =	vgt.f32 v19, $0.0e+00;
	[tilespmem:$0x17EC0] =	vst v0;
	v0 =	vsel vm5, $0x3F800000, v18  }
0x2b2: {  	vm7 =	vgt.f32 v21, $0.0e+00;
	vm9 =	vgt.f32 v2, $0.0e+00;
	v2 =	vld [tilespmem:$0x18360];
	[tilespmem:$0x17ED0] =	vst v0;
	v0 =	vsel vm6, $0x3F800000, v20  }
0x2b3: {  	vm8 =	vgt.f32 v23, $0.0e+00;
	v10 =	vld [tilespmem:$0x18340];
	[tilespmem:$0x17EE0] =	vst v0;
	v0 =	vsel vm7, $0x3F800000, v22  }
0x2b4: {  	v12 =	vld [tilespmem:$0x18350];
	[tilespmem:$0x17EF0] =	vst v0;
	v0 =	vsel vm8, $0x3F800000, v24  }
0x2b5: {  	vm10 =	vgt.f32 v36, $0.0e+00;
	[tilespmem:$0x17F00] =	vst v0;
	v0 =	vsel vm9, $0x3F800000, v3;
	v3 =	vld [tilespmem:$0x17F70]  }
0x2b6: {  	v40 =	vld [tilespmem:$0x18370];
	vm11 =	vgt.f32 v38, $0.0e+00;
	[tilespmem:$0x17F10] =	vst v0;
	v0 =	vsel vm10, $0x3F800000, v37  }
0x2b7: {  	vm12 =	vgt.f32 v8, $0.0e+00;
	[tilespmem:$0x17F20] =	vst v0;
	v0 =	vsel vm11, $0x3F800000, v39  }
0x2b8: {  	vm13 =	vgt.f32 v11, $0.0e+00;
	[tilespmem:$0x17F30] =	vst v0;
	v0 =	vsel vm12, $0x3F800000, v10  }
0x2b9: {  	vm14 =	vgt.f32 v13, $0.0e+00;
	[tilespmem:$0x17F40] =	vst v0;
	v0 =	vsel vm13, $0x3F800000, v12  }
0x2ba: {  	[tilespmem:$0x17F50] =	vst v0;
	v0 =	vsel vm14, $0x3F800000, v2;
	vm15 =	vgt.f32 v3, $0.0e+00  }
0x2bb: {  	[tilespmem:$0x17F60] =	vst v0;
	v0 =	vsel vm15, $0x3F800000, v40  }
0x2bc: {  	[tilespmem:$0x17F70] =	vst v0  }
0x2bd: {  	[spmem:s11] =	stream.linear.scatter [tilespmem:s7], [sflag:$0x9], $0x400, $0x38;
	[tilespmem:$0x1D978] =	vst v63  }
0x2be: {  	_ =	swait.ge [sflag:s19], $0x400  }
0x2bf: {  	[sflag:s19] =	ssyncset.done $0x0  }
0x2c0: {  	[sflag:s19] =	ssyncadd.s32 $0xFFFFFC00  }
0x2c1: {  	[bflag:$0x0] =	sbarrier.arrive $0xFFFF  }
0x2c2: {  	[tilespmem:s26], [sflag:$0x9] =	stream.linear.gather [spmem:s2], $0x4000, $0x38;
	[tilespmem:$0x1D978] =	vst v63  }
0x2c3: {  	_ =	swait.ge [sflag:s19], $0x4000  }
0x2c4: {  	[sflag:s19] =	ssyncset.done $0x0  }
0x2c5: {  	[sflag:s19] =	ssyncadd.s32 $0xFFFFC000  }
0x2c6: {  	s8 =	simm.s32 $0x114C0;
	v10 =	vld [tilespmem:s15+$0xC0]  }
0x2c7: {  	v18 =	vld [tilespmem:s8+$0xFFFFFFF0]  }
0x2c8: {  	v19 =	vld [tilespmem:s8+$0xFFFFFFE0]  }
0x2c9: {  	v0 =	vld [tilespmem:s15+$0xA0]  }
0x2ca: {  	s25 =	simm.s32 $0x0;
	s9 =	simm.s32 $0x80;
	v20 =	vld [tilespmem:s8+$0xFFFFFFD0]  }
0x2cb: {  	s10 =	sand.u32 $0x7F80, s9;
	s12 =	sand.u32 $0x70, s25;
	v2 =	vld [tilespmem:s15+$0x80]  }
0x2cc: {  	s30 =	sor.u32 s12, s10;
	v12 =	vld [tilespmem:s15+$0x90]  }
0x2cd: {  	v15 =	vld [tilespmem:s30+$0x11400]  }
0x2ce: {  	v3 =	vld [tilespmem:s15+$0x70]  }
0x2cf: {  	v41 =	vld [tilespmem:s8+$0x80]  }
0x2d0: {  	v11 =	vld [tilespmem:s8+$0x90]  }
0x2d1: {  	v14 =	vld [tilespmem:s8+$0xA0]  }
0x2d2: {  	v22 =	vld [tilespmem:s8+$0xFFFFFFB0]  }
0x2d3: {  	v13 =	vld [tilespmem:s8+$0xB0]  }
0x2d4: {  	v42 =	vld [tilespmem:s15+$0xB0]  }
0x2d5: {  	v21 =	vld [tilespmem:s15+$0xFFFFFFC0]  }
0x2d6: {  	v44 =	vld [tilespmem:s8+$0x70]  }
0x2d7: {  	v45 =	vld [tilespmem:s15+$0x60]  }
0x2d8: {  	v8 =	vld [tilespmem:s8+$0x60]  }
0x2d9: {  	v23 =	vld [tilespmem:s8+$0x50]  }
0x2da: {  	v24 =	vld [tilespmem:s15+$0x50]  }
0x2db: {  	v25 =	vld [tilespmem:s8+$0x30]  }
0x2dc: {  	v27 =	vld [tilespmem:s15+$0x30]  }
0x2dd: {  	v47 =	vld [tilespmem:s15+$0x20]  }
0x2de: {  	v48 =	vld [tilespmem:s15+$0xFFFFFFA0]  }
0x2df: {  	v50 =	vld [tilespmem:s15+$0x10]  }
0x2e0: {  	v55 =	vld [tilespmem:s15+$0xFFFFFFE0]  }
0x2e1: {  	v57 =	vld [tilespmem:s15+$0xFFFFFFB0];
	v43 =	vand.u32 $0xFFFFFF80, v41;
	v2 =	vshll.u32 v2, $0x7  }
0x2e2: {  	v59 =	vld [tilespmem:s8+$0xFFFFFFA0];
	v4 =	vand.u32 $0x7F, v41;
	v26 =	vand.u32 $0xFFFFFF80, v44;
	v3 =	vshll.u32 v3, $0x7  }
0x2e3: {  	v61 =	vld [tilespmem:s8+$0xFFFFFF90];
	v6 =	vand.u32 $0x7F, v44;
	v46 =	vand.u32 $0xFFFFFF80, v8;
	v7 =	vshll.u32 v45, $0x7  }
0x2e4: {  	v63 =	vld [tilespmem:s15+$0xFFFFFF90];
	v8 =	vand.u32 $0x7F, v8;
	v49 =	vand.u32 $0xFFFFFF80, v23;
	v24 =	vshll.u32 v24, $0x7  }
0x2e5: {  	v23 =	vand.u32 $0x7F, v23;
	v51 =	vand.u32 $0xFFFFFF80, v25;
	v27 =	vshll.u32 v27, $0x7;
	v41 =	vld [tilespmem:s8+$0xFFFFFF80]  }
0x2e6: {  	v0 =	vshll.u32 v0, $0x7;
	v52 =	vand.u32 $0xFFFFFF80, v14;
	v53 =	vand.u32 $0xFFFFFF80, v13;
	v44 =	vld [tilespmem:s8+$0xFFFFFF70]  }
0x2e7: {  	v5 =	vshll.u32 v42, $0x7;
	v29 =	vshll.u32 v50, $0x7;
	v31 =	vshll.u32 v57, $0x7;
	v57 =	vld [tilespmem:s15+$0xFFFFFF40]  }
0x2e8: {  	v60 =	vand.u32 $0xFFFFFF80, v18;
	v62 =	vand.u32 $0xFFFFFF80, v19;
	v3 =	vadd.s32 v3, v26;
	v26 =	vld [tilespmem:s8+$0x20]  }
0x2e9: {  	v33 =	vshll.u32 v55, $0x7;
	v40 =	vand.u32 $0xFFFFFF80, v20;
	v2 =	vadd.s32 v2, v43;
	v43 =	vld [tilespmem:s15+$0xFFFFFF80]  }
0x2ea: {  	v42 =	vand.u32 $0xFFFFFF80, v22;
	v45 =	vand.u32 $0xFFFFFF80, v59;
	v7 =	vadd.s32 v7, v46;
	v46 =	vld [tilespmem:s15+$0xFFFFFF70]  }
0x2eb: {  	v28 =	vshll.u32 v48, $0x7;
	v24 =	vadd.s32 v24, v49;
	v49 =	vld [tilespmem:s15+$0xFFFFFF60];
	v2 =	vor.u32 v4, v2  }
0x2ec: {  	v32 =	vand.u32 $0x7F, v59;
	v30 =	vshll.u32 v63, $0x7;
	v4 =	vld [tilespmem:s8+$0x0];
	v3 =	vor.u32 v6, v3  }
0x2ed: {  	v22 =	vand.u32 $0x7F, v22;
	v28 =	vadd.s32 v28, v45;
	v7 =	vor.u32 v8, v7;
	v8 =	vld [tilespmem:s8+$0x10]  }
0x2ee: {  	v23 =	vor.u32 v23, v24;
	v24 =	vand.u32 $0x7F, v25;
	v25 =	vadd.s32 v27, v51;
	v27 =	vld [tilespmem:s15+$0x0]  }
0x2ef: {  	v31 =	vadd.s32 v31, v42;
	v28 =	vor.u32 v32, v28;
	v24 =	vor.u32 v24, v25;
	v25 =	vld [tilespmem:s15+$0xFFFFFFF0]  }
0x2f0: {  	v50 =	vand.u32 $0x7F, v61;
	v21 =	vshll.u32 v21, $0x7;
	v22 =	vor.u32 v22, v31;
	v2 =	vld.idx.msk [tilespmem:v2+s26+$0x0], $0xffff  }
0x2f1: {  	v19 =	vand.u32 $0x7F, v19;
	v20 =	vand.u32 $0x7F, v20;
	v18 =	vand.u32 $0x7F, v18;
	v3 =	vld.idx.msk [tilespmem:v3+s26+$0x0], $0xffff  }
0x2f2: {  	v59 =	vand.u32 $0x7F, v14;
	v0 =	vadd.s32 v0, v52;
	v5 =	vadd.s32 v5, v53;
	v7 =	vld.idx.msk [tilespmem:v7+s26+$0x0], $0xffff  }
0x2f3: {  	v6 =	vshll.u32 v47, $0x7;
	v47 =	vand.u32 $0xFFFFFF80, v61;
	v0 =	vor.u32 v59, v0;
	v23 =	vld.idx.msk [tilespmem:v23+s26+$0x0], $0xffff  }
0x2f4: {  	v48 =	vadd.s32 v30, v47;
	v51 =	vand.u32 $0xFFFFFF80, v41;
	v54 =	vand.u32 $0xFFFFFF80, v26;
	v28 =	vld.idx.msk [tilespmem:v28+s26+$0x0], $0xffff  }
0x2f5: {  	s22 =	simm.s32 $0x1ABC0;
	v26 =	vand.u32 $0x7F, v26;
	v52 =	vshll.u32 v46, $0x7;
	v6 =	vadd.s32 v6, v54;
	v22 =	vld.idx.msk [tilespmem:v22+s26+$0x0], $0xffff  }
0x2f6: {  	v30 =	vshll.u32 v49, $0x7;
	v56 =	vand.u32 $0xFFFFFF80, v8;
	v24 =	vld.idx.msk [tilespmem:v24+s26+$0x0], $0xffff;
	v6 =	vor.u32 v26, v6;
	[tilespmem:s22+$0x80] =	vst v2  }
0x2f7: {  	v8 =	vand.u32 $0x7F, v8;
	v58 =	vand.u32 $0xFFFFFF80, v4;
	v26 =	vld [tilespmem:s15+$0xFFFFFFD0];
	v29 =	vadd.s32 v29, v56;
	[tilespmem:s22+$0x70] =	vst v3  }
0x2f8: {  	v53 =	vld [tilespmem:s15+$0xFFFFFF50];
	v27 =	vshll.u32 v27, $0x7;
	v54 =	vand.u32 $0x7F, v44;
	v8 =	vor.u32 v8, v29;
	[tilespmem:s22+$0x60] =	vst v7  }
0x2f9: {  	v25 =	vshll.u32 v25, $0x7;
	v27 =	vadd.s32 v27, v58;
	v29 =	vadd.s32 v33, v62;
	v2 =	vld [tilespmem:s8+$0xFFFFFF60];
	[tilespmem:s22+$0x50] =	vst v23  }
0x2fa: {  	v25 =	vadd.s32 v25, v60;
	v19 =	vor.u32 v19, v29;
	v3 =	vand.u32 $0x7F, v4;
	v23 =	vld [tilespmem:s8+$0xFFFFFF50];
	[tilespmem:s22+$0xFFFFFFA0] =	vst v28  }
0x2fb: {  	v4 =	vor.u32 v50, v48;
	[tilespmem:s22+$0xFFFFFFB0] =	vst v22;
	v6 =	vld.idx.msk [tilespmem:v6+s26+$0x0], $0xffff;
	v3 =	vor.u32 v3, v27;
	v27 =	vshll.u32 v43, $0x7  }
0x2fc: {  	s13 =	simm.s32 $0x100;
	s23 =	simm.s32 $0x18440;
	v26 =	vshll.u32 v26, $0x7;
	[tilespmem:s22+$0x30] =	vst v24;
	v24 =	vld [tilespmem:s8+$0xFFFFFF40];
	v7 =	vadd.s32 v27, v51;
	v27 =	vand.u32 $0x7F, v41  }
0x2fd: {  	s6 =	sand.u32 $0x7F80, s13;
	v56 =	vand.u32 $0xFFFFFF80, v15;
	[tilespmem:s23+$0x80] =	vst v9;
	v26 =	vadd.s32 v26, v40;
	v8 =	vld.idx.msk [tilespmem:v8+s26+$0x0], $0xffff;
	v7 =	vor.u32 v27, v7  }
0x2fe: {  	s31 =	sor.u32 s12, s6;
	v17 =	vld [tilespmem:s15+$0x40];
	[tilespmem:s23+$0x70] =	vst v9;
	v27 =	vand.u32 $0xFFFFFF80, v44;
	v26 =	vor.u32 v20, v26;
	v55 =	vand.u32 $0xFFFFFF80, v2  }
0x2ff: {  	v16 =	vld [tilespmem:s31+$0x11400];
	[tilespmem:s23+$0x60] =	vst v9;
	v20 =	vshll.u32 v53, $0x7;
	v2 =	vand.u32 $0x7F, v2;
	v30 =	vadd.s32 v30, v55  }
0x300: {  	[tilespmem:s23+$0x50] =	vst v9;
	v27 =	vadd.s32 v52, v27;
	v4 =	vld.idx.msk [tilespmem:v4+s26+$0x0], $0xffff;
	v58 =	vand.u32 $0xFFFFFF80, v23;
	v2 =	vor.u32 v2, v30  }
0x301: {  	v27 =	vor.u32 v54, v27;
	v23 =	vand.u32 $0x7F, v23;
	v3 =	vld.idx.msk [tilespmem:v3+s26+$0x0], $0xffff;
	[tilespmem:s22+$0x20] =	vst v6;
	v6 =	vadd.s32 v20, v58  }
0x302: {  	v20 =	vshll.u32 v57, $0x7;
	[tilespmem:s22+$0x10] =	vst v8;
	v8 =	vand.u32 $0xFFFFFF80, v24;
	v6 =	vor.u32 v23, v6;
	v7 =	vld.idx.msk [tilespmem:v7+s26+$0x0], $0xffff  }
0x303: {  	v18 =	vor.u32 v18, v25;
	[tilespmem:s23+$0xFFFFFFA0] =	vst v9;
	v23 =	vand.u32 $0x7F, v24;
	v8 =	vadd.s32 v20, v8;
	v25 =	vld.idx.msk [tilespmem:v26+s26+$0x0], $0xffff  }
0x304: {  	v15 =	vand.u32 $0x7F, v15;
	v21 =	vadd.s32 v21, v56;
	[tilespmem:s23+$0x30] =	vst v9;
	v8 =	vor.u32 v23, v8;
	v23 =	vld.idx.msk [tilespmem:v19+s26+$0x0], $0xffff  }
0x305: {  	[tilespmem:s23+$0x20] =	vst v9;
	v24 =	vld.idx.msk [tilespmem:v2+s26+$0x0], $0xffff;
	v2 =	vor.u32 v15, v21  }
0x306: {  	v14 =	vshll.u32 v17, $0x7;
	v61 =	vand.u32 $0x7F, v16;
	[tilespmem:s23+$0x10] =	vst v9;
	v20 =	vld.idx.msk [tilespmem:v27+s26+$0x0], $0xffff  }
0x307: {  	v60 =	vand.u32 $0x7F, v13;
	v62 =	vshll.u32 v12, $0x7;
	[tilespmem:s22+$0x0] =	vst v3;
	v3 =	vand.u32 $0xFFFFFF80, v16;
	v17 =	vld.idx.msk [tilespmem:v6+s26+$0x0], $0xffff  }
0x308: {  	s17 =	simm.s32 $0x180;
	v12 =	vand.u32 $0xFFFFFF80, v11;
	[tilespmem:s22+$0xFFFFFF90] =	vst v4;
	v4 =	vor.u32 v60, v5;
	v3 =	vadd.s32 v14, v3;
	v14 =	vld.idx.msk [tilespmem:v18+s26+$0x0], $0xffff  }
0x309: {  	s5 =	sand.u32 $0x7F80, s17;
	v63 =	vand.u32 $0x7F, v11;
	v5 =	vadd.s32 v62, v12;
	[tilespmem:s23+$0xFFFFFF90] =	vst v9;
	v18 =	vld.idx.msk [tilespmem:v0+s26+$0x0], $0xffff;
	v3 =	vor.u32 v61, v3  }
0x30a: {  	s3 =	sor.u32 s12, s5;
	[tilespmem:s23+$0x0] =	vst v9;
	v12 =	vld.idx.msk [tilespmem:v2+s26+$0x0], $0xffff;
	v2 =	vor.u32 v63, v5  }
0x30b: {  	v15 =	vld [tilespmem:s3+$0x11400];
	[tilespmem:s22+$0xFFFFFF80] =	vst v7  }
0x30c: {  	[tilespmem:s22+$0xFFFFFFD0] =	vst v25;
	v16 =	vld.idx.msk [tilespmem:v8+s26+$0x0], $0xffff  }
0x30d: {  	[tilespmem:s23+$0xFFFFFF80] =	vst v9;
	v13 =	vld.idx.msk [tilespmem:v4+s26+$0x0], $0xffff  }
0x30e: {  	s6 =	sadd.s32 $0x190, s15;
	[tilespmem:s30+$0x18380] =	vst v9;
	v11 =	vld.idx.msk [tilespmem:v3+s26+$0x0], $0xffff  }
0x30f: {  	s5 =	simm.s32 $0x1AD50;
	s7 =	simm.s32 $0x185D0;
	v10 =	vshll.u32 v10, $0x7;
	s8 =	simm.s32 $0x11650;
	[tilespmem:s31+$0x18380] =	vst v9;
	v21 =	vld.idx.msk [tilespmem:v2+s26+$0x0], $0xffff  }
.LBB2_14:
0x310: {  	s9 =	sadd.s32 $0x210, s25  }
0x311: {  	s10 =	sadd.s32 $0x310, s25;
	v0 =	vld [tilespmem:s6+$0xC0];
	[tilespmem:s23+$0xFFFFFFB0] =	vst v9;
	s17 =	smov.u32 s25;
	s25 =	sadd.s32 $0x190, s25  }
0x312: {  	s9 =	sand.u32 $0x7F80, s9;
	v19 =	vld [tilespmem:s8+$0xFFFFFFF0];
	s17 =	sadd.s32 $0x290, s17;
	s10 =	sand.u32 $0x7F80, s10;
	[tilespmem:s22+$0xFFFFFF70] =	vst v20  }
0x313: {  	s12 =	sand.u32 $0x70, s25;
	p2 =	slt.u32 s25, $0x2580;
	v20 =	vld [tilespmem:s8+$0xFFFFFFE0];
	s17 =	sand.u32 $0x7F80, s17;
	[tilespmem:s22+$0xA0] =	vst v18  }
0x314: {  	s13 =	sor.u32 s12, s9;
	s9 =	sor.u32 s12, s10;
	s17 =	sor.u32 s12, s17;
	v2 =	vld [tilespmem:s6+$0xA0];
	[tilespmem:s23+$0xFFFFFF70] =	vst v9;
	v3 =	vand.u32 $0xFFFFFF80, v15  }
0x315: {  	v4 =	vand.u32 $0x7F, v15;
	v22 =	vld [tilespmem:s8+$0xFFFFFFD0];
	[tilespmem:s30+$0x1AB00] =	vst v12;
	v3 =	vadd.s32 v10, v3;
	s30 =	smov.u32 s13  }
0x316: {  	v5 =	vld [tilespmem:s6+$0x80];
	v10 =	vshll.u32 v0, $0x7;
	[tilespmem:s22+$0x90] =	vst v21;
	v0 =	vor.u32 v4, v3  }
0x317: {  	v3 =	vld [tilespmem:s6+$0x90];
	[tilespmem:s22+$0xB0] =	vst v13  }
0x318: {  	v12 =	vld [tilespmem:s30+$0x11400];
	[tilespmem:s23+$0xB0] =	vst v9  }
0x319: {  	v4 =	vld [tilespmem:s6+$0x70];
	[tilespmem:s23+$0xFFFFFFD0] =	vst v9  }
0x31a: {  	v6 =	vld [tilespmem:s8+$0x80];
	[tilespmem:s31+$0x1AB00] =	vst v11;
	s31 =	smov.u32 s17  }
0x31b: {  	v11 =	vld [tilespmem:s8+$0x90];
	[tilespmem:s22+$0xFFFFFFE0] =	vst v23  }
0x31c: {  	v13 =	vld [tilespmem:s8+$0xA0];
	[tilespmem:s22+$0xFFFFFF60] =	vst v24  }
0x31d: {  	v24 =	vld [tilespmem:s8+$0xFFFFFFB0];
	[tilespmem:s22+$0xFFFFFFF0] =	vst v14  }
0x31e: {  	v14 =	vld [tilespmem:s8+$0xB0];
	[tilespmem:s22+$0xFFFFFF40] =	vst v16  }
0x31f: {  	v3 =	vshll.u32 v3, $0x7;
	v7 =	vld [tilespmem:s6+$0xB0];
	[tilespmem:s23+$0xFFFFFF60] =	vst v9  }
0x320: {  	v2 =	vshll.u32 v2, $0x7;
	v8 =	vld [tilespmem:s6+$0x40];
	v15 =	vand.u32 $0xFFFFFF80, v11;
	[tilespmem:s23+$0xFFFFFFF0] =	vst v9  }
0x321: {  	v5 =	vshll.u32 v5, $0x7;
	v16 =	vand.u32 $0xFFFFFF80, v6;
	v21 =	vld [tilespmem:s6+$0xFFFFFFC0];
	v18 =	vand.u32 $0xFFFFFF80, v13;
	[tilespmem:s22+$0xFFFFFF50] =	vst v17;
	s22 =	smov.u32 s5  }
0x322: {  	v6 =	vand.u32 $0x7F, v6;
	v5 =	vadd.s32 v5, v16;
	v17 =	vadd.s32 v2, v18;
	[tilespmem:s23+$0xFFFFFF50] =	vst v9;
	v0 =	vld.idx.msk [tilespmem:v0+s26+$0x0], $0xffff  }
0x323: {  	v15 =	vadd.s32 v3, v15;
	v2 =	vor.u32 v6, v5;
	v16 =	vld [tilespmem:s31+$0x11400];
	[tilespmem:s3+$0x18380] =	vst v9  }
0x324: {  	v3 =	vand.u32 $0xFFFFFF80, v14;
	v25 =	vld [tilespmem:s8+$0x0];
	v5 =	vshll.u32 v7, $0x7;
	[tilespmem:s23+$0xFFFFFF40] =	vst v9  }
0x325: {  	v6 =	vld [tilespmem:s8+$0x70];
	v18 =	vadd.s32 v5, v3;
	[tilespmem:s23+$0xFFFFFFE0] =	vst v9  }
0x326: {  	v3 =	vand.u32 $0xFFFFFF80, v12;
	v5 =	vshll.u32 v21, $0x7;
	v7 =	vld [tilespmem:s6+$0x60];
	[tilespmem:s23+$0x90] =	vst v9  }
0x327: {  	v23 =	vadd.s32 v5, v3;
	v3 =	vld [tilespmem:s8+$0x60];
	[tilespmem:s23+$0xA0] =	vst v9;
	s23 =	smov.u32 s7  }
0x328: {  	v8 =	vshll.u32 v8, $0x7;
	v5 =	vand.u32 $0xFFFFFF80, v16;
	v2 =	vld.idx.msk [tilespmem:v2+s26+$0x0], $0xffff;
	[tilespmem:s3+$0x1AB00] =	vst v0;
	s3 =	smov.u32 s9  }
0x329: {  	v21 =	vadd.s32 v8, v5;
	v0 =	vld [tilespmem:s8+$0x50]  }
0x32a: {  	v5 =	vld [tilespmem:s6+$0x50]  }
0x32b: {  	v4 =	vshll.u32 v4, $0x7;
	v26 =	vand.u32 $0xFFFFFF80, v6;
	v8 =	vld [tilespmem:s8+$0x30]  }
0x32c: {  	v6 =	vand.u32 $0x7F, v6;
	v4 =	vadd.s32 v4, v26;
	v27 =	vld [tilespmem:s6+$0x30]  }
0x32d: {  	v7 =	vshll.u32 v7, $0x7;
	v28 =	vand.u32 $0xFFFFFF80, v3;
	v4 =	vor.u32 v6, v4;
	v26 =	vld [tilespmem:s8+$0x20]  }
0x32e: {  	v3 =	vand.u32 $0x7F, v3;
	v7 =	vadd.s32 v7, v28;
	v6 =	vld [tilespmem:s6+$0x20];
	[tilespmem:s5+$0x80] =	vst v2  }
0x32f: {  	v28 =	vand.u32 $0xFFFFFF80, v0;
	v3 =	vor.u32 v3, v7;
	v2 =	vld [tilespmem:s6+$0xFFFFFFA0];
	v5 =	vshll.u32 v5, $0x7;
	[tilespmem:s7+$0x80] =	vst v9  }
0x330: {  	v0 =	vand.u32 $0x7F, v0;
	v7 =	vld [tilespmem:s8+$0x10];
	v5 =	vadd.s32 v5, v28  }
0x331: {  	v29 =	vand.u32 $0xFFFFFF80, v8;
	v28 =	vld [tilespmem:s6+$0x10];
	v27 =	vshll.u32 v27, $0x7;
	v0 =	vor.u32 v0, v5  }
0x332: {  	v5 =	vand.u32 $0x7F, v8;
	v8 =	vadd.s32 v27, v29;
	v4 =	vld.idx.msk [tilespmem:v4+s26+$0x0], $0xffff  }
0x333: {  	v29 =	vand.u32 $0xFFFFFF80, v26;
	v27 =	vld [tilespmem:s6+$0x0];
	v6 =	vshll.u32 v6, $0x7;
	v5 =	vor.u32 v5, v8  }
0x334: {  	v8 =	vand.u32 $0x7F, v26;
	v6 =	vadd.s32 v6, v29;
	v3 =	vld.idx.msk [tilespmem:v3+s26+$0x0], $0xffff  }
0x335: {  	v26 =	vld [tilespmem:s6+$0xFFFFFFF0];
	v6 =	vor.u32 v8, v6  }
0x336: {  	v8 =	vand.u32 $0xFFFFFF80, v7;
	v28 =	vshll.u32 v28, $0x7;
	v0 =	vld.idx.msk [tilespmem:v0+s26+$0x0], $0xffff  }
0x337: {  	v7 =	vand.u32 $0x7F, v7;
	v29 =	vld [tilespmem:s6+$0xFFFFFFE0];
	v8 =	vadd.s32 v28, v8  }
0x338: {  	v28 =	vand.u32 $0xFFFFFF80, v25;
	v27 =	vshll.u32 v27, $0x7;
	v7 =	vor.u32 v7, v8;
	v5 =	vld.idx.msk [tilespmem:v5+s26+$0x0], $0xffff;
	[tilespmem:s5+$0x70] =	vst v4  }
0x339: {  	v4 =	vld [tilespmem:s6+$0xFFFFFFD0];
	v8 =	vadd.s32 v27, v28;
	[tilespmem:s7+$0x70] =	vst v9  }
0x33a: {  	v27 =	vand.u32 $0xFFFFFF80, v19;
	v26 =	vshll.u32 v26, $0x7;
	v6 =	vld.idx.msk [tilespmem:v6+s26+$0x0], $0xffff;
	[tilespmem:s5+$0x60] =	vst v3  }
0x33b: {  	v3 =	vld [tilespmem:s6+$0xFFFFFFB0];
	v26 =	vadd.s32 v26, v27;
	[tilespmem:s7+$0x60] =	vst v9  }
0x33c: {  	v28 =	vand.u32 $0xFFFFFF80, v20;
	v27 =	vld [tilespmem:s8+$0xFFFFFFA0];
	v29 =	vshll.u32 v29, $0x7;
	[tilespmem:s5+$0x50] =	vst v0  }
0x33d: {  	v0 =	vadd.s32 v29, v28;
	v7 =	vld.idx.msk [tilespmem:v7+s26+$0x0], $0xffff;
	[tilespmem:s7+$0x50] =	vst v9  }
0x33e: {  	v29 =	vand.u32 $0xFFFFFF80, v22;
	v28 =	vld [tilespmem:s8+$0xFFFFFF90];
	v4 =	vshll.u32 v4, $0x7;
	[tilespmem:s5+$0x30] =	vst v5  }
0x33f: {  	v5 =	vld [tilespmem:s6+$0xFFFFFF90];
	v4 =	vadd.s32 v4, v29;
	[tilespmem:s7+$0x30] =	vst v9  }
0x340: {  	v30 =	vand.u32 $0xFFFFFF80, v24;
	v29 =	vld [tilespmem:s8+$0xFFFFFF80];
	v3 =	vshll.u32 v3, $0x7;
	[tilespmem:s5+$0x20] =	vst v6  }
0x341: {  	v20 =	vand.u32 $0x7F, v20;
	v19 =	vand.u32 $0x7F, v19;
	v6 =	vld [tilespmem:s6+$0xFFFFFF80];
	v3 =	vadd.s32 v3, v30;
	[tilespmem:s7+$0x20] =	vst v9  }
0x342: {  	v2 =	vshll.u32 v2, $0x7;
	v22 =	vand.u32 $0x7F, v22;
	v31 =	vand.u32 $0xFFFFFF80, v27;
	v30 =	vld [tilespmem:s8+$0xFFFFFF70]  }
0x343: {  	v25 =	vand.u32 $0x7F, v25;
	v27 =	vand.u32 $0x7F, v27;
	v2 =	vadd.s32 v2, v31;
	v32 =	vld [tilespmem:s6+$0xFFFFFF70];
	[tilespmem:s5+$0x10] =	vst v7  }
0x344: {  	v31 =	vand.u32 $0xFFFFFF80, v28;
	v2 =	vor.u32 v27, v2;
	v7 =	vld [tilespmem:s8+$0xFFFFFF60];
	v5 =	vshll.u32 v5, $0x7;
	[tilespmem:s7+$0x10] =	vst v9  }
0x345: {  	v8 =	vor.u32 v25, v8;
	v28 =	vand.u32 $0x7F, v28;
	v27 =	vld [tilespmem:s6+$0xFFFFFF60];
	v5 =	vadd.s32 v5, v31  }
0x346: {  	v31 =	vand.u32 $0xFFFFFF80, v29;
	v25 =	vld [tilespmem:s8+$0xFFFFFF50];
	v6 =	vshll.u32 v6, $0x7;
	v5 =	vor.u32 v28, v5  }
0x347: {  	v24 =	vand.u32 $0x7F, v24;
	v29 =	vand.u32 $0x7F, v29;
	v28 =	vld [tilespmem:s6+$0xFFFFFF50];
	v6 =	vadd.s32 v6, v31  }
0x348: {  	v33 =	vand.u32 $0xFFFFFF80, v30;
	v31 =	vld [tilespmem:s8+$0xFFFFFF40];
	v32 =	vshll.u32 v32, $0x7;
	v6 =	vor.u32 v29, v6  }
0x349: {  	v3 =	vor.u32 v24, v3;
	v30 =	vand.u32 $0x7F, v30;
	v29 =	vld [tilespmem:s6+$0xFFFFFF40];
	v32 =	vadd.s32 v32, v33  }
0x34a: {  	v24 =	vand.u32 $0xFFFFFF80, v7;
	v27 =	vshll.u32 v27, $0x7;
	v30 =	vor.u32 v30, v32;
	v8 =	vld.idx.msk [tilespmem:v8+s26+$0x0], $0xffff  }
0x34b: {  	v4 =	vor.u32 v22, v4;
	v7 =	vand.u32 $0x7F, v7;
	v24 =	vadd.s32 v27, v24;
	v5 =	vld.idx.msk [tilespmem:v5+s26+$0x0], $0xffff  }
0x34c: {  	v22 =	vand.u32 $0xFFFFFF80, v25;
	v27 =	vshll.u32 v28, $0x7;
	v7 =	vor.u32 v7, v24;
	v2 =	vld.idx.msk [tilespmem:v2+s26+$0x0], $0xffff  }
0x34d: {  	v0 =	vor.u32 v20, v0;
	v24 =	vand.u32 $0x7F, v25;
	v22 =	vadd.s32 v27, v22;
	v6 =	vld.idx.msk [tilespmem:v6+s26+$0x0], $0xffff  }
0x34e: {  	v20 =	vand.u32 $0xFFFFFF80, v31;
	v25 =	vshll.u32 v29, $0x7;
	v22 =	vor.u32 v24, v22;
	v3 =	vld.idx.msk [tilespmem:v3+s26+$0x0], $0xffff  }
0x34f: {  	v19 =	vor.u32 v19, v26;
	v24 =	vand.u32 $0x7F, v31;
	v25 =	vadd.s32 v25, v20;
	v20 =	vld.idx.msk [tilespmem:v30+s26+$0x0], $0xffff  }
0x350: {  	v12 =	vand.u32 $0x7F, v12;
	v25 =	vor.u32 v24, v25;
	v4 =	vld.idx.msk [tilespmem:v4+s26+$0x0], $0xffff;
	[tilespmem:s5+$0x0] =	vst v8  }
0x351: {  	v24 =	vld.idx.msk [tilespmem:v7+s26+$0x0], $0xffff;
	[tilespmem:s5+$0xFFFFFF90] =	vst v5;
	v5 =	vor.u32 v12, v23;
	v7 =	vand.u32 $0x7F, v13  }
0x352: {  	v23 =	vld.idx.msk [tilespmem:v0+s26+$0x0], $0xffff;
	[tilespmem:s7+$0x0] =	vst v9;
	v0 =	vor.u32 v7, v17;
	v7 =	vand.u32 $0x7F, v14  }
0x353: {  	v8 =	vand.u32 $0x7F, v16;
	v17 =	vld.idx.msk [tilespmem:v22+s26+$0x0], $0xffff;
	[tilespmem:s7+$0xFFFFFF90] =	vst v9;
	v7 =	vor.u32 v7, v18  }
0x354: {  	[tilespmem:s5+$0xFFFFFFA0] =	vst v2;
	v14 =	vld.idx.msk [tilespmem:v19+s26+$0x0], $0xffff;
	v2 =	vor.u32 v8, v21  }
0x355: {  	v8 =	vand.u32 $0x7F, v11;
	v16 =	vld.idx.msk [tilespmem:v25+s26+$0x0], $0xffff;
	[tilespmem:s7+$0xFFFFFFA0] =	vst v9  }
0x356: {  	[tilespmem:s5+$0xFFFFFF80] =	vst v6;
	v12 =	vld.idx.msk [tilespmem:v5+s26+$0x0], $0xffff;
	v5 =	vor.u32 v8, v15  }
.Ltmp6:
0x357: {  	[tilespmem:s30+$0x18380] =	vst v9;
	v18 =	vld.idx.msk [tilespmem:v0+s26+$0x0], $0xffff;
	(pc) =	sbr.rel @p2 .LBB2_14-.Ltmp6, $4  }
0x358: {  	[tilespmem:s7+$0xFFFFFF80] =	vst v9;
	v13 =	vld.idx.msk [tilespmem:v7+s26+$0x0], $0xffff  }
0x359: {  	[tilespmem:s5+$0xFFFFFFD0] =	vst v4;
	v11 =	vld.idx.msk [tilespmem:v2+s26+$0x0], $0xffff  }
0x35a: {  	s5 =	sadd.s32 $0x190, s5;
	[tilespmem:s31+$0x18380] =	vst v9;
	v15 =	vld [tilespmem:s3+$0x11400]  }
0x35b: {  	s8 =	sadd.s32 $0x190, s8;
	s6 =	sadd.s32 $0x190, s6;
	s7 =	sadd.s32 $0x190, s7;
	[tilespmem:s22+$0xFFFFFFB0] =	vst v3;
	v21 =	vld.idx.msk [tilespmem:v5+s26+$0x0], $0xffff  }
0x35c: {  	[tilespmem:s23+$0xFFFFFFB0] =	vst v9  }
0x35d: {  	[tilespmem:s22+$0xFFFFFF70] =	vst v20  }
0x35e: {  	[tilespmem:s22+$0xA0] =	vst v18  }
0x35f: {  	[tilespmem:s30+$0x1AB00] =	vst v12  }
0x360: {  	[tilespmem:s23+$0xFFFFFFD0] =	vst v9  }
0x361: {  	[tilespmem:s22+$0xFFFFFFE0] =	vst v23  }
0x362: {  	[tilespmem:s22+$0xFFFFFF60] =	vst v24  }
0x363: {  	[tilespmem:s22+$0xFFFFFFF0] =	vst v14  }
0x364: {  	[tilespmem:s22+$0xFFFFFF40] =	vst v16  }
0x365: {  	[tilespmem:s22+$0xFFFFFF50] =	vst v17  }
0x366: {  	[tilespmem:s23+$0xFFFFFF70] =	vst v9  }
0x367: {  	[tilespmem:s22+$0xB0] =	vst v13;
	v0 =	vand.u32 $0xFFFFFF80, v15  }
0x368: {  	[tilespmem:s23+$0xFFFFFF60] =	vst v9;
	v2 =	vand.u32 $0x7F, v15;
	v0 =	vadd.s32 v10, v0  }
0x369: {  	[tilespmem:s23+$0xFFFFFFF0] =	vst v9;
	v0 =	vor.u32 v2, v0  }
0x36a: {  	[tilespmem:s23+$0xFFFFFF50] =	vst v9  }
0x36b: {  	[tilespmem:s23+$0xFFFFFF40] =	vst v9  }
0x36c: {  	[tilespmem:s23+$0xFFFFFFE0] =	vst v9  }
0x36d: {  	[tilespmem:s23+$0xA0] =	vst v9  }
0x36e: {  	[tilespmem:s23+$0xB0] =	vst v9;
	v0 =	vld.idx.msk [tilespmem:v0+s26+$0x0], $0xffff  }
0x36f: {  	[tilespmem:s31+$0x1AB00] =	vst v11  }
0x370: {  	[tilespmem:s22+$0x90] =	vst v21  }
0x371: {  	[tilespmem:s23+$0x90] =	vst v9  }
0x372: {  	[tilespmem:s3+$0x18380] =	vst v9  }
0x373: {  	[tilespmem:s3+$0x1AB00] =	vst v0  }
0x374: {  	s5 =	simm.s32 $0x18380;
	s3 =	rddreg [dreg:$0xf]  }
0x375: {  	[hbm4b:s3+s4] =	stream.linear.scatter [tilespmem:s5], [sflag:$0x9], $0x2710, $0x38;
	[tilespmem:$0x1D978] =	vst v63  }
0x376: {  	s24 =	sadd.s32 $0x1, s24;
	_ =	swait.ge [sflag:s19], $0x2710  }
0x377: {  	p2 =	sne.s32 s24, s14;
	s31 =	simm.s32 $0x1AB00;
	[sflag:s19] =	ssyncset.done $0x0  }
.Ltmp7:
0x378: {  	s30 =	rddreg [dreg:$0x10];
	[sflag:s19] =	ssyncadd.s32 $0xFFFFD8F0;
	(pc) =	sbr.rel @p2 .LBB2_1-.Ltmp7, $4  }
0x379: {  	[hbm4b:s30+s4] =	stream.linear.scatter [tilespmem:s31], [sflag:$0x9], $0x2710, $0x38;
	[tilespmem:$0x1D978] =	vst v63  }
0x37a: {  	_ =	swait.ge [sflag:s19], $0x2710  }
0x37b: {  	[sflag:s19] =	ssyncset.done $0x0  }
0x37c: {  	[sflag:s19] =	ssyncadd.s32 $0xFFFFD8F0  }
0x37d: {  	_ =	sfence.sel $0x180000  }
0x37e: {  	[bflag:$0x0] =	sbarrier.arrive $0xFFFF  }
0x37f: {  	_ =	strace $0x90000047  }
0x380: {  	[bflag:$0x2] =	sbarrier.arrive $0xFFFF  }
0x381: {  	s0 =	rddreg [dreg:$0x8]  }
0x382: {  	s0 =	sadd.s32 @!p0 $0x100000, s0  }
0x383: {  	[sflag:s0] =	ssyncadd.tile.s32 @!p0 $0x1;
	_ =	shalt  }
.Lfunc_end2:
_tile_overlayer_lowered:
.L_overlay_start_2:
0x384: {  	(tag) =	ssettag $0x2  }
0x385: {  	s0 =	rddreg [dreg:$0x0];
	s2 =	stileid.u32  }
0x386: {  	s1 =	rddreg [dreg:$0x1];
	p0 =	sne.s32 s2, $0x0  }
0x387: {  	s3 =	rddreg [dreg:$0x2];
	[bflag:$0x3] =	sbarrier.arrive $0xFFFF;
	s2 =	simm.s32 @!p0 $0x1C09  }
0x388: {  	[timem:s3], [sflag:s2] =	dma.local @!p0 [hbm:s0], s1  }
0x389: {  	s0 =	simm.s32 @!p0 $0x9  }
0x38a: {  	_ =	swait.ge @!p0 [sflag:s0], s1  }
0x38b: {  	s1 =	ssub.s32 @!p0 $0x0, s1;
	[sflag:s0] =	ssyncset.done @!p0 $0x0  }
0x38c: {  	[sflag:s0] =	ssyncadd.s32 @!p0 s1  }
0x38d: {  	[bflag:$0x3] =	sbarrier.arrive $0xFFFF  }
0x38e: {  	_ =	shalt  }

</sc_bundles>
